<compile_context>
chip_gen: v7x
topology: tpu7x:2x2x1
jax: 0.10.2.dev20260603
libtpu: 0.0.44.dev20260713+nightly
codegen_flags: <defaults>
</compile_context>

<pallas_src>
import functools

import jax
import jax.numpy as jnp
from jax import lax
from jax.experimental import pallas as pl
from jax.experimental.pallas import tpu as pltpu
from jax.experimental.pallas import tpu_sc as plsc

N = 10000
E = 320000
R = 8
D = 128

NC = 2
NS = 16
NW = NC * NS

NPAD = 10240
APAD = NPAD * R
ST_LEN = N * 16
EPW = E // NW
EC = 2000
NCHUNK = EPW // EC
EROWS = E // 128

_HI = jax.lax.Precision.HIGHEST


def _tc_pre_body(h_ref, w_ref, aw_ref, ab_ref, st_ref, hs_ref):
    a1 = aw_ref[0:D, :]
    a2 = aw_ref[D:2 * D, :]
    cols = []
    for r in range(R):
        cols.append(jnp.dot(w_ref[r], a1, precision=_HI,
                            preferred_element_type=jnp.float32))
    for r in range(R):
        cols.append(jnp.dot(w_ref[r], a2, precision=_HI,
                            preferred_element_type=jnp.float32))
    w16 = jnp.concatenate(cols, axis=1)

    h_blk = h_ref[...]
    st = jnp.dot(h_blk, w16, precision=_HI,
                 preferred_element_type=jnp.float32)
    lane = lax.broadcasted_iota(jnp.int32, (1, 16), 1)
    st_ref[...] = st + jnp.where(lane < 8, ab_ref[0, 0], 0.0)

    hs_ref[...] = jnp.sum(h_blk, axis=0, keepdims=True)


def _tc_pre(h_node, weight, a_W, a_b):
    return pl.pallas_call(
        _tc_pre_body,
        grid=(1,),
        in_specs=[
            pl.BlockSpec((N, D), lambda i: (0, 0)),
            pl.BlockSpec((R, D, D), lambda i: (0, 0, 0)),
            pl.BlockSpec((2 * D, 1), lambda i: (0, 0)),
            pl.BlockSpec((1, 1), lambda i: (0, 0)),
        ],
        out_specs=[
            pl.BlockSpec((N, 16), lambda i: (0, 0)),
            pl.BlockSpec((1, D), lambda i: (0, 0)),
        ],
        out_shape=[
            jax.ShapeDtypeStruct((N, 16), jnp.float32),
            jax.ShapeDtypeStruct((1, D), jnp.float32),
        ],
    )(h_node, weight, a_W, a_b)


def _sc1_body(st_hbm, src_hbm, dst_hbm, rel_hbm,
              den_out, ex_out,
              st_sp, den_sp,
              srcb0, srcb1, srcb2, srcb3, dstb0, dstb1, dstb2, dstb3,
              relb0, relb1, relb2, relb3, i1b0, i1b1, i2b0, i2b1,
              g1b0, g1b1, g2b0, g2b1, exb0, exb1,
              zb, stage,
              sin0, sin1, sin2, sin3, sg0, sg1, so0, so1):
    cid = lax.axis_index("c")
    sid = lax.axis_index("s")
    wid = sid * NC + cid

    sin = [sin0, sin1, sin2, sin3]
    sg = [sg0, sg1]
    so = [so0, so1]
    srcb = [srcb0, srcb1, srcb2, srcb3]
    dstb = [dstb0, dstb1, dstb2, dstb3]
    relb = [relb0, relb1, relb2, relb3]
    i1b = [i1b0, i1b1]
    i2b = [i2b0, i2b1]
    g1b = [g1b0, g1b1]
    g2b = [g2b0, g2b1]
    exb = [exb0, exb1]

    stw = ST_LEN // NS
    pltpu.sync_copy(st_hbm.at[pl.ds(sid * stw, stw)], stage)
    pltpu.sync_copy(stage, st_sp.at[pl.ds(sid * stw, stw)])

    def _zb(j, _):
        zb[pl.ds(j * 16, 16)] = jnp.zeros((16,), jnp.float32)
        return 0
    lax.fori_loop(0, (NPAD // NS) // 16, _zb, 0)
    pltpu.sync_copy(zb, den_sp.at[pl.ds(sid * (NPAD // NS), NPAD // NS)])
    plsc.subcore_barrier()

    base = wid * EPW

    def start_in(i):
        a = i % 4
        e0 = base + i * EC
        descs = [
            pltpu.make_async_copy(src_hbm.at[pl.ds(e0, EC)], srcb[a], sin[a]),
            pltpu.make_async_copy(dst_hbm.at[pl.ds(e0, EC)], dstb[a], sin[a]),
            pltpu.make_async_copy(rel_hbm.at[pl.ds(e0, EC)], relb[a], sin[a]),
        ]
        for d in descs:
            d.start()
        return descs

    def vec1(i):
        a = i % 4
        g = i % 2
        srcs, dsts, rels = srcb[a], dstb[a], relb[a]
        i1s, i2s = i1b[g], i2b[g]

        def body(j, _):
            sl = pl.ds(j * 16, 16)
            rv = rels[sl]
            i1s[sl] = srcs[sl] * 16 + rv
            i2s[sl] = dsts[sl] * 16 + (rv + 8)
            return 0
        lax.fori_loop(0, EC // 16, body, 0)

    def start_gather(i):
        g = i % 2
        descs = [pltpu.make_async_copy(st_sp.at[i1b[g]], g1b[g], sg[g]),
                 pltpu.make_async_copy(st_sp.at[i2b[g]], g2b[g], sg[g])]
        for d in descs:
            d.start()
        return descs

    def vec2(i):
        g = i % 2
        g1s, g2s, exs = g1b[g], g2b[g], exb[g]

        def body(j, _):
            sl = pl.ds(j * 16, 16)
            v = g1s[sl] + g2s[sl]
            v = jnp.maximum(v, 0.2 * v)
            exs[sl] = jnp.exp(v)
            return 0
        lax.fori_loop(0, EC // 16, body, 0)

    def do_out(i):
        g = i % 2
        a = i % 4
        e0 = base + i * EC
        pltpu.sync_copy(exb[g], ex_out.at[pl.ds(e0, EC)])
        pltpu.sync_copy(exb[g], den_sp.at[dstb[a]], add=True)

    pend_g = {}
    pend_in = {0: start_in(0), 1: start_in(1)}
    for i in range(NCHUNK):
        for d in pend_in.pop(i):
            d.wait()
        vec1(i)
        pend_g[i] = start_gather(i)
        if i >= 1:
            for d in pend_g.pop(i - 1):
                d.wait()
            vec2(i - 1)
            do_out(i - 1)
        if i + 2 < NCHUNK:
            pend_in[i + 2] = start_in(i + 2)

    last = NCHUNK - 1
    for d in pend_g.pop(last):
        d.wait()
    vec2(last)
    do_out(last)

    plsc.subcore_barrier()
    dw = NPAD // NS
    pltpu.sync_copy(den_sp.at[pl.ds(sid * dw, dw)], zb)
    pltpu.sync_copy(zb, den_out.at[cid, pl.ds(sid * dw, dw)])


def _sc_phase1(st_flat, src, dst, rel):
    mesh = plsc.VectorSubcoreMesh(core_axis_name="c", subcore_axis_name="s",
                                  num_cores=NC, num_subcores=NS)
    f = functools.partial(
        pl.kernel,
        out_type=(
            jax.ShapeDtypeStruct((NC, NPAD), jnp.float32),
            jax.ShapeDtypeStruct((E,), jnp.float32),
        ),
        mesh=mesh,
        scratch_types=[
            pltpu.VMEM_SHARED((ST_LEN,), jnp.float32),
            pltpu.VMEM_SHARED((NPAD,), jnp.float32),
        ] + [pltpu.VMEM((EC,), jnp.int32)] * 16 + [
            pltpu.VMEM((EC,), jnp.float32),
            pltpu.VMEM((EC,), jnp.float32),
            pltpu.VMEM((EC,), jnp.float32),
            pltpu.VMEM((EC,), jnp.float32),
            pltpu.VMEM((EC,), jnp.float32),
            pltpu.VMEM((EC,), jnp.float32),
            pltpu.VMEM((NPAD // NS,), jnp.float32),
            pltpu.VMEM((ST_LEN // NS,), jnp.float32),
        ] + [pltpu.SemaphoreType.DMA] * 8,
    )(_sc1_body)
    return f(st_flat, src, dst, rel)


def _sc2_body(ex_hbm, src_hbm, dst_hbm, rel_hbm, den_hbm,
              a_out,
              a_sp, den_sp,
              exb0, exb1, exb2, exb3, srcb0, srcb1, srcb2, srcb3,
              dstb0, dstb1, dstb2, dstb3, relb0, relb1, relb2, relb3,
              iab0, iab1, dgb0, dgb1, alb0, alb1,
              db0, db1, zb,
              sin0, sin1, sin2, sin3, sg0, sg1, so0, so1):
    cid = lax.axis_index("c")
    sid = lax.axis_index("s")
    wid = sid * NC + cid

    sin = [sin0, sin1, sin2, sin3]
    sg = [sg0, sg1]
    so = [so0, so1]
    exb = [exb0, exb1, exb2, exb3]
    srcb = [srcb0, srcb1, srcb2, srcb3]
    dstb = [dstb0, dstb1, dstb2, dstb3]
    relb = [relb0, relb1, relb2, relb3]
    iab = [iab0, iab1]
    dgb = [dgb0, dgb1]
    alb = [alb0, alb1]

    aw = APAD // NS

    def _zb(j, _):
        zb[pl.ds(j * 16, 16)] = jnp.zeros((16,), jnp.float32)
        return 0
    lax.fori_loop(0, aw // 16, _zb, 0)
    pltpu.sync_copy(zb, a_sp.at[pl.ds(sid * aw, aw)])

    dw = NPAD // NS
    pltpu.sync_copy(den_hbm.at[0, pl.ds(sid * dw, dw)], db0)
    pltpu.sync_copy(den_hbm.at[1, pl.ds(sid * dw, dw)], db1)

    def _dsum(j, _):
        db0[pl.ds(j * 16, 16)] = (db0[pl.ds(j * 16, 16)]
                                  + db1[pl.ds(j * 16, 16)])
        return 0
    lax.fori_loop(0, dw // 16, _dsum, 0)
    pltpu.sync_copy(db0, den_sp.at[pl.ds(sid * dw, dw)])
    plsc.subcore_barrier()

    base = wid * EPW

    def start_in(i):
        a = i % 4
        e0 = base + i * EC
        descs = [
            pltpu.make_async_copy(ex_hbm.at[pl.ds(e0, EC)], exb[a], sin[a]),
            pltpu.make_async_copy(src_hbm.at[pl.ds(e0, EC)], srcb[a], sin[a]),
            pltpu.make_async_copy(dst_hbm.at[pl.ds(e0, EC)], dstb[a], sin[a]),
            pltpu.make_async_copy(rel_hbm.at[pl.ds(e0, EC)], relb[a], sin[a]),
        ]
        for d in descs:
            d.start()
        return descs

    def start_dg(i):
        a = i % 4
        g = i % 2
        d = pltpu.make_async_copy(den_sp.at[dstb[a]], dgb[g], sg[g])
        d.start()
        return [d]

    def vec(i):
        a = i % 4
        g = i % 2
        dgs, als, exs = dgb[g], alb[g], exb[a]
        srcs, rels, ias = srcb[a], relb[a], iab[g]

        def body(j, _):
            sl = pl.ds(j * 16, 16)
            den = jnp.maximum(dgs[sl], 1e-12)
            als[sl] = exs[sl] / den
            ias[sl] = srcs[sl] * 8 + rels[sl]
            return 0
        lax.fori_loop(0, EC // 16, body, 0)

    def do_out(i):
        g = i % 2
        pltpu.sync_copy(alb[g], a_sp.at[iab[g]], add=True)

    pend_g = {}
    pend_in = {0: start_in(0), 1: start_in(1)}
    for i in range(NCHUNK):
        for d in pend_in.pop(i):
            d.wait()
        pend_g[i] = start_dg(i)
        if i >= 1:
            for d in pend_g.pop(i - 1):
                d.wait()
            vec(i - 1)
            do_out(i - 1)
        if i + 2 < NCHUNK:
            pend_in[i + 2] = start_in(i + 2)

    last = NCHUNK - 1
    for d in pend_g.pop(last):
        d.wait()
    vec(last)
    do_out(last)

    plsc.subcore_barrier()
    pltpu.sync_copy(a_sp.at[pl.ds(sid * aw, aw)], zb)
    pltpu.sync_copy(zb, a_out.at[cid, pl.ds(sid * aw, aw)])


def _sc_phase2(ex, src, dst, rel, den2):
    mesh = plsc.VectorSubcoreMesh(core_axis_name="c", subcore_axis_name="s",
                                  num_cores=NC, num_subcores=NS)
    f = functools.partial(
        pl.kernel,
        out_type=jax.ShapeDtypeStruct((NC, APAD), jnp.float32),
        mesh=mesh,
        scratch_types=[
            pltpu.VMEM_SHARED((APAD,), jnp.float32),
            pltpu.VMEM_SHARED((NPAD,), jnp.float32),
        ] + [pltpu.VMEM((EC,), jnp.float32)] * 4
          + [pltpu.VMEM((EC,), jnp.int32)] * 12
          + [pltpu.VMEM((EC,), jnp.int32)] * 2
          + [pltpu.VMEM((EC,), jnp.float32)] * 4 + [
            pltpu.VMEM((NPAD // NS,), jnp.float32),
            pltpu.VMEM((NPAD // NS,), jnp.float32),
            pltpu.VMEM((APAD // NS,), jnp.float32),
        ] + [pltpu.SemaphoreType.DMA] * 8,
    )(_sc2_body)
    return f(ex, src, dst, rel, den2)


def _tc_post_body(a_ref, h_ref, w_ref, lw_ref, hs_ref, u_ref, gw_ref, gb_ref,
                  out_ref, v_ref):
    i = pl.program_id(0)
    nb = pl.num_programs(0)

    a_blk = a_ref[0] + a_ref[1]
    h_blk = h_ref[...]
    prod = lax.dot_general(a_blk, h_blk, (((0,), (0,)), ((), ())),
                           precision=_HI,
                           preferred_element_type=jnp.float32)

    @pl.when(i == 0)
    def _():
        v_ref[...] = prod

    @pl.when(i > 0)
    def _():
        v_ref[...] = v_ref[...] + prod

    @pl.when(i == nb - 1)
    def _():
        v = v_ref[...]
        s_agg = jnp.zeros((1, D), jnp.float32)
        for r in range(R):
            s_agg = s_agg + jnp.dot(v[r:r + 1, :], w_ref[r], precision=_HI,
                                    preferred_element_type=jnp.float32)
        s_loop = jnp.dot(hs_ref[...], lw_ref[...], precision=_HI,
                         preferred_element_type=jnp.float32)
        sum_h = s_agg + s_loop
        z = (jnp.dot(u_ref[...], gw_ref[0:D, :], precision=_HI,
                     preferred_element_type=jnp.float32)
             + jnp.dot(sum_h, gw_ref[D:2 * D, :], precision=_HI,
                       preferred_element_type=jnp.float32)
             + gb_ref[...])
        out_ref[...] = jnp.maximum(z, 0.0)


def _tc_post(a2, h_node, weight, loop_weight, h_sum, u, gW, gb):
    nb = 10
    blk = N // nb
    return pl.pallas_call(
        _tc_post_body,
        grid=(nb,),
        in_specs=[
            pl.BlockSpec((2, blk, 8), lambda i: (0, i, 0)),
            pl.BlockSpec((blk, D), lambda i: (i, 0)),
            pl.BlockSpec((R, D, D), lambda i: (0, 0, 0)),
            pl.BlockSpec((D, D), lambda i: (0, 0)),
            pl.BlockSpec((1, D), lambda i: (0, 0)),
            pl.BlockSpec((1, D), lambda i: (0, 0)),
            pl.BlockSpec((2 * D, D), lambda i: (0, 0)),
            pl.BlockSpec((1, D), lambda i: (0, 0)),
        ],
        out_specs=pl.BlockSpec((1, D), lambda i: (0, 0)),
        out_shape=jax.ShapeDtypeStruct((1, D), jnp.float32),
        scratch_shapes=[pltpu.VMEM((R, D), jnp.float32)],
    )(a2, h_node, weight, loop_weight, h_sum, u, gW, gb)


def kernel(h_node, edge_index, rel_type, u, weight, loop_weight,
           apply_node_W, apply_node_b, apply_global_W, apply_global_b,
           a_W, a_b):
    del apply_node_W, apply_node_b
    src = edge_index[0]
    dst = edge_index[1]
    st, h_sum = _tc_pre(h_node, weight, a_W, a_b.reshape(1, 1))

    den2, ex = _sc_phase1(st.reshape(-1), src, dst, rel_type)
    a2 = _sc_phase2(ex, src, dst, rel_type, den2)
    a2r = a2[:, :N * R].reshape(NC, N, R)

    return _tc_post(a2r, h_node, weight, loop_weight, h_sum, u,
                    apply_global_W, apply_global_b.reshape(1, D))

# --- scband reference (transcript-rebuilt; emitter-appended) ---
"""Pipeline reference for scband-rgcnlayer-29403346108690 (READ-ONLY COPY).

The authoritative reference and input builder live on the scoring server;
editing this copy changes nothing except your own understanding.
"""

import jax, jax.numpy as jnp
import numpy as np

N, E, R = 10000, 320000, 8
DIN, DOUT, DG = 128, 128, 128

def setup_inputs(seed: int = 0) -> dict:
    key = jax.random.key(seed)
    ks = jax.random.split(key, 12)
    h_node = jax.random.normal(ks[0], (N, DIN), dtype=jnp.float32)
    edge_index = jax.random.randint(ks[1], (2, E), 0, N, dtype=jnp.int32)
    rel_type = jax.random.randint(ks[2], (E,), 0, R, dtype=jnp.int32)
    u = jax.random.normal(ks[3], (1, DG), dtype=jnp.float32)
    s = float(np.sqrt(2.0 / (DIN + DOUT)))
    weight = jax.random.normal(ks[4], (R, DIN, DOUT), dtype=jnp.float32) * s
    loop_weight = jax.random.normal(ks[5], (DIN, DOUT), dtype=jnp.float32) * s
    apply_node_W = jax.random.normal(ks[6], (DOUT, DOUT), dtype=jnp.float32) * float(1.0 / np.sqrt(DOUT))
    apply_node_b = jnp.zeros((DOUT,), dtype=jnp.float32)
    apply_global_W = jax.random.normal(ks[7], (DG + DOUT, DG), dtype=jnp.float32) * float(1.0 / np.sqrt(DG + DOUT))
    apply_global_b = jnp.zeros((DG,), dtype=jnp.float32)
    a_W = jax.random.normal(ks[8], (2 * DOUT, 1), dtype=jnp.float32) * float(1.0 / np.sqrt(2 * DOUT))
    a_b = jnp.zeros((1,), dtype=jnp.float32)
    return dict(h_node=h_node, edge_index=edge_index, rel_type=rel_type, u=u,
                weight=weight, loop_weight=loop_weight,
                apply_node_W=apply_node_W, apply_node_b=apply_node_b,
                apply_global_W=apply_global_W, apply_global_b=apply_global_b,
                a_W=a_W, a_b=a_b)


def reference(h_node, edge_index, rel_type, u, weight, loop_weight,
              apply_node_W, apply_node_b, apply_global_W, apply_global_b,
              a_W, a_b):
    src = edge_index[0]
    dst = edge_index[1]
    n_nodes = h_node.shape[0]
    # per-relation transform of all nodes: equivalent to per-edge bmm(h_src, weight[rel])
    hW = jnp.einsum('nd,rdo->rno', h_node, weight)  # [R, N, DOUT]
    h_src = hW[rel_type, src]  # [E, DOUT] gather
    h_dst = hW[rel_type, dst]  # [E, DOUT] gather
    # self-attention edge scores
    e = jnp.concatenate([h_src, h_dst], axis=1) @ a_W + a_b  # [E, 1]
    e = jax.nn.leaky_relu(e, negative_slope=0.2)[:, 0]
    # segment softmax over incoming edges per dst node (matches F.softmax over mailbox dim)
    m = jax.ops.segment_max(e, dst, num_segments=n_nodes)
    m = jnp.where(jnp.isfinite(m), m, 0.0)
    ex = jnp.exp(e - m[dst])
    denom = jax.ops.segment_sum(ex, dst, num_segments=n_nodes)
    alpha = ex / jnp.maximum(denom[dst], 1e-12)
    agg = jax.ops.segment_sum(alpha[:, None] * h_src, dst, num_segments=n_nodes)  # [N, DOUT]
    # self-loop (dropout is identity in eval mode)
    loop_message = h_node @ loop_weight
    h = agg + loop_message
    # global readout (single graph -> dgl.sum_nodes == sum over all nodes)
    sum_node_feats = jnp.sum(h, axis=0, keepdims=True)  # [1, DOUT]
    u_out = jnp.concatenate([u, sum_node_feats], axis=1)
    u_out = jax.nn.relu(u_out @ apply_global_W + apply_global_b)  # [1, DG]
    # node update (stored back in g.ndata in the original; computed here for faithfulness)
    n_out = jax.nn.relu(h @ apply_node_W + apply_node_b)
    del n_out
    return u_out

if __name__ == "__main__":
    import jax
    _d = setup_inputs()
    print(jax.jit(kernel)(*tuple(_d.values())))

</pallas_src>

<mosaic_0001>
#map = affine_map<(d0, d1) -> (0)>
#map1 = affine_map<(d0, d1) -> (0, 0)>
module attributes {stable_mosaic.version = 14 : i64} {
  func.func @_sc2_body(%arg0: i32, %arg1: i32, %arg2: memref<320000xf32, #tpu.memory_space<hbm>>, %arg3: memref<320000xi32, #tpu.memory_space<hbm>>, %arg4: memref<320000xi32, #tpu.memory_space<hbm>>, %arg5: memref<320000xi32, #tpu.memory_space<hbm>>, %arg6: memref<2x10240xf32, #tpu.memory_space<hbm>>, %arg7: memref<2x81920xf32, #tpu.memory_space<hbm>>, %arg8: memref<81920xf32, #tpu.memory_space<vmem_shared>>, %arg9: memref<10240xf32, #tpu.memory_space<vmem_shared>>, %arg10: memref<2000xf32, #tpu.memory_space<vmem>>, %arg11: memref<2000xf32, #tpu.memory_space<vmem>>, %arg12: memref<2000xf32, #tpu.memory_space<vmem>>, %arg13: memref<2000xf32, #tpu.memory_space<vmem>>, %arg14: memref<2000xi32, #tpu.memory_space<vmem>>, %arg15: memref<2000xi32, #tpu.memory_space<vmem>>, %arg16: memref<2000xi32, #tpu.memory_space<vmem>>, %arg17: memref<2000xi32, #tpu.memory_space<vmem>>, %arg18: memref<2000xi32, #tpu.memory_space<vmem>>, %arg19: memref<2000xi32, #tpu.memory_space<vmem>>, %arg20: memref<2000xi32, #tpu.memory_space<vmem>>, %arg21: memref<2000xi32, #tpu.memory_space<vmem>>, %arg22: memref<2000xi32, #tpu.memory_space<vmem>>, %arg23: memref<2000xi32, #tpu.memory_space<vmem>>, %arg24: memref<2000xi32, #tpu.memory_space<vmem>>, %arg25: memref<2000xi32, #tpu.memory_space<vmem>>, %arg26: memref<2000xi32, #tpu.memory_space<vmem>>, %arg27: memref<2000xi32, #tpu.memory_space<vmem>>, %arg28: memref<2000xf32, #tpu.memory_space<vmem>>, %arg29: memref<2000xf32, #tpu.memory_space<vmem>>, %arg30: memref<2000xf32, #tpu.memory_space<vmem>>, %arg31: memref<2000xf32, #tpu.memory_space<vmem>>, %arg32: memref<640xf32, #tpu.memory_space<vmem>>, %arg33: memref<640xf32, #tpu.memory_space<vmem>>, %arg34: memref<5120xf32, #tpu.memory_space<vmem>>, %arg35: memref<!tpu.dma_semaphore, #tpu.memory_space<semaphore_mem>>, %arg36: memref<!tpu.dma_semaphore, #tpu.memory_space<semaphore_mem>>, %arg37: memref<!tpu.dma_semaphore, #tpu.memory_space<semaphore_mem>>, %arg38: memref<!tpu.dma_semaphore, #tpu.memory_space<semaphore_mem>>, %arg39: memref<!tpu.dma_semaphore, #tpu.memory_space<semaphore_mem>>, %arg40: memref<!tpu.dma_semaphore, #tpu.memory_space<semaphore_mem>>, %arg41: memref<!tpu.dma_semaphore, #tpu.memory_space<semaphore_mem>>, %arg42: memref<!tpu.dma_semaphore, #tpu.memory_space<semaphore_mem>>) attributes {dimension_semantics = [#tpu.dimension_semantics<core_parallel>, #tpu.dimension_semantics<subcore_parallel>], iteration_bounds = array<i64: 2, 16>, scalar_prefetch = 0 : i64, scratch_operands = 35 : i64, tpu.core_type = #tpu.core_type<sc_vector_subcore>, window_params = [{transform_indices = #map}, {transform_indices = #map}, {transform_indices = #map}, {transform_indices = #map}, {transform_indices = #map1}, {transform_indices = #map1}]} {
    %mul3A = arith.constant 2 : i32
    %mul3A_0 = arith.muli %arg1, %mul3A : i32
    %add3A = arith.addi %mul3A_0, %arg0 : i32
    %scan3A = arith.constant 0 : i32
    %scan3A_1 = arith.constant 0 : i32
    %scan3A_2 = arith.constant 320 : i32
    %scan3A_3 = arith.addi %scan3A_1, %scan3A_2 : i32
    %scan3A_4 = arith.constant 1 : i32
    %scan3A_5 = scf.for %scan3A_173 = %scan3A_1 to %scan3A_3 step %scan3A_4 iter_args(%scan3A_174 = %scan3A) -> (i32)  : i32 {
      %broadcast_in_dim3A = arith.constant 0.000000e+00 : f32
      %broadcast_in_dim3A_175 = vector.broadcast %broadcast_in_dim3A : f32 to vector<16xf32>
      %mul3A_176 = arith.constant 16 : i32
      %mul3A_177 = arith.muli %scan3A_173, %mul3A_176 : i32
      %swap3A = arith.index_cast %mul3A_177 : i32 to index
      %swap3A_178 = tpu.vector_load %arg34[%swap3A] {strides = array<i32>} : memref<5120xf32, #tpu.memory_space<vmem>>, vector<16xf32>,
      %swap3A_179 = vector.shape_cast %swap3A_178 : vector<16xf32> to vector<16xf32>
      %swap3A_180 = vector.shape_cast %broadcast_in_dim3A_175 : vector<16xf32> to vector<16xf32>
      tpu.vector_store %arg34[%swap3A], %swap3A_180 {strides = array<i32>} : memref<5120xf32, #tpu.memory_space<vmem>>, vector<16xf32>,
      %scan3A_181 = arith.constant 0 : i32
      scf.yield %scan3A_181 : i32
    }
    %scan3A_6 = arith.constant 320 : i32
    %mul3A_7 = arith.constant 5120 : i32
    %mul3A_8 = arith.muli %arg1, %mul3A_7 : i32
    "tpu.region"() ({
      %run_scoped3A_173 = tpu.sem_alloc : memref<!tpu.dma_semaphore, #tpu.memory_space<semaphore_mem>>
      %dma_start3A_174 = tpu.memref_slice %arg8[%mul3A_8] : memref<81920xf32, #tpu.memory_space<vmem_shared>> -> memref<5120xf32, #tpu.memory_space<vmem_shared>>
      %dma_start3A_175 = tpu.memref_slice %arg8[%mul3A_8] : memref<81920xf32, #tpu.memory_space<vmem_shared>> -> memref<5120xf32, #tpu.memory_space<vmem_shared>>
      tpu.enqueue_dma source(%arg34 : memref<5120xf32, #tpu.memory_space<vmem>>) target(%dma_start3A_175 : memref<5120xf32, #tpu.memory_space<vmem_shared>>) target_semaphore(%run_scoped3A_173 : memref<!tpu.dma_semaphore, #tpu.memory_space<semaphore_mem>>)
      %dma_wait3A_176 = tpu.memref_slice %arg8[%mul3A_8] : memref<81920xf32, #tpu.memory_space<vmem_shared>> -> memref<5120xf32, #tpu.memory_space<vmem_shared>>
      %dma_wait3A_177 = tpu.memref_slice %arg8[%mul3A_8] : memref<81920xf32, #tpu.memory_space<vmem_shared>> -> memref<5120xf32, #tpu.memory_space<vmem_shared>>
      tpu.wait_dma2 semaphore(%run_scoped3A_173 : memref<!tpu.dma_semaphore, #tpu.memory_space<semaphore_mem>>) src(%arg34 : memref<5120xf32, #tpu.memory_space<vmem>>) dst(%dma_wait3A_177 : memref<5120xf32, #tpu.memory_space<vmem_shared>>)
      tpu.yield
    }) : () -> ()
    %mul3A_9 = arith.constant 640 : i32
    %mul3A_10 = arith.muli %arg1, %mul3A_9 : i32
    %run_scoped3A = arith.constant 0 : i32
    "tpu.region"() ({
      %run_scoped3A_173 = tpu.sem_alloc : memref<!tpu.dma_semaphore, #tpu.memory_space<semaphore_mem>>
      %dma_start3A_174 = tpu.memref_slice %arg6[%run_scoped3A, %mul3A_10] : memref<2x10240xf32, #tpu.memory_space<hbm>> -> memref<1x640xf32, #tpu.memory_space<hbm>>
      %dma_start3A_175 = tpu.memref_squeeze %dma_start3A_174 : memref<1x640xf32, #tpu.memory_space<hbm>> -> memref<640xf32, #tpu.memory_space<hbm>>
      %dma_start3A_176 = tpu.memref_slice %arg6[%run_scoped3A, %mul3A_10] : memref<2x10240xf32, #tpu.memory_space<hbm>> -> memref<1x640xf32, #tpu.memory_space<hbm>>
      %dma_start3A_177 = tpu.memref_squeeze %dma_start3A_176 : memref<1x640xf32, #tpu.memory_space<hbm>> -> memref<640xf32, #tpu.memory_space<hbm>>
      tpu.enqueue_dma source(%dma_start3A_177 : memref<640xf32, #tpu.memory_space<hbm>>) target(%arg32 : memref<640xf32, #tpu.memory_space<vmem>>) target_semaphore(%run_scoped3A_173 : memref<!tpu.dma_semaphore, #tpu.memory_space<semaphore_mem>>)
      %dma_wait3A_178 = tpu.memref_slice %arg6[%run_scoped3A, %mul3A_10] : memref<2x10240xf32, #tpu.memory_space<hbm>> -> memref<1x640xf32, #tpu.memory_space<hbm>>
      %dma_wait3A_179 = tpu.memref_squeeze %dma_wait3A_178 : memref<1x640xf32, #tpu.memory_space<hbm>> -> memref<640xf32, #tpu.memory_space<hbm>>
      %dma_wait3A_180 = tpu.memref_slice %arg6[%run_scoped3A, %mul3A_10] : memref<2x10240xf32, #tpu.memory_space<hbm>> -> memref<1x640xf32, #tpu.memory_space<hbm>>
      %dma_wait3A_181 = tpu.memref_squeeze %dma_wait3A_180 : memref<1x640xf32, #tpu.memory_space<hbm>> -> memref<640xf32, #tpu.memory_space<hbm>>
      tpu.wait_dma2 semaphore(%run_scoped3A_173 : memref<!tpu.dma_semaphore, #tpu.memory_space<semaphore_mem>>) src(%dma_wait3A_181 : memref<640xf32, #tpu.memory_space<hbm>>) dst(%arg32 : memref<640xf32, #tpu.memory_space<vmem>>)
      tpu.yield
    }) : () -> ()
    %mul3A_11 = arith.constant 640 : i32
    %mul3A_12 = arith.muli %arg1, %mul3A_11 : i32
    %run_scoped3A_13 = arith.constant 1 : i32
    "tpu.region"() ({
      %run_scoped3A_173 = tpu.sem_alloc : memref<!tpu.dma_semaphore, #tpu.memory_space<semaphore_mem>>
      %dma_start3A_174 = tpu.memref_slice %arg6[%run_scoped3A_13, %mul3A_12] : memref<2x10240xf32, #tpu.memory_space<hbm>> -> memref<1x640xf32, #tpu.memory_space<hbm>>
      %dma_start3A_175 = tpu.memref_squeeze %dma_start3A_174 : memref<1x640xf32, #tpu.memory_space<hbm>> -> memref<640xf32, #tpu.memory_space<hbm>>
      %dma_start3A_176 = tpu.memref_slice %arg6[%run_scoped3A_13, %mul3A_12] : memref<2x10240xf32, #tpu.memory_space<hbm>> -> memref<1x640xf32, #tpu.memory_space<hbm>>
      %dma_start3A_177 = tpu.memref_squeeze %dma_start3A_176 : memref<1x640xf32, #tpu.memory_space<hbm>> -> memref<640xf32, #tpu.memory_space<hbm>>
      tpu.enqueue_dma source(%dma_start3A_177 : memref<640xf32, #tpu.memory_space<hbm>>) target(%arg33 : memref<640xf32, #tpu.memory_space<vmem>>) target_semaphore(%run_scoped3A_173 : memref<!tpu.dma_semaphore, #tpu.memory_space<semaphore_mem>>)
      %dma_wait3A_178 = tpu.memref_slice %arg6[%run_scoped3A_13, %mul3A_12] : memref<2x10240xf32, #tpu.memory_space<hbm>> -> memref<1x640xf32, #tpu.memory_space<hbm>>
      %dma_wait3A_179 = tpu.memref_squeeze %dma_wait3A_178 : memref<1x640xf32, #tpu.memory_space<hbm>> -> memref<640xf32, #tpu.memory_space<hbm>>
      %dma_wait3A_180 = tpu.memref_slice %arg6[%run_scoped3A_13, %mul3A_12] : memref<2x10240xf32, #tpu.memory_space<hbm>> -> memref<1x640xf32, #tpu.memory_space<hbm>>
      %dma_wait3A_181 = tpu.memref_squeeze %dma_wait3A_180 : memref<1x640xf32, #tpu.memory_space<hbm>> -> memref<640xf32, #tpu.memory_space<hbm>>
      tpu.wait_dma2 semaphore(%run_scoped3A_173 : memref<!tpu.dma_semaphore, #tpu.memory_space<semaphore_mem>>) src(%dma_wait3A_181 : memref<640xf32, #tpu.memory_space<hbm>>) dst(%arg33 : memref<640xf32, #tpu.memory_space<vmem>>)
      tpu.yield
    }) : () -> ()
    %scan3A_14 = arith.constant 0 : i32
    %scan3A_15 = arith.constant 0 : i32
    %scan3A_16 = arith.constant 40 : i32
    %scan3A_17 = arith.addi %scan3A_15, %scan3A_16 : i32
    %scan3A_18 = arith.constant 1 : i32
    %scan3A_19 = scf.for %scan3A_173 = %scan3A_15 to %scan3A_17 step %scan3A_18 iter_args(%scan3A_174 = %scan3A_14) -> (i32)  : i32 {
      %mul3A_175 = arith.constant 16 : i32
      %mul3A_176 = arith.muli %scan3A_173, %mul3A_175 : i32
      %get3A = arith.index_cast %mul3A_176 : i32 to index
      %get3A_177 = tpu.vector_load %arg32[%get3A] {strides = array<i32>} : memref<640xf32, #tpu.memory_space<vmem>>, vector<16xf32>,
      %get3A_178 = vector.shape_cast %get3A_177 : vector<16xf32> to vector<16xf32>
      %mul3A_179 = arith.constant 16 : i32
      %mul3A_180 = arith.muli %scan3A_173, %mul3A_179 : i32
      %get3A_181 = arith.index_cast %mul3A_180 : i32 to index
      %get3A_182 = tpu.vector_load %arg33[%get3A_181] {strides = array<i32>} : memref<640xf32, #tpu.memory_space<vmem>>, vector<16xf32>,
      %get3A_183 = vector.shape_cast %get3A_182 : vector<16xf32> to vector<16xf32>
      %add3A_184 = arith.addf %get3A_178, %get3A_183 : vector<16xf32>
      %mul3A_185 = arith.constant 16 : i32
      %mul3A_186 = arith.muli %scan3A_173, %mul3A_185 : i32
      %swap3A = arith.index_cast %mul3A_186 : i32 to index
      %swap3A_187 = tpu.vector_load %arg32[%swap3A] {strides = array<i32>} : memref<640xf32, #tpu.memory_space<vmem>>, vector<16xf32>,
      %swap3A_188 = vector.shape_cast %swap3A_187 : vector<16xf32> to vector<16xf32>
      %swap3A_189 = vector.shape_cast %add3A_184 : vector<16xf32> to vector<16xf32>
      tpu.vector_store %arg32[%swap3A], %swap3A_189 {strides = array<i32>} : memref<640xf32, #tpu.memory_space<vmem>>, vector<16xf32>,
      %scan3A_190 = arith.constant 0 : i32
      scf.yield %scan3A_190 : i32
    }
    %scan3A_20 = arith.constant 40 : i32
    %mul3A_21 = arith.constant 640 : i32
    %mul3A_22 = arith.muli %arg1, %mul3A_21 : i32
    "tpu.region"() ({
      %run_scoped3A_173 = tpu.sem_alloc : memref<!tpu.dma_semaphore, #tpu.memory_space<semaphore_mem>>
      %dma_start3A_174 = tpu.memref_slice %arg9[%mul3A_22] : memref<10240xf32, #tpu.memory_space<vmem_shared>> -> memref<640xf32, #tpu.memory_space<vmem_shared>>
      %dma_start3A_175 = tpu.memref_slice %arg9[%mul3A_22] : memref<10240xf32, #tpu.memory_space<vmem_shared>> -> memref<640xf32, #tpu.memory_space<vmem_shared>>
      tpu.enqueue_dma source(%arg32 : memref<640xf32, #tpu.memory_space<vmem>>) target(%dma_start3A_175 : memref<640xf32, #tpu.memory_space<vmem_shared>>) target_semaphore(%run_scoped3A_173 : memref<!tpu.dma_semaphore, #tpu.memory_space<semaphore_mem>>)
      %dma_wait3A_176 = tpu.memref_slice %arg9[%mul3A_22] : memref<10240xf32, #tpu.memory_space<vmem_shared>> -> memref<640xf32, #tpu.memory_space<vmem_shared>>
      %dma_wait3A_177 = tpu.memref_slice %arg9[%mul3A_22] : memref<10240xf32, #tpu.memory_space<vmem_shared>> -> memref<640xf32, #tpu.memory_space<vmem_shared>>
      tpu.wait_dma2 semaphore(%run_scoped3A_173 : memref<!tpu.dma_semaphore, #tpu.memory_space<semaphore_mem>>) src(%arg32 : memref<640xf32, #tpu.memory_space<vmem>>) dst(%dma_wait3A_177 : memref<640xf32, #tpu.memory_space<vmem_shared>>)
      tpu.yield
    }) : () -> ()
    %barrier3A = arith.constant 0 : index
    tpu.barrier barrier_id(%barrier3A)
    %mul3A_23 = arith.constant 10000 : i32
    %mul3A_24 = arith.muli %add3A, %mul3A_23 : i32
    %add3A_25 = arith.constant 0 : i32
    %add3A_26 = arith.addi %mul3A_24, %add3A_25 : i32
    %dma_start3A = tpu.memref_slice %arg2[%add3A_26] : memref<320000xf32, #tpu.memory_space<hbm>> -> memref<2000xf32, #tpu.memory_space<hbm>>
    %dma_start3A_27 = tpu.memref_slice %arg2[%add3A_26] : memref<320000xf32, #tpu.memory_space<hbm>> -> memref<2000xf32, #tpu.memory_space<hbm>>
    tpu.enqueue_dma source(%dma_start3A_27 : memref<2000xf32, #tpu.memory_space<hbm>>) target(%arg10 : memref<2000xf32, #tpu.memory_space<vmem>>) target_semaphore(%arg35 : memref<!tpu.dma_semaphore, #tpu.memory_space<semaphore_mem>>)
    %dma_start3A_28 = tpu.memref_slice %arg3[%add3A_26] : memref<320000xi32, #tpu.memory_space<hbm>> -> memref<2000xi32, #tpu.memory_space<hbm>>
    %dma_start3A_29 = tpu.memref_slice %arg3[%add3A_26] : memref<320000xi32, #tpu.memory_space<hbm>> -> memref<2000xi32, #tpu.memory_space<hbm>>
    tpu.enqueue_dma source(%dma_start3A_29 : memref<2000xi32, #tpu.memory_space<hbm>>) target(%arg14 : memref<2000xi32, #tpu.memory_space<vmem>>) target_semaphore(%arg35 : memref<!tpu.dma_semaphore, #tpu.memory_space<semaphore_mem>>)
    %dma_start3A_30 = tpu.memref_slice %arg4[%add3A_26] : memref<320000xi32, #tpu.memory_space<hbm>> -> memref<2000xi32, #tpu.memory_space<hbm>>
    %dma_start3A_31 = tpu.memref_slice %arg4[%add3A_26] : memref<320000xi32, #tpu.memory_space<hbm>> -> memref<2000xi32, #tpu.memory_space<hbm>>
    tpu.enqueue_dma source(%dma_start3A_31 : memref<2000xi32, #tpu.memory_space<hbm>>) target(%arg18 : memref<2000xi32, #tpu.memory_space<vmem>>) target_semaphore(%arg35 : memref<!tpu.dma_semaphore, #tpu.memory_space<semaphore_mem>>)
    %dma_start3A_32 = tpu.memref_slice %arg5[%add3A_26] : memref<320000xi32, #tpu.memory_space<hbm>> -> memref<2000xi32, #tpu.memory_space<hbm>>
    %dma_start3A_33 = tpu.memref_slice %arg5[%add3A_26] : memref<320000xi32, #tpu.memory_space<hbm>> -> memref<2000xi32, #tpu.memory_space<hbm>>
    tpu.enqueue_dma source(%dma_start3A_33 : memref<2000xi32, #tpu.memory_space<hbm>>) target(%arg22 : memref<2000xi32, #tpu.memory_space<vmem>>) target_semaphore(%arg35 : memref<!tpu.dma_semaphore, #tpu.memory_space<semaphore_mem>>)
    %add3A_34 = arith.constant 2000 : i32
    %add3A_35 = arith.addi %mul3A_24, %add3A_34 : i32
    %dma_start3A_36 = tpu.memref_slice %arg2[%add3A_35] : memref<320000xf32, #tpu.memory_space<hbm>> -> memref<2000xf32, #tpu.memory_space<hbm>>
    %dma_start3A_37 = tpu.memref_slice %arg2[%add3A_35] : memref<320000xf32, #tpu.memory_space<hbm>> -> memref<2000xf32, #tpu.memory_space<hbm>>
    tpu.enqueue_dma source(%dma_start3A_37 : memref<2000xf32, #tpu.memory_space<hbm>>) target(%arg11 : memref<2000xf32, #tpu.memory_space<vmem>>) target_semaphore(%arg36 : memref<!tpu.dma_semaphore, #tpu.memory_space<semaphore_mem>>)
    %dma_start3A_38 = tpu.memref_slice %arg3[%add3A_35] : memref<320000xi32, #tpu.memory_space<hbm>> -> memref<2000xi32, #tpu.memory_space<hbm>>
    %dma_start3A_39 = tpu.memref_slice %arg3[%add3A_35] : memref<320000xi32, #tpu.memory_space<hbm>> -> memref<2000xi32, #tpu.memory_space<hbm>>
    tpu.enqueue_dma source(%dma_start3A_39 : memref<2000xi32, #tpu.memory_space<hbm>>) target(%arg15 : memref<2000xi32, #tpu.memory_space<vmem>>) target_semaphore(%arg36 : memref<!tpu.dma_semaphore, #tpu.memory_space<semaphore_mem>>)
    %dma_start3A_40 = tpu.memref_slice %arg4[%add3A_35] : memref<320000xi32, #tpu.memory_space<hbm>> -> memref<2000xi32, #tpu.memory_space<hbm>>
    %dma_start3A_41 = tpu.memref_slice %arg4[%add3A_35] : memref<320000xi32, #tpu.memory_space<hbm>> -> memref<2000xi32, #tpu.memory_space<hbm>>
    tpu.enqueue_dma source(%dma_start3A_41 : memref<2000xi32, #tpu.memory_space<hbm>>) target(%arg19 : memref<2000xi32, #tpu.memory_space<vmem>>) target_semaphore(%arg36 : memref<!tpu.dma_semaphore, #tpu.memory_space<semaphore_mem>>)
    %dma_start3A_42 = tpu.memref_slice %arg5[%add3A_35] : memref<320000xi32, #tpu.memory_space<hbm>> -> memref<2000xi32, #tpu.memory_space<hbm>>
    %dma_start3A_43 = tpu.memref_slice %arg5[%add3A_35] : memref<320000xi32, #tpu.memory_space<hbm>> -> memref<2000xi32, #tpu.memory_space<hbm>>
    tpu.enqueue_dma source(%dma_start3A_43 : memref<2000xi32, #tpu.memory_space<hbm>>) target(%arg23 : memref<2000xi32, #tpu.memory_space<vmem>>) target_semaphore(%arg36 : memref<!tpu.dma_semaphore, #tpu.memory_space<semaphore_mem>>)
    %dma_wait3A = tpu.memref_slice %arg2[%add3A_26] : memref<320000xf32, #tpu.memory_space<hbm>> -> memref<2000xf32, #tpu.memory_space<hbm>>
    %dma_wait3A_44 = tpu.memref_slice %arg2[%add3A_26] : memref<320000xf32, #tpu.memory_space<hbm>> -> memref<2000xf32, #tpu.memory_space<hbm>>
    tpu.wait_dma2 semaphore(%arg35 : memref<!tpu.dma_semaphore, #tpu.memory_space<semaphore_mem>>) src(%dma_wait3A_44 : memref<2000xf32, #tpu.memory_space<hbm>>) dst(%arg10 : memref<2000xf32, #tpu.memory_space<vmem>>)
    %dma_wait3A_45 = tpu.memref_slice %arg3[%add3A_26] : memref<320000xi32, #tpu.memory_space<hbm>> -> memref<2000xi32, #tpu.memory_space<hbm>>
    %dma_wait3A_46 = tpu.memref_slice %arg3[%add3A_26] : memref<320000xi32, #tpu.memory_space<hbm>> -> memref<2000xi32, #tpu.memory_space<hbm>>
    tpu.wait_dma2 semaphore(%arg35 : memref<!tpu.dma_semaphore, #tpu.memory_space<semaphore_mem>>) src(%dma_wait3A_46 : memref<2000xi32, #tpu.memory_space<hbm>>) dst(%arg14 : memref<2000xi32, #tpu.memory_space<vmem>>)
    %dma_wait3A_47 = tpu.memref_slice %arg4[%add3A_26] : memref<320000xi32, #tpu.memory_space<hbm>> -> memref<2000xi32, #tpu.memory_space<hbm>>
    %dma_wait3A_48 = tpu.memref_slice %arg4[%add3A_26] : memref<320000xi32, #tpu.memory_space<hbm>> -> memref<2000xi32, #tpu.memory_space<hbm>>
    tpu.wait_dma2 semaphore(%arg35 : memref<!tpu.dma_semaphore, #tpu.memory_space<semaphore_mem>>) src(%dma_wait3A_48 : memref<2000xi32, #tpu.memory_space<hbm>>) dst(%arg18 : memref<2000xi32, #tpu.memory_space<vmem>>)
    %dma_wait3A_49 = tpu.memref_slice %arg5[%add3A_26] : memref<320000xi32, #tpu.memory_space<hbm>> -> memref<2000xi32, #tpu.memory_space<hbm>>
    %dma_wait3A_50 = tpu.memref_slice %arg5[%add3A_26] : memref<320000xi32, #tpu.memory_space<hbm>> -> memref<2000xi32, #tpu.memory_space<hbm>>
    tpu.wait_dma2 semaphore(%arg35 : memref<!tpu.dma_semaphore, #tpu.memory_space<semaphore_mem>>) src(%dma_wait3A_50 : memref<2000xi32, #tpu.memory_space<hbm>>) dst(%arg22 : memref<2000xi32, #tpu.memory_space<vmem>>)
    %dma_start3A_51 = arith.constant 0 : i32
    %dma_start3A_52 = tpu.memref_slice %arg9[%dma_start3A_51] : memref<10240xf32, #tpu.memory_space<vmem_shared>> -> memref<10240xf32, #tpu.memory_space<vmem_shared>>
    tpu.enqueue_indirect_dma source(%dma_start3A_52 : memref<10240xf32, #tpu.memory_space<vmem_shared>>) target(%arg28 : memref<2000xf32, #tpu.memory_space<vmem>>) offsets(%arg18 : memref<2000xi32, #tpu.memory_space<vmem>>) semaphore(%arg39 : memref<!tpu.dma_semaphore, #tpu.memory_space<semaphore_mem>>)
    %add3A_53 = arith.constant 4000 : i32
    %add3A_54 = arith.addi %mul3A_24, %add3A_53 : i32
    %dma_start3A_55 = tpu.memref_slice %arg2[%add3A_54] : memref<320000xf32, #tpu.memory_space<hbm>> -> memref<2000xf32, #tpu.memory_space<hbm>>
    %dma_start3A_56 = tpu.memref_slice %arg2[%add3A_54] : memref<320000xf32, #tpu.memory_space<hbm>> -> memref<2000xf32, #tpu.memory_space<hbm>>
    tpu.enqueue_dma source(%dma_start3A_56 : memref<2000xf32, #tpu.memory_space<hbm>>) target(%arg12 : memref<2000xf32, #tpu.memory_space<vmem>>) target_semaphore(%arg37 : memref<!tpu.dma_semaphore, #tpu.memory_space<semaphore_mem>>)
    %dma_start3A_57 = tpu.memref_slice %arg3[%add3A_54] : memref<320000xi32, #tpu.memory_space<hbm>> -> memref<2000xi32, #tpu.memory_space<hbm>>
    %dma_start3A_58 = tpu.memref_slice %arg3[%add3A_54] : memref<320000xi32, #tpu.memory_space<hbm>> -> memref<2000xi32, #tpu.memory_space<hbm>>
    tpu.enqueue_dma source(%dma_start3A_58 : memref<2000xi32, #tpu.memory_space<hbm>>) target(%arg16 : memref<2000xi32, #tpu.memory_space<vmem>>) target_semaphore(%arg37 : memref<!tpu.dma_semaphore, #tpu.memory_space<semaphore_mem>>)
    %dma_start3A_59 = tpu.memref_slice %arg4[%add3A_54] : memref<320000xi32, #tpu.memory_space<hbm>> -> memref<2000xi32, #tpu.memory_space<hbm>>
    %dma_start3A_60 = tpu.memref_slice %arg4[%add3A_54] : memref<320000xi32, #tpu.memory_space<hbm>> -> memref<2000xi32, #tpu.memory_space<hbm>>
    tpu.enqueue_dma source(%dma_start3A_60 : memref<2000xi32, #tpu.memory_space<hbm>>) target(%arg20 : memref<2000xi32, #tpu.memory_space<vmem>>) target_semaphore(%arg37 : memref<!tpu.dma_semaphore, #tpu.memory_space<semaphore_mem>>)
    %dma_start3A_61 = tpu.memref_slice %arg5[%add3A_54] : memref<320000xi32, #tpu.memory_space<hbm>> -> memref<2000xi32, #tpu.memory_space<hbm>>
    %dma_start3A_62 = tpu.memref_slice %arg5[%add3A_54] : memref<320000xi32, #tpu.memory_space<hbm>> -> memref<2000xi32, #tpu.memory_space<hbm>>
    tpu.enqueue_dma source(%dma_start3A_62 : memref<2000xi32, #tpu.memory_space<hbm>>) target(%arg24 : memref<2000xi32, #tpu.memory_space<vmem>>) target_semaphore(%arg37 : memref<!tpu.dma_semaphore, #tpu.memory_space<semaphore_mem>>)
    %dma_wait3A_63 = tpu.memref_slice %arg2[%add3A_35] : memref<320000xf32, #tpu.memory_space<hbm>> -> memref<2000xf32, #tpu.memory_space<hbm>>
    %dma_wait3A_64 = tpu.memref_slice %arg2[%add3A_35] : memref<320000xf32, #tpu.memory_space<hbm>> -> memref<2000xf32, #tpu.memory_space<hbm>>
    tpu.wait_dma2 semaphore(%arg36 : memref<!tpu.dma_semaphore, #tpu.memory_space<semaphore_mem>>) src(%dma_wait3A_64 : memref<2000xf32, #tpu.memory_space<hbm>>) dst(%arg11 : memref<2000xf32, #tpu.memory_space<vmem>>)
    %dma_wait3A_65 = tpu.memref_slice %arg3[%add3A_35] : memref<320000xi32, #tpu.memory_space<hbm>> -> memref<2000xi32, #tpu.memory_space<hbm>>
    %dma_wait3A_66 = tpu.memref_slice %arg3[%add3A_35] : memref<320000xi32, #tpu.memory_space<hbm>> -> memref<2000xi32, #tpu.memory_space<hbm>>
    tpu.wait_dma2 semaphore(%arg36 : memref<!tpu.dma_semaphore, #tpu.memory_space<semaphore_mem>>) src(%dma_wait3A_66 : memref<2000xi32, #tpu.memory_space<hbm>>) dst(%arg15 : memref<2000xi32, #tpu.memory_space<vmem>>)
    %dma_wait3A_67 = tpu.memref_slice %arg4[%add3A_35] : memref<320000xi32, #tpu.memory_space<hbm>> -> memref<2000xi32, #tpu.memory_space<hbm>>
    %dma_wait3A_68 = tpu.memref_slice %arg4[%add3A_35] : memref<320000xi32, #tpu.memory_space<hbm>> -> memref<2000xi32, #tpu.memory_space<hbm>>
    tpu.wait_dma2 semaphore(%arg36 : memref<!tpu.dma_semaphore, #tpu.memory_space<semaphore_mem>>) src(%dma_wait3A_68 : memref<2000xi32, #tpu.memory_space<hbm>>) dst(%arg19 : memref<2000xi32, #tpu.memory_space<vmem>>)
    %dma_wait3A_69 = tpu.memref_slice %arg5[%add3A_35] : memref<320000xi32, #tpu.memory_space<hbm>> -> memref<2000xi32, #tpu.memory_space<hbm>>
    %dma_wait3A_70 = tpu.memref_slice %arg5[%add3A_35] : memref<320000xi32, #tpu.memory_space<hbm>> -> memref<2000xi32, #tpu.memory_space<hbm>>
    tpu.wait_dma2 semaphore(%arg36 : memref<!tpu.dma_semaphore, #tpu.memory_space<semaphore_mem>>) src(%dma_wait3A_70 : memref<2000xi32, #tpu.memory_space<hbm>>) dst(%arg23 : memref<2000xi32, #tpu.memory_space<vmem>>)
    %dma_start3A_71 = arith.constant 0 : i32
    %dma_start3A_72 = tpu.memref_slice %arg9[%dma_start3A_71] : memref<10240xf32, #tpu.memory_space<vmem_shared>> -> memref<10240xf32, #tpu.memory_space<vmem_shared>>
    tpu.enqueue_indirect_dma source(%dma_start3A_72 : memref<10240xf32, #tpu.memory_space<vmem_shared>>) target(%arg29 : memref<2000xf32, #tpu.memory_space<vmem>>) offsets(%arg19 : memref<2000xi32, #tpu.memory_space<vmem>>) semaphore(%arg40 : memref<!tpu.dma_semaphore, #tpu.memory_space<semaphore_mem>>)
    %dma_wait3A_73 = arith.constant 0 : i32
    %dma_wait3A_74 = tpu.memref_slice %arg9[%dma_wait3A_73] : memref<10240xf32, #tpu.memory_space<vmem_shared>> -> memref<10240xf32, #tpu.memory_space<vmem_shared>>
    tpu.wait_indirect_dma semaphore(%arg39 : memref<!tpu.dma_semaphore, #tpu.memory_space<semaphore_mem>>) src(%dma_wait3A_74 : memref<10240xf32, #tpu.memory_space<vmem_shared>>) dst(%arg28 : memref<2000xf32, #tpu.memory_space<vmem>>)
    %scan3A_75 = arith.constant 0 : i32
    %scan3A_76 = arith.constant 0 : i32
    %scan3A_77 = arith.constant 125 : i32
    %scan3A_78 = arith.addi %scan3A_76, %scan3A_77 : i32
    %scan3A_79 = arith.constant 1 : i32
    %scan3A_80 = scf.for %scan3A_173 = %scan3A_76 to %scan3A_78 step %scan3A_79 iter_args(%scan3A_174 = %scan3A_75) -> (i32)  : i32 {
      %mul3A_175 = arith.constant 16 : i32
      %mul3A_176 = arith.muli %scan3A_173, %mul3A_175 : i32
      %get3A = arith.index_cast %mul3A_176 : i32 to index
      %get3A_177 = tpu.vector_load %arg28[%get3A] {strides = array<i32>} : memref<2000xf32, #tpu.memory_space<vmem>>, vector<16xf32>,
      %get3A_178 = vector.shape_cast %get3A_177 : vector<16xf32> to vector<16xf32>
      %max3A = arith.constant 9.99999996E-13 : f32
      %max3A_179 = vector.broadcast %max3A : f32 to vector<16xf32>
      %max3A_180 = arith.maximumf %get3A_178, %max3A_179 : vector<16xf32>
      %get3A_181 = arith.index_cast %mul3A_176 : i32 to index
      %get3A_182 = tpu.vector_load %arg10[%get3A_181] {strides = array<i32>} : memref<2000xf32, #tpu.memory_space<vmem>>, vector<16xf32>,
      %get3A_183 = vector.shape_cast %get3A_182 : vector<16xf32> to vector<16xf32>
      %div3A = arith.divf %get3A_183, %max3A_180 : vector<16xf32>
      %swap3A = arith.index_cast %mul3A_176 : i32 to index
      %swap3A_184 = tpu.vector_load %arg30[%swap3A] {strides = array<i32>} : memref<2000xf32, #tpu.memory_space<vmem>>, vector<16xf32>,
      %swap3A_185 = vector.shape_cast %swap3A_184 : vector<16xf32> to vector<16xf32>
      %swap3A_186 = vector.shape_cast %div3A : vector<16xf32> to vector<16xf32>
      tpu.vector_store %arg30[%swap3A], %swap3A_186 {strides = array<i32>} : memref<2000xf32, #tpu.memory_space<vmem>>, vector<16xf32>,
      %get3A_187 = arith.index_cast %mul3A_176 : i32 to index
      %get3A_188 = tpu.vector_load %arg14[%get3A_187] {strides = array<i32>} : memref<2000xi32, #tpu.memory_space<vmem>>, vector<16xi32>,
      %get3A_189 = vector.shape_cast %get3A_188 : vector<16xi32> to vector<16xi32>
      %mul3A_190 = arith.constant 8 : i32
      %mul3A_191 = vector.broadcast %mul3A_190 : i32 to vector<16xi32>
      %mul3A_192 = arith.muli %get3A_189, %mul3A_191 : vector<16xi32>
      %get3A_193 = arith.index_cast %mul3A_176 : i32 to index
      %get3A_194 = tpu.vector_load %arg22[%get3A_193] {strides = array<i32>} : memref<2000xi32, #tpu.memory_space<vmem>>, vector<16xi32>,
      %get3A_195 = vector.shape_cast %get3A_194 : vector<16xi32> to vector<16xi32>
      %add3A_196 = arith.addi %mul3A_192, %get3A_195 : vector<16xi32>
      %swap3A_197 = arith.index_cast %mul3A_176 : i32 to index
      %swap3A_198 = tpu.vector_load %arg26[%swap3A_197] {strides = array<i32>} : memref<2000xi32, #tpu.memory_space<vmem>>, vector<16xi32>,
      %swap3A_199 = vector.shape_cast %swap3A_198 : vector<16xi32> to vector<16xi32>
      %swap3A_200 = vector.shape_cast %add3A_196 : vector<16xi32> to vector<16xi32>
      tpu.vector_store %arg26[%swap3A_197], %swap3A_200 {strides = array<i32>} : memref<2000xi32, #tpu.memory_space<vmem>>, vector<16xi32>,
      %scan3A_201 = arith.constant 0 : i32
      scf.yield %scan3A_201 : i32
    }
    %scan3A_81 = arith.constant 125 : i32
    "tpu.region"() ({
      %run_scoped3A_173 = tpu.sem_alloc : memref<!tpu.dma_semaphore, #tpu.memory_space<semaphore_mem>>
      %dma_start3A_174 = arith.constant 0 : i32
      %dma_start3A_175 = tpu.memref_slice %arg8[%dma_start3A_174] : memref<81920xf32, #tpu.memory_space<vmem_shared>> -> memref<81920xf32, #tpu.memory_space<vmem_shared>>
      tpu.enqueue_indirect_dma source(%arg30 : memref<2000xf32, #tpu.memory_space<vmem>>) target(%dma_start3A_175 : memref<81920xf32, #tpu.memory_space<vmem_shared>>) offsets(%arg26 : memref<2000xi32, #tpu.memory_space<vmem>>) semaphore(%run_scoped3A_173 : memref<!tpu.dma_semaphore, #tpu.memory_space<semaphore_mem>>) {add = true}
      %dma_wait3A_176 = arith.constant 0 : i32
      %dma_wait3A_177 = tpu.memref_slice %arg8[%dma_wait3A_176] : memref<81920xf32, #tpu.memory_space<vmem_shared>> -> memref<81920xf32, #tpu.memory_space<vmem_shared>>
      tpu.wait_indirect_dma semaphore(%run_scoped3A_173 : memref<!tpu.dma_semaphore, #tpu.memory_space<semaphore_mem>>) src(%arg30 : memref<2000xf32, #tpu.memory_space<vmem>>) dst(%dma_wait3A_177 : memref<81920xf32, #tpu.memory_space<vmem_shared>>)
      tpu.yield
    }) : () -> ()
    %add3A_82 = arith.constant 6000 : i32
    %add3A_83 = arith.addi %mul3A_24, %add3A_82 : i32
    %dma_start3A_84 = tpu.memref_slice %arg2[%add3A_83] : memref<320000xf32, #tpu.memory_space<hbm>> -> memref<2000xf32, #tpu.memory_space<hbm>>
    %dma_start3A_85 = tpu.memref_slice %arg2[%add3A_83] : memref<320000xf32, #tpu.memory_space<hbm>> -> memref<2000xf32, #tpu.memory_space<hbm>>
    tpu.enqueue_dma source(%dma_start3A_85 : memref<2000xf32, #tpu.memory_space<hbm>>) target(%arg13 : memref<2000xf32, #tpu.memory_space<vmem>>) target_semaphore(%arg38 : memref<!tpu.dma_semaphore, #tpu.memory_space<semaphore_mem>>)
    %dma_start3A_86 = tpu.memref_slice %arg3[%add3A_83] : memref<320000xi32, #tpu.memory_space<hbm>> -> memref<2000xi32, #tpu.memory_space<hbm>>
    %dma_start3A_87 = tpu.memref_slice %arg3[%add3A_83] : memref<320000xi32, #tpu.memory_space<hbm>> -> memref<2000xi32, #tpu.memory_space<hbm>>
    tpu.enqueue_dma source(%dma_start3A_87 : memref<2000xi32, #tpu.memory_space<hbm>>) target(%arg17 : memref<2000xi32, #tpu.memory_space<vmem>>) target_semaphore(%arg38 : memref<!tpu.dma_semaphore, #tpu.memory_space<semaphore_mem>>)
    %dma_start3A_88 = tpu.memref_slice %arg4[%add3A_83] : memref<320000xi32, #tpu.memory_space<hbm>> -> memref<2000xi32, #tpu.memory_space<hbm>>
    %dma_start3A_89 = tpu.memref_slice %arg4[%add3A_83] : memref<320000xi32, #tpu.memory_space<hbm>> -> memref<2000xi32, #tpu.memory_space<hbm>>
    tpu.enqueue_dma source(%dma_start3A_89 : memref<2000xi32, #tpu.memory_space<hbm>>) target(%arg21 : memref<2000xi32, #tpu.memory_space<vmem>>) target_semaphore(%arg38 : memref<!tpu.dma_semaphore, #tpu.memory_space<semaphore_mem>>)
    %dma_start3A_90 = tpu.memref_slice %arg5[%add3A_83] : memref<320000xi32, #tpu.memory_space<hbm>> -> memref<2000xi32, #tpu.memory_space<hbm>>
    %dma_start3A_91 = tpu.memref_slice %arg5[%add3A_83] : memref<320000xi32, #tpu.memory_space<hbm>> -> memref<2000xi32, #tpu.memory_space<hbm>>
    tpu.enqueue_dma source(%dma_start3A_91 : memref<2000xi32, #tpu.memory_space<hbm>>) target(%arg25 : memref<2000xi32, #tpu.memory_space<vmem>>) target_semaphore(%arg38 : memref<!tpu.dma_semaphore, #tpu.memory_space<semaphore_mem>>)
    %dma_wait3A_92 = tpu.memref_slice %arg2[%add3A_54] : memref<320000xf32, #tpu.memory_space<hbm>> -> memref<2000xf32, #tpu.memory_space<hbm>>
    %dma_wait3A_93 = tpu.memref_slice %arg2[%add3A_54] : memref<320000xf32, #tpu.memory_space<hbm>> -> memref<2000xf32, #tpu.memory_space<hbm>>
    tpu.wait_dma2 semaphore(%arg37 : memref<!tpu.dma_semaphore, #tpu.memory_space<semaphore_mem>>) src(%dma_wait3A_93 : memref<2000xf32, #tpu.memory_space<hbm>>) dst(%arg12 : memref<2000xf32, #tpu.memory_space<vmem>>)
    %dma_wait3A_94 = tpu.memref_slice %arg3[%add3A_54] : memref<320000xi32, #tpu.memory_space<hbm>> -> memref<2000xi32, #tpu.memory_space<hbm>>
    %dma_wait3A_95 = tpu.memref_slice %arg3[%add3A_54] : memref<320000xi32, #tpu.memory_space<hbm>> -> memref<2000xi32, #tpu.memory_space<hbm>>
    tpu.wait_dma2 semaphore(%arg37 : memref<!tpu.dma_semaphore, #tpu.memory_space<semaphore_mem>>) src(%dma_wait3A_95 : memref<2000xi32, #tpu.memory_space<hbm>>) dst(%arg16 : memref<2000xi32, #tpu.memory_space<vmem>>)
    %dma_wait3A_96 = tpu.memref_slice %arg4[%add3A_54] : memref<320000xi32, #tpu.memory_space<hbm>> -> memref<2000xi32, #tpu.memory_space<hbm>>
    %dma_wait3A_97 = tpu.memref_slice %arg4[%add3A_54] : memref<320000xi32, #tpu.memory_space<hbm>> -> memref<2000xi32, #tpu.memory_space<hbm>>
    tpu.wait_dma2 semaphore(%arg37 : memref<!tpu.dma_semaphore, #tpu.memory_space<semaphore_mem>>) src(%dma_wait3A_97 : memref<2000xi32, #tpu.memory_space<hbm>>) dst(%arg20 : memref<2000xi32, #tpu.memory_space<vmem>>)
    %dma_wait3A_98 = tpu.memref_slice %arg5[%add3A_54] : memref<320000xi32, #tpu.memory_space<hbm>> -> memref<2000xi32, #tpu.memory_space<hbm>>
    %dma_wait3A_99 = tpu.memref_slice %arg5[%add3A_54] : memref<320000xi32, #tpu.memory_space<hbm>> -> memref<2000xi32, #tpu.memory_space<hbm>>
    tpu.wait_dma2 semaphore(%arg37 : memref<!tpu.dma_semaphore, #tpu.memory_space<semaphore_mem>>) src(%dma_wait3A_99 : memref<2000xi32, #tpu.memory_space<hbm>>) dst(%arg24 : memref<2000xi32, #tpu.memory_space<vmem>>)
    %dma_start3A_100 = arith.constant 0 : i32
    %dma_start3A_101 = tpu.memref_slice %arg9[%dma_start3A_100] : memref<10240xf32, #tpu.memory_space<vmem_shared>> -> memref<10240xf32, #tpu.memory_space<vmem_shared>>
    tpu.enqueue_indirect_dma source(%dma_start3A_101 : memref<10240xf32, #tpu.memory_space<vmem_shared>>) target(%arg28 : memref<2000xf32, #tpu.memory_space<vmem>>) offsets(%arg20 : memref<2000xi32, #tpu.memory_space<vmem>>) semaphore(%arg39 : memref<!tpu.dma_semaphore, #tpu.memory_space<semaphore_mem>>)
    %dma_wait3A_102 = arith.constant 0 : i32
    %dma_wait3A_103 = tpu.memref_slice %arg9[%dma_wait3A_102] : memref<10240xf32, #tpu.memory_space<vmem_shared>> -> memref<10240xf32, #tpu.memory_space<vmem_shared>>
    tpu.wait_indirect_dma semaphore(%arg40 : memref<!tpu.dma_semaphore, #tpu.memory_space<semaphore_mem>>) src(%dma_wait3A_103 : memref<10240xf32, #tpu.memory_space<vmem_shared>>) dst(%arg29 : memref<2000xf32, #tpu.memory_space<vmem>>)
    %scan3A_104 = arith.constant 0 : i32
    %scan3A_105 = arith.constant 0 : i32
    %scan3A_106 = arith.constant 125 : i32
    %scan3A_107 = arith.addi %scan3A_105, %scan3A_106 : i32
    %scan3A_108 = arith.constant 1 : i32
    %scan3A_109 = scf.for %scan3A_173 = %scan3A_105 to %scan3A_107 step %scan3A_108 iter_args(%scan3A_174 = %scan3A_104) -> (i32)  : i32 {
      %mul3A_175 = arith.constant 16 : i32
      %mul3A_176 = arith.muli %scan3A_173, %mul3A_175 : i32
      %get3A = arith.index_cast %mul3A_176 : i32 to index
      %get3A_177 = tpu.vector_load %arg29[%get3A] {strides = array<i32>} : memref<2000xf32, #tpu.memory_space<vmem>>, vector<16xf32>,
      %get3A_178 = vector.shape_cast %get3A_177 : vector<16xf32> to vector<16xf32>
      %max3A = arith.constant 9.99999996E-13 : f32
      %max3A_179 = vector.broadcast %max3A : f32 to vector<16xf32>
      %max3A_180 = arith.maximumf %get3A_178, %max3A_179 : vector<16xf32>
      %get3A_181 = arith.index_cast %mul3A_176 : i32 to index
      %get3A_182 = tpu.vector_load %arg11[%get3A_181] {strides = array<i32>} : memref<2000xf32, #tpu.memory_space<vmem>>, vector<16xf32>,
      %get3A_183 = vector.shape_cast %get3A_182 : vector<16xf32> to vector<16xf32>
      %div3A = arith.divf %get3A_183, %max3A_180 : vector<16xf32>
      %swap3A = arith.index_cast %mul3A_176 : i32 to index
      %swap3A_184 = tpu.vector_load %arg31[%swap3A] {strides = array<i32>} : memref<2000xf32, #tpu.memory_space<vmem>>, vector<16xf32>,
      %swap3A_185 = vector.shape_cast %swap3A_184 : vector<16xf32> to vector<16xf32>
      %swap3A_186 = vector.shape_cast %div3A : vector<16xf32> to vector<16xf32>
      tpu.vector_store %arg31[%swap3A], %swap3A_186 {strides = array<i32>} : memref<2000xf32, #tpu.memory_space<vmem>>, vector<16xf32>,
      %get3A_187 = arith.index_cast %mul3A_176 : i32 to index
      %get3A_188 = tpu.vector_load %arg15[%get3A_187] {strides = array<i32>} : memref<2000xi32, #tpu.memory_space<vmem>>, vector<16xi32>,
      %get3A_189 = vector.shape_cast %get3A_188 : vector<16xi32> to vector<16xi32>
      %mul3A_190 = arith.constant 8 : i32
      %mul3A_191 = vector.broadcast %mul3A_190 : i32 to vector<16xi32>
      %mul3A_192 = arith.muli %get3A_189, %mul3A_191 : vector<16xi32>
      %get3A_193 = arith.index_cast %mul3A_176 : i32 to index
      %get3A_194 = tpu.vector_load %arg23[%get3A_193] {strides = array<i32>} : memref<2000xi32, #tpu.memory_space<vmem>>, vector<16xi32>,
      %get3A_195 = vector.shape_cast %get3A_194 : vector<16xi32> to vector<16xi32>
      %add3A_196 = arith.addi %mul3A_192, %get3A_195 : vector<16xi32>
      %swap3A_197 = arith.index_cast %mul3A_176 : i32 to index
      %swap3A_198 = tpu.vector_load %arg27[%swap3A_197] {strides = array<i32>} : memref<2000xi32, #tpu.memory_space<vmem>>, vector<16xi32>,
      %swap3A_199 = vector.shape_cast %swap3A_198 : vector<16xi32> to vector<16xi32>
      %swap3A_200 = vector.shape_cast %add3A_196 : vector<16xi32> to vector<16xi32>
      tpu.vector_store %arg27[%swap3A_197], %swap3A_200 {strides = array<i32>} : memref<2000xi32, #tpu.memory_space<vmem>>, vector<16xi32>,
      %scan3A_201 = arith.constant 0 : i32
      scf.yield %scan3A_201 : i32
    }
    %scan3A_110 = arith.constant 125 : i32
    "tpu.region"() ({
      %run_scoped3A_173 = tpu.sem_alloc : memref<!tpu.dma_semaphore, #tpu.memory_space<semaphore_mem>>
      %dma_start3A_174 = arith.constant 0 : i32
      %dma_start3A_175 = tpu.memref_slice %arg8[%dma_start3A_174] : memref<81920xf32, #tpu.memory_space<vmem_shared>> -> memref<81920xf32, #tpu.memory_space<vmem_shared>>
      tpu.enqueue_indirect_dma source(%arg31 : memref<2000xf32, #tpu.memory_space<vmem>>) target(%dma_start3A_175 : memref<81920xf32, #tpu.memory_space<vmem_shared>>) offsets(%arg27 : memref<2000xi32, #tpu.memory_space<vmem>>) semaphore(%run_scoped3A_173 : memref<!tpu.dma_semaphore, #tpu.memory_space<semaphore_mem>>) {add = true}
      %dma_wait3A_176 = arith.constant 0 : i32
      %dma_wait3A_177 = tpu.memref_slice %arg8[%dma_wait3A_176] : memref<81920xf32, #tpu.memory_space<vmem_shared>> -> memref<81920xf32, #tpu.memory_space<vmem_shared>>
      tpu.wait_indirect_dma semaphore(%run_scoped3A_173 : memref<!tpu.dma_semaphore, #tpu.memory_space<semaphore_mem>>) src(%arg31 : memref<2000xf32, #tpu.memory_space<vmem>>) dst(%dma_wait3A_177 : memref<81920xf32, #tpu.memory_space<vmem_shared>>)
      tpu.yield
    }) : () -> ()
    %add3A_111 = arith.constant 8000 : i32
    %add3A_112 = arith.addi %mul3A_24, %add3A_111 : i32
    %dma_start3A_113 = tpu.memref_slice %arg2[%add3A_112] : memref<320000xf32, #tpu.memory_space<hbm>> -> memref<2000xf32, #tpu.memory_space<hbm>>
    %dma_start3A_114 = tpu.memref_slice %arg2[%add3A_112] : memref<320000xf32, #tpu.memory_space<hbm>> -> memref<2000xf32, #tpu.memory_space<hbm>>
    tpu.enqueue_dma source(%dma_start3A_114 : memref<2000xf32, #tpu.memory_space<hbm>>) target(%arg10 : memref<2000xf32, #tpu.memory_space<vmem>>) target_semaphore(%arg35 : memref<!tpu.dma_semaphore, #tpu.memory_space<semaphore_mem>>)
    %dma_start3A_115 = tpu.memref_slice %arg3[%add3A_112] : memref<320000xi32, #tpu.memory_space<hbm>> -> memref<2000xi32, #tpu.memory_space<hbm>>
    %dma_start3A_116 = tpu.memref_slice %arg3[%add3A_112] : memref<320000xi32, #tpu.memory_space<hbm>> -> memref<2000xi32, #tpu.memory_space<hbm>>
    tpu.enqueue_dma source(%dma_start3A_116 : memref<2000xi32, #tpu.memory_space<hbm>>) target(%arg14 : memref<2000xi32, #tpu.memory_space<vmem>>) target_semaphore(%arg35 : memref<!tpu.dma_semaphore, #tpu.memory_space<semaphore_mem>>)
    %dma_start3A_117 = tpu.memref_slice %arg4[%add3A_112] : memref<320000xi32, #tpu.memory_space<hbm>> -> memref<2000xi32, #tpu.memory_space<hbm>>
    %dma_start3A_118 = tpu.memref_slice %arg4[%add3A_112] : memref<320000xi32, #tpu.memory_space<hbm>> -> memref<2000xi32, #tpu.memory_space<hbm>>
    tpu.enqueue_dma source(%dma_start3A_118 : memref<2000xi32, #tpu.memory_space<hbm>>) target(%arg18 : memref<2000xi32, #tpu.memory_space<vmem>>) target_semaphore(%arg35 : memref<!tpu.dma_semaphore, #tpu.memory_space<semaphore_mem>>)
    %dma_start3A_119 = tpu.memref_slice %arg5[%add3A_112] : memref<320000xi32, #tpu.memory_space<hbm>> -> memref<2000xi32, #tpu.memory_space<hbm>>
    %dma_start3A_120 = tpu.memref_slice %arg5[%add3A_112] : memref<320000xi32, #tpu.memory_space<hbm>> -> memref<2000xi32, #tpu.memory_space<hbm>>
    tpu.enqueue_dma source(%dma_start3A_120 : memref<2000xi32, #tpu.memory_space<hbm>>) target(%arg22 : memref<2000xi32, #tpu.memory_space<vmem>>) target_semaphore(%arg35 : memref<!tpu.dma_semaphore, #tpu.memory_space<semaphore_mem>>)
    %dma_wait3A_121 = tpu.memref_slice %arg2[%add3A_83] : memref<320000xf32, #tpu.memory_space<hbm>> -> memref<2000xf32, #tpu.memory_space<hbm>>
    %dma_wait3A_122 = tpu.memref_slice %arg2[%add3A_83] : memref<320000xf32, #tpu.memory_space<hbm>> -> memref<2000xf32, #tpu.memory_space<hbm>>
    tpu.wait_dma2 semaphore(%arg38 : memref<!tpu.dma_semaphore, #tpu.memory_space<semaphore_mem>>) src(%dma_wait3A_122 : memref<2000xf32, #tpu.memory_space<hbm>>) dst(%arg13 : memref<2000xf32, #tpu.memory_space<vmem>>)
    %dma_wait3A_123 = tpu.memref_slice %arg3[%add3A_83] : memref<320000xi32, #tpu.memory_space<hbm>> -> memref<2000xi32, #tpu.memory_space<hbm>>
    %dma_wait3A_124 = tpu.memref_slice %arg3[%add3A_83] : memref<320000xi32, #tpu.memory_space<hbm>> -> memref<2000xi32, #tpu.memory_space<hbm>>
    tpu.wait_dma2 semaphore(%arg38 : memref<!tpu.dma_semaphore, #tpu.memory_space<semaphore_mem>>) src(%dma_wait3A_124 : memref<2000xi32, #tpu.memory_space<hbm>>) dst(%arg17 : memref<2000xi32, #tpu.memory_space<vmem>>)
    %dma_wait3A_125 = tpu.memref_slice %arg4[%add3A_83] : memref<320000xi32, #tpu.memory_space<hbm>> -> memref<2000xi32, #tpu.memory_space<hbm>>
    %dma_wait3A_126 = tpu.memref_slice %arg4[%add3A_83] : memref<320000xi32, #tpu.memory_space<hbm>> -> memref<2000xi32, #tpu.memory_space<hbm>>
    tpu.wait_dma2 semaphore(%arg38 : memref<!tpu.dma_semaphore, #tpu.memory_space<semaphore_mem>>) src(%dma_wait3A_126 : memref<2000xi32, #tpu.memory_space<hbm>>) dst(%arg21 : memref<2000xi32, #tpu.memory_space<vmem>>)
    %dma_wait3A_127 = tpu.memref_slice %arg5[%add3A_83] : memref<320000xi32, #tpu.memory_space<hbm>> -> memref<2000xi32, #tpu.memory_space<hbm>>
    %dma_wait3A_128 = tpu.memref_slice %arg5[%add3A_83] : memref<320000xi32, #tpu.memory_space<hbm>> -> memref<2000xi32, #tpu.memory_space<hbm>>
    tpu.wait_dma2 semaphore(%arg38 : memref<!tpu.dma_semaphore, #tpu.memory_space<semaphore_mem>>) src(%dma_wait3A_128 : memref<2000xi32, #tpu.memory_space<hbm>>) dst(%arg25 : memref<2000xi32, #tpu.memory_space<vmem>>)
    %dma_start3A_129 = arith.constant 0 : i32
    %dma_start3A_130 = tpu.memref_slice %arg9[%dma_start3A_129] : memref<10240xf32, #tpu.memory_space<vmem_shared>> -> memref<10240xf32, #tpu.memory_space<vmem_shared>>
    tpu.enqueue_indirect_dma source(%dma_start3A_130 : memref<10240xf32, #tpu.memory_space<vmem_shared>>) target(%arg29 : memref<2000xf32, #tpu.memory_space<vmem>>) offsets(%arg21 : memref<2000xi32, #tpu.memory_space<vmem>>) semaphore(%arg40 : memref<!tpu.dma_semaphore, #tpu.memory_space<semaphore_mem>>)
    %dma_wait3A_131 = arith.constant 0 : i32
    %dma_wait3A_132 = tpu.memref_slice %arg9[%dma_wait3A_131] : memref<10240xf32, #tpu.memory_space<vmem_shared>> -> memref<10240xf32, #tpu.memory_space<vmem_shared>>
    tpu.wait_indirect_dma semaphore(%arg39 : memref<!tpu.dma_semaphore, #tpu.memory_space<semaphore_mem>>) src(%dma_wait3A_132 : memref<10240xf32, #tpu.memory_space<vmem_shared>>) dst(%arg28 : memref<2000xf32, #tpu.memory_space<vmem>>)
    %scan3A_133 = arith.constant 0 : i32
    %scan3A_134 = arith.constant 0 : i32
    %scan3A_135 = arith.constant 125 : i32
    %scan3A_136 = arith.addi %scan3A_134, %scan3A_135 : i32
    %scan3A_137 = arith.constant 1 : i32
    %scan3A_138 = scf.for %scan3A_173 = %scan3A_134 to %scan3A_136 step %scan3A_137 iter_args(%scan3A_174 = %scan3A_133) -> (i32)  : i32 {
      %mul3A_175 = arith.constant 16 : i32
      %mul3A_176 = arith.muli %scan3A_173, %mul3A_175 : i32
      %get3A = arith.index_cast %mul3A_176 : i32 to index
      %get3A_177 = tpu.vector_load %arg28[%get3A] {strides = array<i32>} : memref<2000xf32, #tpu.memory_space<vmem>>, vector<16xf32>,
      %get3A_178 = vector.shape_cast %get3A_177 : vector<16xf32> to vector<16xf32>
      %max3A = arith.constant 9.99999996E-13 : f32
      %max3A_179 = vector.broadcast %max3A : f32 to vector<16xf32>
      %max3A_180 = arith.maximumf %get3A_178, %max3A_179 : vector<16xf32>
      %get3A_181 = arith.index_cast %mul3A_176 : i32 to index
      %get3A_182 = tpu.vector_load %arg12[%get3A_181] {strides = array<i32>} : memref<2000xf32, #tpu.memory_space<vmem>>, vector<16xf32>,
      %get3A_183 = vector.shape_cast %get3A_182 : vector<16xf32> to vector<16xf32>
      %div3A = arith.divf %get3A_183, %max3A_180 : vector<16xf32>
      %swap3A = arith.index_cast %mul3A_176 : i32 to index
      %swap3A_184 = tpu.vector_load %arg30[%swap3A] {strides = array<i32>} : memref<2000xf32, #tpu.memory_space<vmem>>, vector<16xf32>,
      %swap3A_185 = vector.shape_cast %swap3A_184 : vector<16xf32> to vector<16xf32>
      %swap3A_186 = vector.shape_cast %div3A : vector<16xf32> to vector<16xf32>
      tpu.vector_store %arg30[%swap3A], %swap3A_186 {strides = array<i32>} : memref<2000xf32, #tpu.memory_space<vmem>>, vector<16xf32>,
      %get3A_187 = arith.index_cast %mul3A_176 : i32 to index
      %get3A_188 = tpu.vector_load %arg16[%get3A_187] {strides = array<i32>} : memref<2000xi32, #tpu.memory_space<vmem>>, vector<16xi32>,
      %get3A_189 = vector.shape_cast %get3A_188 : vector<16xi32> to vector<16xi32>
      %mul3A_190 = arith.constant 8 : i32
      %mul3A_191 = vector.broadcast %mul3A_190 : i32 to vector<16xi32>
      %mul3A_192 = arith.muli %get3A_189, %mul3A_191 : vector<16xi32>
      %get3A_193 = arith.index_cast %mul3A_176 : i32 to index
      %get3A_194 = tpu.vector_load %arg24[%get3A_193] {strides = array<i32>} : memref<2000xi32, #tpu.memory_space<vmem>>, vector<16xi32>,
      %get3A_195 = vector.shape_cast %get3A_194 : vector<16xi32> to vector<16xi32>
      %add3A_196 = arith.addi %mul3A_192, %get3A_195 : vector<16xi32>
      %swap3A_197 = arith.index_cast %mul3A_176 : i32 to index
      %swap3A_198 = tpu.vector_load %arg26[%swap3A_197] {strides = array<i32>} : memref<2000xi32, #tpu.memory_space<vmem>>, vector<16xi32>,
      %swap3A_199 = vector.shape_cast %swap3A_198 : vector<16xi32> to vector<16xi32>
      %swap3A_200 = vector.shape_cast %add3A_196 : vector<16xi32> to vector<16xi32>
      tpu.vector_store %arg26[%swap3A_197], %swap3A_200 {strides = array<i32>} : memref<2000xi32, #tpu.memory_space<vmem>>, vector<16xi32>,
      %scan3A_201 = arith.constant 0 : i32
      scf.yield %scan3A_201 : i32
    }
    %scan3A_139 = arith.constant 125 : i32
    "tpu.region"() ({
      %run_scoped3A_173 = tpu.sem_alloc : memref<!tpu.dma_semaphore, #tpu.memory_space<semaphore_mem>>
      %dma_start3A_174 = arith.constant 0 : i32
      %dma_start3A_175 = tpu.memref_slice %arg8[%dma_start3A_174] : memref<81920xf32, #tpu.memory_space<vmem_shared>> -> memref<81920xf32, #tpu.memory_space<vmem_shared>>
      tpu.enqueue_indirect_dma source(%arg30 : memref<2000xf32, #tpu.memory_space<vmem>>) target(%dma_start3A_175 : memref<81920xf32, #tpu.memory_space<vmem_shared>>) offsets(%arg26 : memref<2000xi32, #tpu.memory_space<vmem>>) semaphore(%run_scoped3A_173 : memref<!tpu.dma_semaphore, #tpu.memory_space<semaphore_mem>>) {add = true}
      %dma_wait3A_176 = arith.constant 0 : i32
      %dma_wait3A_177 = tpu.memref_slice %arg8[%dma_wait3A_176] : memref<81920xf32, #tpu.memory_space<vmem_shared>> -> memref<81920xf32, #tpu.memory_space<vmem_shared>>
      tpu.wait_indirect_dma semaphore(%run_scoped3A_173 : memref<!tpu.dma_semaphore, #tpu.memory_space<semaphore_mem>>) src(%arg30 : memref<2000xf32, #tpu.memory_space<vmem>>) dst(%dma_wait3A_177 : memref<81920xf32, #tpu.memory_space<vmem_shared>>)
      tpu.yield
    }) : () -> ()
    %dma_wait3A_140 = tpu.memref_slice %arg2[%add3A_112] : memref<320000xf32, #tpu.memory_space<hbm>> -> memref<2000xf32, #tpu.memory_space<hbm>>
    %dma_wait3A_141 = tpu.memref_slice %arg2[%add3A_112] : memref<320000xf32, #tpu.memory_space<hbm>> -> memref<2000xf32, #tpu.memory_space<hbm>>
    tpu.wait_dma2 semaphore(%arg35 : memref<!tpu.dma_semaphore, #tpu.memory_space<semaphore_mem>>) src(%dma_wait3A_141 : memref<2000xf32, #tpu.memory_space<hbm>>) dst(%arg10 : memref<2000xf32, #tpu.memory_space<vmem>>)
    %dma_wait3A_142 = tpu.memref_slice %arg3[%add3A_112] : memref<320000xi32, #tpu.memory_space<hbm>> -> memref<2000xi32, #tpu.memory_space<hbm>>
    %dma_wait3A_143 = tpu.memref_slice %arg3[%add3A_112] : memref<320000xi32, #tpu.memory_space<hbm>> -> memref<2000xi32, #tpu.memory_space<hbm>>
    tpu.wait_dma2 semaphore(%arg35 : memref<!tpu.dma_semaphore, #tpu.memory_space<semaphore_mem>>) src(%dma_wait3A_143 : memref<2000xi32, #tpu.memory_space<hbm>>) dst(%arg14 : memref<2000xi32, #tpu.memory_space<vmem>>)
    %dma_wait3A_144 = tpu.memref_slice %arg4[%add3A_112] : memref<320000xi32, #tpu.memory_space<hbm>> -> memref<2000xi32, #tpu.memory_space<hbm>>
    %dma_wait3A_145 = tpu.memref_slice %arg4[%add3A_112] : memref<320000xi32, #tpu.memory_space<hbm>> -> memref<2000xi32, #tpu.memory_space<hbm>>
    tpu.wait_dma2 semaphore(%arg35 : memref<!tpu.dma_semaphore, #tpu.memory_space<semaphore_mem>>) src(%dma_wait3A_145 : memref<2000xi32, #tpu.memory_space<hbm>>) dst(%arg18 : memref<2000xi32, #tpu.memory_space<vmem>>)
    %dma_wait3A_146 = tpu.memref_slice %arg5[%add3A_112] : memref<320000xi32, #tpu.memory_space<hbm>> -> memref<2000xi32, #tpu.memory_space<hbm>>
    %dma_wait3A_147 = tpu.memref_slice %arg5[%add3A_112] : memref<320000xi32, #tpu.memory_space<hbm>> -> memref<2000xi32, #tpu.memory_space<hbm>>
    tpu.wait_dma2 semaphore(%arg35 : memref<!tpu.dma_semaphore, #tpu.memory_space<semaphore_mem>>) src(%dma_wait3A_147 : memref<2000xi32, #tpu.memory_space<hbm>>) dst(%arg22 : memref<2000xi32, #tpu.memory_space<vmem>>)
    %dma_start3A_148 = arith.constant 0 : i32
    %dma_start3A_149 = tpu.memref_slice %arg9[%dma_start3A_148] : memref<10240xf32, #tpu.memory_space<vmem_shared>> -> memref<10240xf32, #tpu.memory_space<vmem_shared>>
    tpu.enqueue_indirect_dma source(%dma_start3A_149 : memref<10240xf32, #tpu.memory_space<vmem_shared>>) target(%arg28 : memref<2000xf32, #tpu.memory_space<vmem>>) offsets(%arg18 : memref<2000xi32, #tpu.memory_space<vmem>>) semaphore(%arg39 : memref<!tpu.dma_semaphore, #tpu.memory_space<semaphore_mem>>)
    %dma_wait3A_150 = arith.constant 0 : i32
    %dma_wait3A_151 = tpu.memref_slice %arg9[%dma_wait3A_150] : memref<10240xf32, #tpu.memory_space<vmem_shared>> -> memref<10240xf32, #tpu.memory_space<vmem_shared>>
    tpu.wait_indirect_dma semaphore(%arg40 : memref<!tpu.dma_semaphore, #tpu.memory_space<semaphore_mem>>) src(%dma_wait3A_151 : memref<10240xf32, #tpu.memory_space<vmem_shared>>) dst(%arg29 : memref<2000xf32, #tpu.memory_space<vmem>>)
    %scan3A_152 = arith.constant 0 : i32
    %scan3A_153 = arith.constant 0 : i32
    %scan3A_154 = arith.constant 125 : i32
    %scan3A_155 = arith.addi %scan3A_153, %scan3A_154 : i32
    %scan3A_156 = arith.constant 1 : i32
    %scan3A_157 = scf.for %scan3A_173 = %scan3A_153 to %scan3A_155 step %scan3A_156 iter_args(%scan3A_174 = %scan3A_152) -> (i32)  : i32 {
      %mul3A_175 = arith.constant 16 : i32
      %mul3A_176 = arith.muli %scan3A_173, %mul3A_175 : i32
      %get3A = arith.index_cast %mul3A_176 : i32 to index
      %get3A_177 = tpu.vector_load %arg29[%get3A] {strides = array<i32>} : memref<2000xf32, #tpu.memory_space<vmem>>, vector<16xf32>,
      %get3A_178 = vector.shape_cast %get3A_177 : vector<16xf32> to vector<16xf32>
      %max3A = arith.constant 9.99999996E-13 : f32
      %max3A_179 = vector.broadcast %max3A : f32 to vector<16xf32>
      %max3A_180 = arith.maximumf %get3A_178, %max3A_179 : vector<16xf32>
      %get3A_181 = arith.index_cast %mul3A_176 : i32 to index
      %get3A_182 = tpu.vector_load %arg13[%get3A_181] {strides = array<i32>} : memref<2000xf32, #tpu.memory_space<vmem>>, vector<16xf32>,
      %get3A_183 = vector.shape_cast %get3A_182 : vector<16xf32> to vector<16xf32>
      %div3A = arith.divf %get3A_183, %max3A_180 : vector<16xf32>
      %swap3A = arith.index_cast %mul3A_176 : i32 to index
      %swap3A_184 = tpu.vector_load %arg31[%swap3A] {strides = array<i32>} : memref<2000xf32, #tpu.memory_space<vmem>>, vector<16xf32>,
      %swap3A_185 = vector.shape_cast %swap3A_184 : vector<16xf32> to vector<16xf32>
      %swap3A_186 = vector.shape_cast %div3A : vector<16xf32> to vector<16xf32>
      tpu.vector_store %arg31[%swap3A], %swap3A_186 {strides = array<i32>} : memref<2000xf32, #tpu.memory_space<vmem>>, vector<16xf32>,
      %get3A_187 = arith.index_cast %mul3A_176 : i32 to index
      %get3A_188 = tpu.vector_load %arg17[%get3A_187] {strides = array<i32>} : memref<2000xi32, #tpu.memory_space<vmem>>, vector<16xi32>,
      %get3A_189 = vector.shape_cast %get3A_188 : vector<16xi32> to vector<16xi32>
      %mul3A_190 = arith.constant 8 : i32
      %mul3A_191 = vector.broadcast %mul3A_190 : i32 to vector<16xi32>
      %mul3A_192 = arith.muli %get3A_189, %mul3A_191 : vector<16xi32>
      %get3A_193 = arith.index_cast %mul3A_176 : i32 to index
      %get3A_194 = tpu.vector_load %arg25[%get3A_193] {strides = array<i32>} : memref<2000xi32, #tpu.memory_space<vmem>>, vector<16xi32>,
      %get3A_195 = vector.shape_cast %get3A_194 : vector<16xi32> to vector<16xi32>
      %add3A_196 = arith.addi %mul3A_192, %get3A_195 : vector<16xi32>
      %swap3A_197 = arith.index_cast %mul3A_176 : i32 to index
      %swap3A_198 = tpu.vector_load %arg27[%swap3A_197] {strides = array<i32>} : memref<2000xi32, #tpu.memory_space<vmem>>, vector<16xi32>,
      %swap3A_199 = vector.shape_cast %swap3A_198 : vector<16xi32> to vector<16xi32>
      %swap3A_200 = vector.shape_cast %add3A_196 : vector<16xi32> to vector<16xi32>
      tpu.vector_store %arg27[%swap3A_197], %swap3A_200 {strides = array<i32>} : memref<2000xi32, #tpu.memory_space<vmem>>, vector<16xi32>,
      %scan3A_201 = arith.constant 0 : i32
      scf.yield %scan3A_201 : i32
    }
    %scan3A_158 = arith.constant 125 : i32
    "tpu.region"() ({
      %run_scoped3A_173 = tpu.sem_alloc : memref<!tpu.dma_semaphore, #tpu.memory_space<semaphore_mem>>
      %dma_start3A_174 = arith.constant 0 : i32
      %dma_start3A_175 = tpu.memref_slice %arg8[%dma_start3A_174] : memref<81920xf32, #tpu.memory_space<vmem_shared>> -> memref<81920xf32, #tpu.memory_space<vmem_shared>>
      tpu.enqueue_indirect_dma source(%arg31 : memref<2000xf32, #tpu.memory_space<vmem>>) target(%dma_start3A_175 : memref<81920xf32, #tpu.memory_space<vmem_shared>>) offsets(%arg27 : memref<2000xi32, #tpu.memory_space<vmem>>) semaphore(%run_scoped3A_173 : memref<!tpu.dma_semaphore, #tpu.memory_space<semaphore_mem>>) {add = true}
      %dma_wait3A_176 = arith.constant 0 : i32
      %dma_wait3A_177 = tpu.memref_slice %arg8[%dma_wait3A_176] : memref<81920xf32, #tpu.memory_space<vmem_shared>> -> memref<81920xf32, #tpu.memory_space<vmem_shared>>
      tpu.wait_indirect_dma semaphore(%run_scoped3A_173 : memref<!tpu.dma_semaphore, #tpu.memory_space<semaphore_mem>>) src(%arg31 : memref<2000xf32, #tpu.memory_space<vmem>>) dst(%dma_wait3A_177 : memref<81920xf32, #tpu.memory_space<vmem_shared>>)
      tpu.yield
    }) : () -> ()
    %dma_wait3A_159 = arith.constant 0 : i32
    %dma_wait3A_160 = tpu.memref_slice %arg9[%dma_wait3A_159] : memref<10240xf32, #tpu.memory_space<vmem_shared>> -> memref<10240xf32, #tpu.memory_space<vmem_shared>>
    tpu.wait_indirect_dma semaphore(%arg39 : memref<!tpu.dma_semaphore, #tpu.memory_space<semaphore_mem>>) src(%dma_wait3A_160 : memref<10240xf32, #tpu.memory_space<vmem_shared>>) dst(%arg28 : memref<2000xf32, #tpu.memory_space<vmem>>)
    %scan3A_161 = arith.constant 0 : i32
    %scan3A_162 = arith.constant 0 : i32
    %scan3A_163 = arith.constant 125 : i32
    %scan3A_164 = arith.addi %scan3A_162, %scan3A_163 : i32
    %scan3A_165 = arith.constant 1 : i32
    %scan3A_166 = scf.for %scan3A_173 = %scan3A_162 to %scan3A_164 step %scan3A_165 iter_args(%scan3A_174 = %scan3A_161) -> (i32)  : i32 {
      %mul3A_175 = arith.constant 16 : i32
      %mul3A_176 = arith.muli %scan3A_173, %mul3A_175 : i32
      %get3A = arith.index_cast %mul3A_176 : i32 to index
      %get3A_177 = tpu.vector_load %arg28[%get3A] {strides = array<i32>} : memref<2000xf32, #tpu.memory_space<vmem>>, vector<16xf32>,
      %get3A_178 = vector.shape_cast %get3A_177 : vector<16xf32> to vector<16xf32>
      %max3A = arith.constant 9.99999996E-13 : f32
      %max3A_179 = vector.broadcast %max3A : f32 to vector<16xf32>
      %max3A_180 = arith.maximumf %get3A_178, %max3A_179 : vector<16xf32>
      %get3A_181 = arith.index_cast %mul3A_176 : i32 to index
      %get3A_182 = tpu.vector_load %arg10[%get3A_181] {strides = array<i32>} : memref<2000xf32, #tpu.memory_space<vmem>>, vector<16xf32>,
      %get3A_183 = vector.shape_cast %get3A_182 : vector<16xf32> to vector<16xf32>
      %div3A = arith.divf %get3A_183, %max3A_180 : vector<16xf32>
      %swap3A = arith.index_cast %mul3A_176 : i32 to index
      %swap3A_184 = tpu.vector_load %arg30[%swap3A] {strides = array<i32>} : memref<2000xf32, #tpu.memory_space<vmem>>, vector<16xf32>,
      %swap3A_185 = vector.shape_cast %swap3A_184 : vector<16xf32> to vector<16xf32>
      %swap3A_186 = vector.shape_cast %div3A : vector<16xf32> to vector<16xf32>
      tpu.vector_store %arg30[%swap3A], %swap3A_186 {strides = array<i32>} : memref<2000xf32, #tpu.memory_space<vmem>>, vector<16xf32>,
      %get3A_187 = arith.index_cast %mul3A_176 : i32 to index
      %get3A_188 = tpu.vector_load %arg14[%get3A_187] {strides = array<i32>} : memref<2000xi32, #tpu.memory_space<vmem>>, vector<16xi32>,
      %get3A_189 = vector.shape_cast %get3A_188 : vector<16xi32> to vector<16xi32>
      %mul3A_190 = arith.constant 8 : i32
      %mul3A_191 = vector.broadcast %mul3A_190 : i32 to vector<16xi32>
      %mul3A_192 = arith.muli %get3A_189, %mul3A_191 : vector<16xi32>
      %get3A_193 = arith.index_cast %mul3A_176 : i32 to index
      %get3A_194 = tpu.vector_load %arg22[%get3A_193] {strides = array<i32>} : memref<2000xi32, #tpu.memory_space<vmem>>, vector<16xi32>,
      %get3A_195 = vector.shape_cast %get3A_194 : vector<16xi32> to vector<16xi32>
      %add3A_196 = arith.addi %mul3A_192, %get3A_195 : vector<16xi32>
      %swap3A_197 = arith.index_cast %mul3A_176 : i32 to index
      %swap3A_198 = tpu.vector_load %arg26[%swap3A_197] {strides = array<i32>} : memref<2000xi32, #tpu.memory_space<vmem>>, vector<16xi32>,
      %swap3A_199 = vector.shape_cast %swap3A_198 : vector<16xi32> to vector<16xi32>
      %swap3A_200 = vector.shape_cast %add3A_196 : vector<16xi32> to vector<16xi32>
      tpu.vector_store %arg26[%swap3A_197], %swap3A_200 {strides = array<i32>} : memref<2000xi32, #tpu.memory_space<vmem>>, vector<16xi32>,
      %scan3A_201 = arith.constant 0 : i32
      scf.yield %scan3A_201 : i32
    }
    %scan3A_167 = arith.constant 125 : i32
    "tpu.region"() ({
      %run_scoped3A_173 = tpu.sem_alloc : memref<!tpu.dma_semaphore, #tpu.memory_space<semaphore_mem>>
      %dma_start3A_174 = arith.constant 0 : i32
      %dma_start3A_175 = tpu.memref_slice %arg8[%dma_start3A_174] : memref<81920xf32, #tpu.memory_space<vmem_shared>> -> memref<81920xf32, #tpu.memory_space<vmem_shared>>
      tpu.enqueue_indirect_dma source(%arg30 : memref<2000xf32, #tpu.memory_space<vmem>>) target(%dma_start3A_175 : memref<81920xf32, #tpu.memory_space<vmem_shared>>) offsets(%arg26 : memref<2000xi32, #tpu.memory_space<vmem>>) semaphore(%run_scoped3A_173 : memref<!tpu.dma_semaphore, #tpu.memory_space<semaphore_mem>>) {add = true}
      %dma_wait3A_176 = arith.constant 0 : i32
      %dma_wait3A_177 = tpu.memref_slice %arg8[%dma_wait3A_176] : memref<81920xf32, #tpu.memory_space<vmem_shared>> -> memref<81920xf32, #tpu.memory_space<vmem_shared>>
      tpu.wait_indirect_dma semaphore(%run_scoped3A_173 : memref<!tpu.dma_semaphore, #tpu.memory_space<semaphore_mem>>) src(%arg30 : memref<2000xf32, #tpu.memory_space<vmem>>) dst(%dma_wait3A_177 : memref<81920xf32, #tpu.memory_space<vmem_shared>>)
      tpu.yield
    }) : () -> ()
    %barrier3A_168 = arith.constant 0 : index
    tpu.barrier barrier_id(%barrier3A_168)
    %mul3A_169 = arith.constant 5120 : i32
    %mul3A_170 = arith.muli %arg1, %mul3A_169 : i32
    "tpu.region"() ({
      %run_scoped3A_173 = tpu.sem_alloc : memref<!tpu.dma_semaphore, #tpu.memory_space<semaphore_mem>>
      %dma_start3A_174 = tpu.memref_slice %arg8[%mul3A_170] : memref<81920xf32, #tpu.memory_space<vmem_shared>> -> memref<5120xf32, #tpu.memory_space<vmem_shared>>
      %dma_start3A_175 = tpu.memref_slice %arg8[%mul3A_170] : memref<81920xf32, #tpu.memory_space<vmem_shared>> -> memref<5120xf32, #tpu.memory_space<vmem_shared>>
      tpu.enqueue_dma source(%dma_start3A_175 : memref<5120xf32, #tpu.memory_space<vmem_shared>>) target(%arg34 : memref<5120xf32, #tpu.memory_space<vmem>>) target_semaphore(%run_scoped3A_173 : memref<!tpu.dma_semaphore, #tpu.memory_space<semaphore_mem>>)
      %dma_wait3A_176 = tpu.memref_slice %arg8[%mul3A_170] : memref<81920xf32, #tpu.memory_space<vmem_shared>> -> memref<5120xf32, #tpu.memory_space<vmem_shared>>
      %dma_wait3A_177 = tpu.memref_slice %arg8[%mul3A_170] : memref<81920xf32, #tpu.memory_space<vmem_shared>> -> memref<5120xf32, #tpu.memory_space<vmem_shared>>
      tpu.wait_dma2 semaphore(%run_scoped3A_173 : memref<!tpu.dma_semaphore, #tpu.memory_space<semaphore_mem>>) src(%dma_wait3A_177 : memref<5120xf32, #tpu.memory_space<vmem_shared>>) dst(%arg34 : memref<5120xf32, #tpu.memory_space<vmem>>)
      tpu.yield
    }) : () -> ()
    %mul3A_171 = arith.constant 5120 : i32
    %mul3A_172 = arith.muli %arg1, %mul3A_171 : i32
    "tpu.region"() ({
      %run_scoped3A_173 = tpu.sem_alloc : memref<!tpu.dma_semaphore, #tpu.memory_space<semaphore_mem>>
      %dma_start3A_174 = tpu.memref_slice %arg7[%arg0, %mul3A_172] : memref<2x81920xf32, #tpu.memory_space<hbm>> -> memref<1x5120xf32, #tpu.memory_space<hbm>>
      %dma_start3A_175 = tpu.memref_squeeze %dma_start3A_174 : memref<1x5120xf32, #tpu.memory_space<hbm>> -> memref<5120xf32, #tpu.memory_space<hbm>>
      %dma_start3A_176 = tpu.memref_slice %arg7[%arg0, %mul3A_172] : memref<2x81920xf32, #tpu.memory_space<hbm>> -> memref<1x5120xf32, #tpu.memory_space<hbm>>
      %dma_start3A_177 = tpu.memref_squeeze %dma_start3A_176 : memref<1x5120xf32, #tpu.memory_space<hbm>> -> memref<5120xf32, #tpu.memory_space<hbm>>
      tpu.enqueue_dma source(%arg34 : memref<5120xf32, #tpu.memory_space<vmem>>) target(%dma_start3A_177 : memref<5120xf32, #tpu.memory_space<hbm>>) target_semaphore(%run_scoped3A_173 : memref<!tpu.dma_semaphore, #tpu.memory_space<semaphore_mem>>)
      %dma_wait3A_178 = tpu.memref_slice %arg7[%arg0, %mul3A_172] : memref<2x81920xf32, #tpu.memory_space<hbm>> -> memref<1x5120xf32, #tpu.memory_space<hbm>>
      %dma_wait3A_179 = tpu.memref_squeeze %dma_wait3A_178 : memref<1x5120xf32, #tpu.memory_space<hbm>> -> memref<5120xf32, #tpu.memory_space<hbm>>
      %dma_wait3A_180 = tpu.memref_slice %arg7[%arg0, %mul3A_172] : memref<2x81920xf32, #tpu.memory_space<hbm>> -> memref<1x5120xf32, #tpu.memory_space<hbm>>
      %dma_wait3A_181 = tpu.memref_squeeze %dma_wait3A_180 : memref<1x5120xf32, #tpu.memory_space<hbm>> -> memref<5120xf32, #tpu.memory_space<hbm>>
      tpu.wait_dma2 semaphore(%run_scoped3A_173 : memref<!tpu.dma_semaphore, #tpu.memory_space<semaphore_mem>>) src(%arg34 : memref<5120xf32, #tpu.memory_space<vmem>>) dst(%dma_wait3A_181 : memref<5120xf32, #tpu.memory_space<hbm>>)
      tpu.yield
    }) : () -> ()
    return
  }
}

#map = affine_map<(d0, d1) -> (0)>
#map1 = affine_map<(d0, d1) -> (0, 0)>
module attributes {stable_mosaic.version = 14 : i64} {
  func.func @_sc1_body(%arg0: i32, %arg1: i32, %arg2: memref<160000xf32, #tpu.memory_space<hbm>>, %arg3: memref<320000xi32, #tpu.memory_space<hbm>>, %arg4: memref<320000xi32, #tpu.memory_space<hbm>>, %arg5: memref<320000xi32, #tpu.memory_space<hbm>>, %arg6: memref<2x10240xf32, #tpu.memory_space<hbm>>, %arg7: memref<320000xf32, #tpu.memory_space<hbm>>, %arg8: memref<160000xf32, #tpu.memory_space<vmem_shared>>, %arg9: memref<10240xf32, #tpu.memory_space<vmem_shared>>, %arg10: memref<2000xi32, #tpu.memory_space<vmem>>, %arg11: memref<2000xi32, #tpu.memory_space<vmem>>, %arg12: memref<2000xi32, #tpu.memory_space<vmem>>, %arg13: memref<2000xi32, #tpu.memory_space<vmem>>, %arg14: memref<2000xi32, #tpu.memory_space<vmem>>, %arg15: memref<2000xi32, #tpu.memory_space<vmem>>, %arg16: memref<2000xi32, #tpu.memory_space<vmem>>, %arg17: memref<2000xi32, #tpu.memory_space<vmem>>, %arg18: memref<2000xi32, #tpu.memory_space<vmem>>, %arg19: memref<2000xi32, #tpu.memory_space<vmem>>, %arg20: memref<2000xi32, #tpu.memory_space<vmem>>, %arg21: memref<2000xi32, #tpu.memory_space<vmem>>, %arg22: memref<2000xi32, #tpu.memory_space<vmem>>, %arg23: memref<2000xi32, #tpu.memory_space<vmem>>, %arg24: memref<2000xi32, #tpu.memory_space<vmem>>, %arg25: memref<2000xi32, #tpu.memory_space<vmem>>, %arg26: memref<2000xf32, #tpu.memory_space<vmem>>, %arg27: memref<2000xf32, #tpu.memory_space<vmem>>, %arg28: memref<2000xf32, #tpu.memory_space<vmem>>, %arg29: memref<2000xf32, #tpu.memory_space<vmem>>, %arg30: memref<2000xf32, #tpu.memory_space<vmem>>, %arg31: memref<2000xf32, #tpu.memory_space<vmem>>, %arg32: memref<640xf32, #tpu.memory_space<vmem>>, %arg33: memref<10000xf32, #tpu.memory_space<vmem>>, %arg34: memref<!tpu.dma_semaphore, #tpu.memory_space<semaphore_mem>>, %arg35: memref<!tpu.dma_semaphore, #tpu.memory_space<semaphore_mem>>, %arg36: memref<!tpu.dma_semaphore, #tpu.memory_space<semaphore_mem>>, %arg37: memref<!tpu.dma_semaphore, #tpu.memory_space<semaphore_mem>>, %arg38: memref<!tpu.dma_semaphore, #tpu.memory_space<semaphore_mem>>, %arg39: memref<!tpu.dma_semaphore, #tpu.memory_space<semaphore_mem>>, %arg40: memref<!tpu.dma_semaphore, #tpu.memory_space<semaphore_mem>>, %arg41: memref<!tpu.dma_semaphore, #tpu.memory_space<semaphore_mem>>) attributes {dimension_semantics = [#tpu.dimension_semantics<core_parallel>, #tpu.dimension_semantics<subcore_parallel>], iteration_bounds = array<i64: 2, 16>, scalar_prefetch = 0 : i64, scratch_operands = 34 : i64, tpu.core_type = #tpu.core_type<sc_vector_subcore>, window_params = [{transform_indices = #map}, {transform_indices = #map}, {transform_indices = #map}, {transform_indices = #map}, {transform_indices = #map1}, {transform_indices = #map}]} {
    %mul3A = arith.constant 2 : i32
    %mul3A_0 = arith.muli %arg1, %mul3A : i32
    %add3A = arith.addi %mul3A_0, %arg0 : i32
    %mul3A_1 = arith.constant 10000 : i32
    %mul3A_2 = arith.muli %arg1, %mul3A_1 : i32
    "tpu.region"() ({
      %run_scoped3A = tpu.sem_alloc : memref<!tpu.dma_semaphore, #tpu.memory_space<semaphore_mem>>
      %dma_start3A_208 = tpu.memref_slice %arg2[%mul3A_2] : memref<160000xf32, #tpu.memory_space<hbm>> -> memref<10000xf32, #tpu.memory_space<hbm>>
      %dma_start3A_209 = tpu.memref_slice %arg2[%mul3A_2] : memref<160000xf32, #tpu.memory_space<hbm>> -> memref<10000xf32, #tpu.memory_space<hbm>>
      tpu.enqueue_dma source(%dma_start3A_209 : memref<10000xf32, #tpu.memory_space<hbm>>) target(%arg33 : memref<10000xf32, #tpu.memory_space<vmem>>) target_semaphore(%run_scoped3A : memref<!tpu.dma_semaphore, #tpu.memory_space<semaphore_mem>>)
      %dma_wait3A_210 = tpu.memref_slice %arg2[%mul3A_2] : memref<160000xf32, #tpu.memory_space<hbm>> -> memref<10000xf32, #tpu.memory_space<hbm>>
      %dma_wait3A_211 = tpu.memref_slice %arg2[%mul3A_2] : memref<160000xf32, #tpu.memory_space<hbm>> -> memref<10000xf32, #tpu.memory_space<hbm>>
      tpu.wait_dma2 semaphore(%run_scoped3A : memref<!tpu.dma_semaphore, #tpu.memory_space<semaphore_mem>>) src(%dma_wait3A_211 : memref<10000xf32, #tpu.memory_space<hbm>>) dst(%arg33 : memref<10000xf32, #tpu.memory_space<vmem>>)
      tpu.yield
    }) : () -> ()
    %mul3A_3 = arith.constant 10000 : i32
    %mul3A_4 = arith.muli %arg1, %mul3A_3 : i32
    "tpu.region"() ({
      %run_scoped3A = tpu.sem_alloc : memref<!tpu.dma_semaphore, #tpu.memory_space<semaphore_mem>>
      %dma_start3A_208 = tpu.memref_slice %arg8[%mul3A_4] : memref<160000xf32, #tpu.memory_space<vmem_shared>> -> memref<10000xf32, #tpu.memory_space<vmem_shared>>
      %dma_start3A_209 = tpu.memref_slice %arg8[%mul3A_4] : memref<160000xf32, #tpu.memory_space<vmem_shared>> -> memref<10000xf32, #tpu.memory_space<vmem_shared>>
      tpu.enqueue_dma source(%arg33 : memref<10000xf32, #tpu.memory_space<vmem>>) target(%dma_start3A_209 : memref<10000xf32, #tpu.memory_space<vmem_shared>>) target_semaphore(%run_scoped3A : memref<!tpu.dma_semaphore, #tpu.memory_space<semaphore_mem>>)
      %dma_wait3A_210 = tpu.memref_slice %arg8[%mul3A_4] : memref<160000xf32, #tpu.memory_space<vmem_shared>> -> memref<10000xf32, #tpu.memory_space<vmem_shared>>
      %dma_wait3A_211 = tpu.memref_slice %arg8[%mul3A_4] : memref<160000xf32, #tpu.memory_space<vmem_shared>> -> memref<10000xf32, #tpu.memory_space<vmem_shared>>
      tpu.wait_dma2 semaphore(%run_scoped3A : memref<!tpu.dma_semaphore, #tpu.memory_space<semaphore_mem>>) src(%arg33 : memref<10000xf32, #tpu.memory_space<vmem>>) dst(%dma_wait3A_211 : memref<10000xf32, #tpu.memory_space<vmem_shared>>)
      tpu.yield
    }) : () -> ()
    %scan3A = arith.constant 0 : i32
    %scan3A_5 = arith.constant 0 : i32
    %scan3A_6 = arith.constant 40 : i32
    %scan3A_7 = arith.addi %scan3A_5, %scan3A_6 : i32
    %scan3A_8 = arith.constant 1 : i32
    %scan3A_9 = scf.for %scan3A_208 = %scan3A_5 to %scan3A_7 step %scan3A_8 iter_args(%scan3A_209 = %scan3A) -> (i32)  : i32 {
      %broadcast_in_dim3A = arith.constant 0.000000e+00 : f32
      %broadcast_in_dim3A_210 = vector.broadcast %broadcast_in_dim3A : f32 to vector<16xf32>
      %mul3A_211 = arith.constant 16 : i32
      %mul3A_212 = arith.muli %scan3A_208, %mul3A_211 : i32
      %swap3A = arith.index_cast %mul3A_212 : i32 to index
      %swap3A_213 = tpu.vector_load %arg32[%swap3A] {strides = array<i32>} : memref<640xf32, #tpu.memory_space<vmem>>, vector<16xf32>,
      %swap3A_214 = vector.shape_cast %swap3A_213 : vector<16xf32> to vector<16xf32>
      %swap3A_215 = vector.shape_cast %broadcast_in_dim3A_210 : vector<16xf32> to vector<16xf32>
      tpu.vector_store %arg32[%swap3A], %swap3A_215 {strides = array<i32>} : memref<640xf32, #tpu.memory_space<vmem>>, vector<16xf32>,
      %scan3A_216 = arith.constant 0 : i32
      scf.yield %scan3A_216 : i32
    }
    %scan3A_10 = arith.constant 40 : i32
    %mul3A_11 = arith.constant 640 : i32
    %mul3A_12 = arith.muli %arg1, %mul3A_11 : i32
    "tpu.region"() ({
      %run_scoped3A = tpu.sem_alloc : memref<!tpu.dma_semaphore, #tpu.memory_space<semaphore_mem>>
      %dma_start3A_208 = tpu.memref_slice %arg9[%mul3A_12] : memref<10240xf32, #tpu.memory_space<vmem_shared>> -> memref<640xf32, #tpu.memory_space<vmem_shared>>
      %dma_start3A_209 = tpu.memref_slice %arg9[%mul3A_12] : memref<10240xf32, #tpu.memory_space<vmem_shared>> -> memref<640xf32, #tpu.memory_space<vmem_shared>>
      tpu.enqueue_dma source(%arg32 : memref<640xf32, #tpu.memory_space<vmem>>) target(%dma_start3A_209 : memref<640xf32, #tpu.memory_space<vmem_shared>>) target_semaphore(%run_scoped3A : memref<!tpu.dma_semaphore, #tpu.memory_space<semaphore_mem>>)
      %dma_wait3A_210 = tpu.memref_slice %arg9[%mul3A_12] : memref<10240xf32, #tpu.memory_space<vmem_shared>> -> memref<640xf32, #tpu.memory_space<vmem_shared>>
      %dma_wait3A_211 = tpu.memref_slice %arg9[%mul3A_12] : memref<10240xf32, #tpu.memory_space<vmem_shared>> -> memref<640xf32, #tpu.memory_space<vmem_shared>>
      tpu.wait_dma2 semaphore(%run_scoped3A : memref<!tpu.dma_semaphore, #tpu.memory_space<semaphore_mem>>) src(%arg32 : memref<640xf32, #tpu.memory_space<vmem>>) dst(%dma_wait3A_211 : memref<640xf32, #tpu.memory_space<vmem_shared>>)
      tpu.yield
    }) : () -> ()
    %barrier3A = arith.constant 0 : index
    tpu.barrier barrier_id(%barrier3A)
    %mul3A_13 = arith.constant 10000 : i32
    %mul3A_14 = arith.muli %add3A, %mul3A_13 : i32
    %add3A_15 = arith.constant 0 : i32
    %add3A_16 = arith.addi %mul3A_14, %add3A_15 : i32
    %dma_start3A = tpu.memref_slice %arg3[%add3A_16] : memref<320000xi32, #tpu.memory_space<hbm>> -> memref<2000xi32, #tpu.memory_space<hbm>>
    %dma_start3A_17 = tpu.memref_slice %arg3[%add3A_16] : memref<320000xi32, #tpu.memory_space<hbm>> -> memref<2000xi32, #tpu.memory_space<hbm>>
    tpu.enqueue_dma source(%dma_start3A_17 : memref<2000xi32, #tpu.memory_space<hbm>>) target(%arg10 : memref<2000xi32, #tpu.memory_space<vmem>>) target_semaphore(%arg34 : memref<!tpu.dma_semaphore, #tpu.memory_space<semaphore_mem>>)
    %dma_start3A_18 = tpu.memref_slice %arg4[%add3A_16] : memref<320000xi32, #tpu.memory_space<hbm>> -> memref<2000xi32, #tpu.memory_space<hbm>>
    %dma_start3A_19 = tpu.memref_slice %arg4[%add3A_16] : memref<320000xi32, #tpu.memory_space<hbm>> -> memref<2000xi32, #tpu.memory_space<hbm>>
    tpu.enqueue_dma source(%dma_start3A_19 : memref<2000xi32, #tpu.memory_space<hbm>>) target(%arg14 : memref<2000xi32, #tpu.memory_space<vmem>>) target_semaphore(%arg34 : memref<!tpu.dma_semaphore, #tpu.memory_space<semaphore_mem>>)
    %dma_start3A_20 = tpu.memref_slice %arg5[%add3A_16] : memref<320000xi32, #tpu.memory_space<hbm>> -> memref<2000xi32, #tpu.memory_space<hbm>>
    %dma_start3A_21 = tpu.memref_slice %arg5[%add3A_16] : memref<320000xi32, #tpu.memory_space<hbm>> -> memref<2000xi32, #tpu.memory_space<hbm>>
    tpu.enqueue_dma source(%dma_start3A_21 : memref<2000xi32, #tpu.memory_space<hbm>>) target(%arg18 : memref<2000xi32, #tpu.memory_space<vmem>>) target_semaphore(%arg34 : memref<!tpu.dma_semaphore, #tpu.memory_space<semaphore_mem>>)
    %add3A_22 = arith.constant 2000 : i32
    %add3A_23 = arith.addi %mul3A_14, %add3A_22 : i32
    %dma_start3A_24 = tpu.memref_slice %arg3[%add3A_23] : memref<320000xi32, #tpu.memory_space<hbm>> -> memref<2000xi32, #tpu.memory_space<hbm>>
    %dma_start3A_25 = tpu.memref_slice %arg3[%add3A_23] : memref<320000xi32, #tpu.memory_space<hbm>> -> memref<2000xi32, #tpu.memory_space<hbm>>
    tpu.enqueue_dma source(%dma_start3A_25 : memref<2000xi32, #tpu.memory_space<hbm>>) target(%arg11 : memref<2000xi32, #tpu.memory_space<vmem>>) target_semaphore(%arg35 : memref<!tpu.dma_semaphore, #tpu.memory_space<semaphore_mem>>)
    %dma_start3A_26 = tpu.memref_slice %arg4[%add3A_23] : memref<320000xi32, #tpu.memory_space<hbm>> -> memref<2000xi32, #tpu.memory_space<hbm>>
    %dma_start3A_27 = tpu.memref_slice %arg4[%add3A_23] : memref<320000xi32, #tpu.memory_space<hbm>> -> memref<2000xi32, #tpu.memory_space<hbm>>
    tpu.enqueue_dma source(%dma_start3A_27 : memref<2000xi32, #tpu.memory_space<hbm>>) target(%arg15 : memref<2000xi32, #tpu.memory_space<vmem>>) target_semaphore(%arg35 : memref<!tpu.dma_semaphore, #tpu.memory_space<semaphore_mem>>)
    %dma_start3A_28 = tpu.memref_slice %arg5[%add3A_23] : memref<320000xi32, #tpu.memory_space<hbm>> -> memref<2000xi32, #tpu.memory_space<hbm>>
    %dma_start3A_29 = tpu.memref_slice %arg5[%add3A_23] : memref<320000xi32, #tpu.memory_space<hbm>> -> memref<2000xi32, #tpu.memory_space<hbm>>
    tpu.enqueue_dma source(%dma_start3A_29 : memref<2000xi32, #tpu.memory_space<hbm>>) target(%arg19 : memref<2000xi32, #tpu.memory_space<vmem>>) target_semaphore(%arg35 : memref<!tpu.dma_semaphore, #tpu.memory_space<semaphore_mem>>)
    %dma_wait3A = tpu.memref_slice %arg3[%add3A_16] : memref<320000xi32, #tpu.memory_space<hbm>> -> memref<2000xi32, #tpu.memory_space<hbm>>
    %dma_wait3A_30 = tpu.memref_slice %arg3[%add3A_16] : memref<320000xi32, #tpu.memory_space<hbm>> -> memref<2000xi32, #tpu.memory_space<hbm>>
    tpu.wait_dma2 semaphore(%arg34 : memref<!tpu.dma_semaphore, #tpu.memory_space<semaphore_mem>>) src(%dma_wait3A_30 : memref<2000xi32, #tpu.memory_space<hbm>>) dst(%arg10 : memref<2000xi32, #tpu.memory_space<vmem>>)
    %dma_wait3A_31 = tpu.memref_slice %arg4[%add3A_16] : memref<320000xi32, #tpu.memory_space<hbm>> -> memref<2000xi32, #tpu.memory_space<hbm>>
    %dma_wait3A_32 = tpu.memref_slice %arg4[%add3A_16] : memref<320000xi32, #tpu.memory_space<hbm>> -> memref<2000xi32, #tpu.memory_space<hbm>>
    tpu.wait_dma2 semaphore(%arg34 : memref<!tpu.dma_semaphore, #tpu.memory_space<semaphore_mem>>) src(%dma_wait3A_32 : memref<2000xi32, #tpu.memory_space<hbm>>) dst(%arg14 : memref<2000xi32, #tpu.memory_space<vmem>>)
    %dma_wait3A_33 = tpu.memref_slice %arg5[%add3A_16] : memref<320000xi32, #tpu.memory_space<hbm>> -> memref<2000xi32, #tpu.memory_space<hbm>>
    %dma_wait3A_34 = tpu.memref_slice %arg5[%add3A_16] : memref<320000xi32, #tpu.memory_space<hbm>> -> memref<2000xi32, #tpu.memory_space<hbm>>
    tpu.wait_dma2 semaphore(%arg34 : memref<!tpu.dma_semaphore, #tpu.memory_space<semaphore_mem>>) src(%dma_wait3A_34 : memref<2000xi32, #tpu.memory_space<hbm>>) dst(%arg18 : memref<2000xi32, #tpu.memory_space<vmem>>)
    %scan3A_35 = arith.constant 0 : i32
    %scan3A_36 = arith.constant 0 : i32
    %scan3A_37 = arith.constant 125 : i32
    %scan3A_38 = arith.addi %scan3A_36, %scan3A_37 : i32
    %scan3A_39 = arith.constant 1 : i32
    %scan3A_40 = scf.for %scan3A_208 = %scan3A_36 to %scan3A_38 step %scan3A_39 iter_args(%scan3A_209 = %scan3A_35) -> (i32)  : i32 {
      %mul3A_210 = arith.constant 16 : i32
      %mul3A_211 = arith.muli %scan3A_208, %mul3A_210 : i32
      %get3A = arith.index_cast %mul3A_211 : i32 to index
      %get3A_212 = tpu.vector_load %arg18[%get3A] {strides = array<i32>} : memref<2000xi32, #tpu.memory_space<vmem>>, vector<16xi32>,
      %get3A_213 = vector.shape_cast %get3A_212 : vector<16xi32> to vector<16xi32>
      %get3A_214 = arith.index_cast %mul3A_211 : i32 to index
      %get3A_215 = tpu.vector_load %arg10[%get3A_214] {strides = array<i32>} : memref<2000xi32, #tpu.memory_space<vmem>>, vector<16xi32>,
      %get3A_216 = vector.shape_cast %get3A_215 : vector<16xi32> to vector<16xi32>
      %mul3A_217 = arith.constant 16 : i32
      %mul3A_218 = vector.broadcast %mul3A_217 : i32 to vector<16xi32>
      %mul3A_219 = arith.muli %get3A_216, %mul3A_218 : vector<16xi32>
      %add3A_220 = arith.addi %mul3A_219, %get3A_213 : vector<16xi32>
      %swap3A = arith.index_cast %mul3A_211 : i32 to index
      %swap3A_221 = tpu.vector_load %arg22[%swap3A] {strides = array<i32>} : memref<2000xi32, #tpu.memory_space<vmem>>, vector<16xi32>,
      %swap3A_222 = vector.shape_cast %swap3A_221 : vector<16xi32> to vector<16xi32>
      %swap3A_223 = vector.shape_cast %add3A_220 : vector<16xi32> to vector<16xi32>
      tpu.vector_store %arg22[%swap3A], %swap3A_223 {strides = array<i32>} : memref<2000xi32, #tpu.memory_space<vmem>>, vector<16xi32>,
      %get3A_224 = arith.index_cast %mul3A_211 : i32 to index
      %get3A_225 = tpu.vector_load %arg14[%get3A_224] {strides = array<i32>} : memref<2000xi32, #tpu.memory_space<vmem>>, vector<16xi32>,
      %get3A_226 = vector.shape_cast %get3A_225 : vector<16xi32> to vector<16xi32>
      %mul3A_227 = arith.constant 16 : i32
      %mul3A_228 = vector.broadcast %mul3A_227 : i32 to vector<16xi32>
      %mul3A_229 = arith.muli %get3A_226, %mul3A_228 : vector<16xi32>
      %add3A_230 = arith.constant 8 : i32
      %add3A_231 = vector.broadcast %add3A_230 : i32 to vector<16xi32>
      %add3A_232 = arith.addi %get3A_213, %add3A_231 : vector<16xi32>
      %add3A_233 = arith.addi %mul3A_229, %add3A_232 : vector<16xi32>
      %swap3A_234 = arith.index_cast %mul3A_211 : i32 to index
      %swap3A_235 = tpu.vector_load %arg24[%swap3A_234] {strides = array<i32>} : memref<2000xi32, #tpu.memory_space<vmem>>, vector<16xi32>,
      %swap3A_236 = vector.shape_cast %swap3A_235 : vector<16xi32> to vector<16xi32>
      %swap3A_237 = vector.shape_cast %add3A_233 : vector<16xi32> to vector<16xi32>
      tpu.vector_store %arg24[%swap3A_234], %swap3A_237 {strides = array<i32>} : memref<2000xi32, #tpu.memory_space<vmem>>, vector<16xi32>,
      %scan3A_238 = arith.constant 0 : i32
      scf.yield %scan3A_238 : i32
    }
    %scan3A_41 = arith.constant 125 : i32
    %dma_start3A_42 = arith.constant 0 : i32
    %dma_start3A_43 = tpu.memref_slice %arg8[%dma_start3A_42] : memref<160000xf32, #tpu.memory_space<vmem_shared>> -> memref<160000xf32, #tpu.memory_space<vmem_shared>>
    tpu.enqueue_indirect_dma source(%dma_start3A_43 : memref<160000xf32, #tpu.memory_space<vmem_shared>>) target(%arg26 : memref<2000xf32, #tpu.memory_space<vmem>>) offsets(%arg22 : memref<2000xi32, #tpu.memory_space<vmem>>) semaphore(%arg38 : memref<!tpu.dma_semaphore, #tpu.memory_space<semaphore_mem>>)
    %dma_start3A_44 = arith.constant 0 : i32
    %dma_start3A_45 = tpu.memref_slice %arg8[%dma_start3A_44] : memref<160000xf32, #tpu.memory_space<vmem_shared>> -> memref<160000xf32, #tpu.memory_space<vmem_shared>>
    tpu.enqueue_indirect_dma source(%dma_start3A_45 : memref<160000xf32, #tpu.memory_space<vmem_shared>>) target(%arg28 : memref<2000xf32, #tpu.memory_space<vmem>>) offsets(%arg24 : memref<2000xi32, #tpu.memory_space<vmem>>) semaphore(%arg38 : memref<!tpu.dma_semaphore, #tpu.memory_space<semaphore_mem>>)
    %add3A_46 = arith.constant 4000 : i32
    %add3A_47 = arith.addi %mul3A_14, %add3A_46 : i32
    %dma_start3A_48 = tpu.memref_slice %arg3[%add3A_47] : memref<320000xi32, #tpu.memory_space<hbm>> -> memref<2000xi32, #tpu.memory_space<hbm>>
    %dma_start3A_49 = tpu.memref_slice %arg3[%add3A_47] : memref<320000xi32, #tpu.memory_space<hbm>> -> memref<2000xi32, #tpu.memory_space<hbm>>
    tpu.enqueue_dma source(%dma_start3A_49 : memref<2000xi32, #tpu.memory_space<hbm>>) target(%arg12 : memref<2000xi32, #tpu.memory_space<vmem>>) target_semaphore(%arg36 : memref<!tpu.dma_semaphore, #tpu.memory_space<semaphore_mem>>)
    %dma_start3A_50 = tpu.memref_slice %arg4[%add3A_47] : memref<320000xi32, #tpu.memory_space<hbm>> -> memref<2000xi32, #tpu.memory_space<hbm>>
    %dma_start3A_51 = tpu.memref_slice %arg4[%add3A_47] : memref<320000xi32, #tpu.memory_space<hbm>> -> memref<2000xi32, #tpu.memory_space<hbm>>
    tpu.enqueue_dma source(%dma_start3A_51 : memref<2000xi32, #tpu.memory_space<hbm>>) target(%arg16 : memref<2000xi32, #tpu.memory_space<vmem>>) target_semaphore(%arg36 : memref<!tpu.dma_semaphore, #tpu.memory_space<semaphore_mem>>)
    %dma_start3A_52 = tpu.memref_slice %arg5[%add3A_47] : memref<320000xi32, #tpu.memory_space<hbm>> -> memref<2000xi32, #tpu.memory_space<hbm>>
    %dma_start3A_53 = tpu.memref_slice %arg5[%add3A_47] : memref<320000xi32, #tpu.memory_space<hbm>> -> memref<2000xi32, #tpu.memory_space<hbm>>
    tpu.enqueue_dma source(%dma_start3A_53 : memref<2000xi32, #tpu.memory_space<hbm>>) target(%arg20 : memref<2000xi32, #tpu.memory_space<vmem>>) target_semaphore(%arg36 : memref<!tpu.dma_semaphore, #tpu.memory_space<semaphore_mem>>)
    %dma_wait3A_54 = tpu.memref_slice %arg3[%add3A_23] : memref<320000xi32, #tpu.memory_space<hbm>> -> memref<2000xi32, #tpu.memory_space<hbm>>
    %dma_wait3A_55 = tpu.memref_slice %arg3[%add3A_23] : memref<320000xi32, #tpu.memory_space<hbm>> -> memref<2000xi32, #tpu.memory_space<hbm>>
    tpu.wait_dma2 semaphore(%arg35 : memref<!tpu.dma_semaphore, #tpu.memory_space<semaphore_mem>>) src(%dma_wait3A_55 : memref<2000xi32, #tpu.memory_space<hbm>>) dst(%arg11 : memref<2000xi32, #tpu.memory_space<vmem>>)
    %dma_wait3A_56 = tpu.memref_slice %arg4[%add3A_23] : memref<320000xi32, #tpu.memory_space<hbm>> -> memref<2000xi32, #tpu.memory_space<hbm>>
    %dma_wait3A_57 = tpu.memref_slice %arg4[%add3A_23] : memref<320000xi32, #tpu.memory_space<hbm>> -> memref<2000xi32, #tpu.memory_space<hbm>>
    tpu.wait_dma2 semaphore(%arg35 : memref<!tpu.dma_semaphore, #tpu.memory_space<semaphore_mem>>) src(%dma_wait3A_57 : memref<2000xi32, #tpu.memory_space<hbm>>) dst(%arg15 : memref<2000xi32, #tpu.memory_space<vmem>>)
    %dma_wait3A_58 = tpu.memref_slice %arg5[%add3A_23] : memref<320000xi32, #tpu.memory_space<hbm>> -> memref<2000xi32, #tpu.memory_space<hbm>>
    %dma_wait3A_59 = tpu.memref_slice %arg5[%add3A_23] : memref<320000xi32, #tpu.memory_space<hbm>> -> memref<2000xi32, #tpu.memory_space<hbm>>
    tpu.wait_dma2 semaphore(%arg35 : memref<!tpu.dma_semaphore, #tpu.memory_space<semaphore_mem>>) src(%dma_wait3A_59 : memref<2000xi32, #tpu.memory_space<hbm>>) dst(%arg19 : memref<2000xi32, #tpu.memory_space<vmem>>)
    %scan3A_60 = arith.constant 0 : i32
    %scan3A_61 = arith.constant 0 : i32
    %scan3A_62 = arith.constant 125 : i32
    %scan3A_63 = arith.addi %scan3A_61, %scan3A_62 : i32
    %scan3A_64 = arith.constant 1 : i32
    %scan3A_65 = scf.for %scan3A_208 = %scan3A_61 to %scan3A_63 step %scan3A_64 iter_args(%scan3A_209 = %scan3A_60) -> (i32)  : i32 {
      %mul3A_210 = arith.constant 16 : i32
      %mul3A_211 = arith.muli %scan3A_208, %mul3A_210 : i32
      %get3A = arith.index_cast %mul3A_211 : i32 to index
      %get3A_212 = tpu.vector_load %arg19[%get3A] {strides = array<i32>} : memref<2000xi32, #tpu.memory_space<vmem>>, vector<16xi32>,
      %get3A_213 = vector.shape_cast %get3A_212 : vector<16xi32> to vector<16xi32>
      %get3A_214 = arith.index_cast %mul3A_211 : i32 to index
      %get3A_215 = tpu.vector_load %arg11[%get3A_214] {strides = array<i32>} : memref<2000xi32, #tpu.memory_space<vmem>>, vector<16xi32>,
      %get3A_216 = vector.shape_cast %get3A_215 : vector<16xi32> to vector<16xi32>
      %mul3A_217 = arith.constant 16 : i32
      %mul3A_218 = vector.broadcast %mul3A_217 : i32 to vector<16xi32>
      %mul3A_219 = arith.muli %get3A_216, %mul3A_218 : vector<16xi32>
      %add3A_220 = arith.addi %mul3A_219, %get3A_213 : vector<16xi32>
      %swap3A = arith.index_cast %mul3A_211 : i32 to index
      %swap3A_221 = tpu.vector_load %arg23[%swap3A] {strides = array<i32>} : memref<2000xi32, #tpu.memory_space<vmem>>, vector<16xi32>,
      %swap3A_222 = vector.shape_cast %swap3A_221 : vector<16xi32> to vector<16xi32>
      %swap3A_223 = vector.shape_cast %add3A_220 : vector<16xi32> to vector<16xi32>
      tpu.vector_store %arg23[%swap3A], %swap3A_223 {strides = array<i32>} : memref<2000xi32, #tpu.memory_space<vmem>>, vector<16xi32>,
      %get3A_224 = arith.index_cast %mul3A_211 : i32 to index
      %get3A_225 = tpu.vector_load %arg15[%get3A_224] {strides = array<i32>} : memref<2000xi32, #tpu.memory_space<vmem>>, vector<16xi32>,
      %get3A_226 = vector.shape_cast %get3A_225 : vector<16xi32> to vector<16xi32>
      %mul3A_227 = arith.constant 16 : i32
      %mul3A_228 = vector.broadcast %mul3A_227 : i32 to vector<16xi32>
      %mul3A_229 = arith.muli %get3A_226, %mul3A_228 : vector<16xi32>
      %add3A_230 = arith.constant 8 : i32
      %add3A_231 = vector.broadcast %add3A_230 : i32 to vector<16xi32>
      %add3A_232 = arith.addi %get3A_213, %add3A_231 : vector<16xi32>
      %add3A_233 = arith.addi %mul3A_229, %add3A_232 : vector<16xi32>
      %swap3A_234 = arith.index_cast %mul3A_211 : i32 to index
      %swap3A_235 = tpu.vector_load %arg25[%swap3A_234] {strides = array<i32>} : memref<2000xi32, #tpu.memory_space<vmem>>, vector<16xi32>,
      %swap3A_236 = vector.shape_cast %swap3A_235 : vector<16xi32> to vector<16xi32>
      %swap3A_237 = vector.shape_cast %add3A_233 : vector<16xi32> to vector<16xi32>
      tpu.vector_store %arg25[%swap3A_234], %swap3A_237 {strides = array<i32>} : memref<2000xi32, #tpu.memory_space<vmem>>, vector<16xi32>,
      %scan3A_238 = arith.constant 0 : i32
      scf.yield %scan3A_238 : i32
    }
    %scan3A_66 = arith.constant 125 : i32
    %dma_start3A_67 = arith.constant 0 : i32
    %dma_start3A_68 = tpu.memref_slice %arg8[%dma_start3A_67] : memref<160000xf32, #tpu.memory_space<vmem_shared>> -> memref<160000xf32, #tpu.memory_space<vmem_shared>>
    tpu.enqueue_indirect_dma source(%dma_start3A_68 : memref<160000xf32, #tpu.memory_space<vmem_shared>>) target(%arg27 : memref<2000xf32, #tpu.memory_space<vmem>>) offsets(%arg23 : memref<2000xi32, #tpu.memory_space<vmem>>) semaphore(%arg39 : memref<!tpu.dma_semaphore, #tpu.memory_space<semaphore_mem>>)
    %dma_start3A_69 = arith.constant 0 : i32
    %dma_start3A_70 = tpu.memref_slice %arg8[%dma_start3A_69] : memref<160000xf32, #tpu.memory_space<vmem_shared>> -> memref<160000xf32, #tpu.memory_space<vmem_shared>>
    tpu.enqueue_indirect_dma source(%dma_start3A_70 : memref<160000xf32, #tpu.memory_space<vmem_shared>>) target(%arg29 : memref<2000xf32, #tpu.memory_space<vmem>>) offsets(%arg25 : memref<2000xi32, #tpu.memory_space<vmem>>) semaphore(%arg39 : memref<!tpu.dma_semaphore, #tpu.memory_space<semaphore_mem>>)
    %dma_wait3A_71 = arith.constant 0 : i32
    %dma_wait3A_72 = tpu.memref_slice %arg8[%dma_wait3A_71] : memref<160000xf32, #tpu.memory_space<vmem_shared>> -> memref<160000xf32, #tpu.memory_space<vmem_shared>>
    tpu.wait_indirect_dma semaphore(%arg38 : memref<!tpu.dma_semaphore, #tpu.memory_space<semaphore_mem>>) src(%dma_wait3A_72 : memref<160000xf32, #tpu.memory_space<vmem_shared>>) dst(%arg26 : memref<2000xf32, #tpu.memory_space<vmem>>)
    %dma_wait3A_73 = arith.constant 0 : i32
    %dma_wait3A_74 = tpu.memref_slice %arg8[%dma_wait3A_73] : memref<160000xf32, #tpu.memory_space<vmem_shared>> -> memref<160000xf32, #tpu.memory_space<vmem_shared>>
    tpu.wait_indirect_dma semaphore(%arg38 : memref<!tpu.dma_semaphore, #tpu.memory_space<semaphore_mem>>) src(%dma_wait3A_74 : memref<160000xf32, #tpu.memory_space<vmem_shared>>) dst(%arg28 : memref<2000xf32, #tpu.memory_space<vmem>>)
    %scan3A_75 = arith.constant 0 : i32
    %scan3A_76 = arith.constant 0 : i32
    %scan3A_77 = arith.constant 125 : i32
    %scan3A_78 = arith.addi %scan3A_76, %scan3A_77 : i32
    %scan3A_79 = arith.constant 1 : i32
    %scan3A_80 = scf.for %scan3A_208 = %scan3A_76 to %scan3A_78 step %scan3A_79 iter_args(%scan3A_209 = %scan3A_75) -> (i32)  : i32 {
      %mul3A_210 = arith.constant 16 : i32
      %mul3A_211 = arith.muli %scan3A_208, %mul3A_210 : i32
      %get3A = arith.index_cast %mul3A_211 : i32 to index
      %get3A_212 = tpu.vector_load %arg26[%get3A] {strides = array<i32>} : memref<2000xf32, #tpu.memory_space<vmem>>, vector<16xf32>,
      %get3A_213 = vector.shape_cast %get3A_212 : vector<16xf32> to vector<16xf32>
      %get3A_214 = arith.index_cast %mul3A_211 : i32 to index
      %get3A_215 = tpu.vector_load %arg28[%get3A_214] {strides = array<i32>} : memref<2000xf32, #tpu.memory_space<vmem>>, vector<16xf32>,
      %get3A_216 = vector.shape_cast %get3A_215 : vector<16xf32> to vector<16xf32>
      %add3A_217 = arith.addf %get3A_213, %get3A_216 : vector<16xf32>
      %mul3A_218 = arith.constant 2.000000e-01 : f32
      %mul3A_219 = vector.broadcast %mul3A_218 : f32 to vector<16xf32>
      %mul3A_220 = arith.mulf %mul3A_219, %add3A_217 : vector<16xf32>
      %max3A = arith.maximumf %add3A_217, %mul3A_220 : vector<16xf32>
      %exp3A = math.exp %max3A : vector<16xf32>
      %swap3A = arith.index_cast %mul3A_211 : i32 to index
      %swap3A_221 = tpu.vector_load %arg30[%swap3A] {strides = array<i32>} : memref<2000xf32, #tpu.memory_space<vmem>>, vector<16xf32>,
      %swap3A_222 = vector.shape_cast %swap3A_221 : vector<16xf32> to vector<16xf32>
      %swap3A_223 = vector.shape_cast %exp3A : vector<16xf32> to vector<16xf32>
      tpu.vector_store %arg30[%swap3A], %swap3A_223 {strides = array<i32>} : memref<2000xf32, #tpu.memory_space<vmem>>, vector<16xf32>,
      %scan3A_224 = arith.constant 0 : i32
      scf.yield %scan3A_224 : i32
    }
    %scan3A_81 = arith.constant 125 : i32
    %add3A_82 = arith.constant 0 : i32
    %add3A_83 = arith.addi %mul3A_14, %add3A_82 : i32
    "tpu.region"() ({
      %run_scoped3A = tpu.sem_alloc : memref<!tpu.dma_semaphore, #tpu.memory_space<semaphore_mem>>
      %dma_start3A_208 = tpu.memref_slice %arg7[%add3A_83] : memref<320000xf32, #tpu.memory_space<hbm>> -> memref<2000xf32, #tpu.memory_space<hbm>>
      %dma_start3A_209 = tpu.memref_slice %arg7[%add3A_83] : memref<320000xf32, #tpu.memory_space<hbm>> -> memref<2000xf32, #tpu.memory_space<hbm>>
      tpu.enqueue_dma source(%arg30 : memref<2000xf32, #tpu.memory_space<vmem>>) target(%dma_start3A_209 : memref<2000xf32, #tpu.memory_space<hbm>>) target_semaphore(%run_scoped3A : memref<!tpu.dma_semaphore, #tpu.memory_space<semaphore_mem>>)
      %dma_wait3A_210 = tpu.memref_slice %arg7[%add3A_83] : memref<320000xf32, #tpu.memory_space<hbm>> -> memref<2000xf32, #tpu.memory_space<hbm>>
      %dma_wait3A_211 = tpu.memref_slice %arg7[%add3A_83] : memref<320000xf32, #tpu.memory_space<hbm>> -> memref<2000xf32, #tpu.memory_space<hbm>>
      tpu.wait_dma2 semaphore(%run_scoped3A : memref<!tpu.dma_semaphore, #tpu.memory_space<semaphore_mem>>) src(%arg30 : memref<2000xf32, #tpu.memory_space<vmem>>) dst(%dma_wait3A_211 : memref<2000xf32, #tpu.memory_space<hbm>>)
      tpu.yield
    }) : () -> ()
    "tpu.region"() ({
      %run_scoped3A = tpu.sem_alloc : memref<!tpu.dma_semaphore, #tpu.memory_space<semaphore_mem>>
      %dma_start3A_208 = arith.constant 0 : i32
      %dma_start3A_209 = tpu.memref_slice %arg9[%dma_start3A_208] : memref<10240xf32, #tpu.memory_space<vmem_shared>> -> memref<10240xf32, #tpu.memory_space<vmem_shared>>
      tpu.enqueue_indirect_dma source(%arg30 : memref<2000xf32, #tpu.memory_space<vmem>>) target(%dma_start3A_209 : memref<10240xf32, #tpu.memory_space<vmem_shared>>) offsets(%arg14 : memref<2000xi32, #tpu.memory_space<vmem>>) semaphore(%run_scoped3A : memref<!tpu.dma_semaphore, #tpu.memory_space<semaphore_mem>>) {add = true}
      %dma_wait3A_210 = arith.constant 0 : i32
      %dma_wait3A_211 = tpu.memref_slice %arg9[%dma_wait3A_210] : memref<10240xf32, #tpu.memory_space<vmem_shared>> -> memref<10240xf32, #tpu.memory_space<vmem_shared>>
      tpu.wait_indirect_dma semaphore(%run_scoped3A : memref<!tpu.dma_semaphore, #tpu.memory_space<semaphore_mem>>) src(%arg30 : memref<2000xf32, #tpu.memory_space<vmem>>) dst(%dma_wait3A_211 : memref<10240xf32, #tpu.memory_space<vmem_shared>>)
      tpu.yield
    }) : () -> ()
    %add3A_84 = arith.constant 6000 : i32
    %add3A_85 = arith.addi %mul3A_14, %add3A_84 : i32
    %dma_start3A_86 = tpu.memref_slice %arg3[%add3A_85] : memref<320000xi32, #tpu.memory_space<hbm>> -> memref<2000xi32, #tpu.memory_space<hbm>>
    %dma_start3A_87 = tpu.memref_slice %arg3[%add3A_85] : memref<320000xi32, #tpu.memory_space<hbm>> -> memref<2000xi32, #tpu.memory_space<hbm>>
    tpu.enqueue_dma source(%dma_start3A_87 : memref<2000xi32, #tpu.memory_space<hbm>>) target(%arg13 : memref<2000xi32, #tpu.memory_space<vmem>>) target_semaphore(%arg37 : memref<!tpu.dma_semaphore, #tpu.memory_space<semaphore_mem>>)
    %dma_start3A_88 = tpu.memref_slice %arg4[%add3A_85] : memref<320000xi32, #tpu.memory_space<hbm>> -> memref<2000xi32, #tpu.memory_space<hbm>>
    %dma_start3A_89 = tpu.memref_slice %arg4[%add3A_85] : memref<320000xi32, #tpu.memory_space<hbm>> -> memref<2000xi32, #tpu.memory_space<hbm>>
    tpu.enqueue_dma source(%dma_start3A_89 : memref<2000xi32, #tpu.memory_space<hbm>>) target(%arg17 : memref<2000xi32, #tpu.memory_space<vmem>>) target_semaphore(%arg37 : memref<!tpu.dma_semaphore, #tpu.memory_space<semaphore_mem>>)
    %dma_start3A_90 = tpu.memref_slice %arg5[%add3A_85] : memref<320000xi32, #tpu.memory_space<hbm>> -> memref<2000xi32, #tpu.memory_space<hbm>>
    %dma_start3A_91 = tpu.memref_slice %arg5[%add3A_85] : memref<320000xi32, #tpu.memory_space<hbm>> -> memref<2000xi32, #tpu.memory_space<hbm>>
    tpu.enqueue_dma source(%dma_start3A_91 : memref<2000xi32, #tpu.memory_space<hbm>>) target(%arg21 : memref<2000xi32, #tpu.memory_space<vmem>>) target_semaphore(%arg37 : memref<!tpu.dma_semaphore, #tpu.memory_space<semaphore_mem>>)
    %dma_wait3A_92 = tpu.memref_slice %arg3[%add3A_47] : memref<320000xi32, #tpu.memory_space<hbm>> -> memref<2000xi32, #tpu.memory_space<hbm>>
    %dma_wait3A_93 = tpu.memref_slice %arg3[%add3A_47] : memref<320000xi32, #tpu.memory_space<hbm>> -> memref<2000xi32, #tpu.memory_space<hbm>>
    tpu.wait_dma2 semaphore(%arg36 : memref<!tpu.dma_semaphore, #tpu.memory_space<semaphore_mem>>) src(%dma_wait3A_93 : memref<2000xi32, #tpu.memory_space<hbm>>) dst(%arg12 : memref<2000xi32, #tpu.memory_space<vmem>>)
    %dma_wait3A_94 = tpu.memref_slice %arg4[%add3A_47] : memref<320000xi32, #tpu.memory_space<hbm>> -> memref<2000xi32, #tpu.memory_space<hbm>>
    %dma_wait3A_95 = tpu.memref_slice %arg4[%add3A_47] : memref<320000xi32, #tpu.memory_space<hbm>> -> memref<2000xi32, #tpu.memory_space<hbm>>
    tpu.wait_dma2 semaphore(%arg36 : memref<!tpu.dma_semaphore, #tpu.memory_space<semaphore_mem>>) src(%dma_wait3A_95 : memref<2000xi32, #tpu.memory_space<hbm>>) dst(%arg16 : memref<2000xi32, #tpu.memory_space<vmem>>)
    %dma_wait3A_96 = tpu.memref_slice %arg5[%add3A_47] : memref<320000xi32, #tpu.memory_space<hbm>> -> memref<2000xi32, #tpu.memory_space<hbm>>
    %dma_wait3A_97 = tpu.memref_slice %arg5[%add3A_47] : memref<320000xi32, #tpu.memory_space<hbm>> -> memref<2000xi32, #tpu.memory_space<hbm>>
    tpu.wait_dma2 semaphore(%arg36 : memref<!tpu.dma_semaphore, #tpu.memory_space<semaphore_mem>>) src(%dma_wait3A_97 : memref<2000xi32, #tpu.memory_space<hbm>>) dst(%arg20 : memref<2000xi32, #tpu.memory_space<vmem>>)
    %scan3A_98 = arith.constant 0 : i32
    %scan3A_99 = arith.constant 0 : i32
    %scan3A_100 = arith.constant 125 : i32
    %scan3A_101 = arith.addi %scan3A_99, %scan3A_100 : i32
    %scan3A_102 = arith.constant 1 : i32
    %scan3A_103 = scf.for %scan3A_208 = %scan3A_99 to %scan3A_101 step %scan3A_102 iter_args(%scan3A_209 = %scan3A_98) -> (i32)  : i32 {
      %mul3A_210 = arith.constant 16 : i32
      %mul3A_211 = arith.muli %scan3A_208, %mul3A_210 : i32
      %get3A = arith.index_cast %mul3A_211 : i32 to index
      %get3A_212 = tpu.vector_load %arg20[%get3A] {strides = array<i32>} : memref<2000xi32, #tpu.memory_space<vmem>>, vector<16xi32>,
      %get3A_213 = vector.shape_cast %get3A_212 : vector<16xi32> to vector<16xi32>
      %get3A_214 = arith.index_cast %mul3A_211 : i32 to index
      %get3A_215 = tpu.vector_load %arg12[%get3A_214] {strides = array<i32>} : memref<2000xi32, #tpu.memory_space<vmem>>, vector<16xi32>,
      %get3A_216 = vector.shape_cast %get3A_215 : vector<16xi32> to vector<16xi32>
      %mul3A_217 = arith.constant 16 : i32
      %mul3A_218 = vector.broadcast %mul3A_217 : i32 to vector<16xi32>
      %mul3A_219 = arith.muli %get3A_216, %mul3A_218 : vector<16xi32>
      %add3A_220 = arith.addi %mul3A_219, %get3A_213 : vector<16xi32>
      %swap3A = arith.index_cast %mul3A_211 : i32 to index
      %swap3A_221 = tpu.vector_load %arg22[%swap3A] {strides = array<i32>} : memref<2000xi32, #tpu.memory_space<vmem>>, vector<16xi32>,
      %swap3A_222 = vector.shape_cast %swap3A_221 : vector<16xi32> to vector<16xi32>
      %swap3A_223 = vector.shape_cast %add3A_220 : vector<16xi32> to vector<16xi32>
      tpu.vector_store %arg22[%swap3A], %swap3A_223 {strides = array<i32>} : memref<2000xi32, #tpu.memory_space<vmem>>, vector<16xi32>,
      %get3A_224 = arith.index_cast %mul3A_211 : i32 to index
      %get3A_225 = tpu.vector_load %arg16[%get3A_224] {strides = array<i32>} : memref<2000xi32, #tpu.memory_space<vmem>>, vector<16xi32>,
      %get3A_226 = vector.shape_cast %get3A_225 : vector<16xi32> to vector<16xi32>
      %mul3A_227 = arith.constant 16 : i32
      %mul3A_228 = vector.broadcast %mul3A_227 : i32 to vector<16xi32>
      %mul3A_229 = arith.muli %get3A_226, %mul3A_228 : vector<16xi32>
      %add3A_230 = arith.constant 8 : i32
      %add3A_231 = vector.broadcast %add3A_230 : i32 to vector<16xi32>
      %add3A_232 = arith.addi %get3A_213, %add3A_231 : vector<16xi32>
      %add3A_233 = arith.addi %mul3A_229, %add3A_232 : vector<16xi32>
      %swap3A_234 = arith.index_cast %mul3A_211 : i32 to index
      %swap3A_235 = tpu.vector_load %arg24[%swap3A_234] {strides = array<i32>} : memref<2000xi32, #tpu.memory_space<vmem>>, vector<16xi32>,
      %swap3A_236 = vector.shape_cast %swap3A_235 : vector<16xi32> to vector<16xi32>
      %swap3A_237 = vector.shape_cast %add3A_233 : vector<16xi32> to vector<16xi32>
      tpu.vector_store %arg24[%swap3A_234], %swap3A_237 {strides = array<i32>} : memref<2000xi32, #tpu.memory_space<vmem>>, vector<16xi32>,
      %scan3A_238 = arith.constant 0 : i32
      scf.yield %scan3A_238 : i32
    }
    %scan3A_104 = arith.constant 125 : i32
    %dma_start3A_105 = arith.constant 0 : i32
    %dma_start3A_106 = tpu.memref_slice %arg8[%dma_start3A_105] : memref<160000xf32, #tpu.memory_space<vmem_shared>> -> memref<160000xf32, #tpu.memory_space<vmem_shared>>
    tpu.enqueue_indirect_dma source(%dma_start3A_106 : memref<160000xf32, #tpu.memory_space<vmem_shared>>) target(%arg26 : memref<2000xf32, #tpu.memory_space<vmem>>) offsets(%arg22 : memref<2000xi32, #tpu.memory_space<vmem>>) semaphore(%arg38 : memref<!tpu.dma_semaphore, #tpu.memory_space<semaphore_mem>>)
    %dma_start3A_107 = arith.constant 0 : i32
    %dma_start3A_108 = tpu.memref_slice %arg8[%dma_start3A_107] : memref<160000xf32, #tpu.memory_space<vmem_shared>> -> memref<160000xf32, #tpu.memory_space<vmem_shared>>
    tpu.enqueue_indirect_dma source(%dma_start3A_108 : memref<160000xf32, #tpu.memory_space<vmem_shared>>) target(%arg28 : memref<2000xf32, #tpu.memory_space<vmem>>) offsets(%arg24 : memref<2000xi32, #tpu.memory_space<vmem>>) semaphore(%arg38 : memref<!tpu.dma_semaphore, #tpu.memory_space<semaphore_mem>>)
    %dma_wait3A_109 = arith.constant 0 : i32
    %dma_wait3A_110 = tpu.memref_slice %arg8[%dma_wait3A_109] : memref<160000xf32, #tpu.memory_space<vmem_shared>> -> memref<160000xf32, #tpu.memory_space<vmem_shared>>
    tpu.wait_indirect_dma semaphore(%arg39 : memref<!tpu.dma_semaphore, #tpu.memory_space<semaphore_mem>>) src(%dma_wait3A_110 : memref<160000xf32, #tpu.memory_space<vmem_shared>>) dst(%arg27 : memref<2000xf32, #tpu.memory_space<vmem>>)
    %dma_wait3A_111 = arith.constant 0 : i32
    %dma_wait3A_112 = tpu.memref_slice %arg8[%dma_wait3A_111] : memref<160000xf32, #tpu.memory_space<vmem_shared>> -> memref<160000xf32, #tpu.memory_space<vmem_shared>>
    tpu.wait_indirect_dma semaphore(%arg39 : memref<!tpu.dma_semaphore, #tpu.memory_space<semaphore_mem>>) src(%dma_wait3A_112 : memref<160000xf32, #tpu.memory_space<vmem_shared>>) dst(%arg29 : memref<2000xf32, #tpu.memory_space<vmem>>)
    %scan3A_113 = arith.constant 0 : i32
    %scan3A_114 = arith.constant 0 : i32
    %scan3A_115 = arith.constant 125 : i32
    %scan3A_116 = arith.addi %scan3A_114, %scan3A_115 : i32
    %scan3A_117 = arith.constant 1 : i32
    %scan3A_118 = scf.for %scan3A_208 = %scan3A_114 to %scan3A_116 step %scan3A_117 iter_args(%scan3A_209 = %scan3A_113) -> (i32)  : i32 {
      %mul3A_210 = arith.constant 16 : i32
      %mul3A_211 = arith.muli %scan3A_208, %mul3A_210 : i32
      %get3A = arith.index_cast %mul3A_211 : i32 to index
      %get3A_212 = tpu.vector_load %arg27[%get3A] {strides = array<i32>} : memref<2000xf32, #tpu.memory_space<vmem>>, vector<16xf32>,
      %get3A_213 = vector.shape_cast %get3A_212 : vector<16xf32> to vector<16xf32>
      %get3A_214 = arith.index_cast %mul3A_211 : i32 to index
      %get3A_215 = tpu.vector_load %arg29[%get3A_214] {strides = array<i32>} : memref<2000xf32, #tpu.memory_space<vmem>>, vector<16xf32>,
      %get3A_216 = vector.shape_cast %get3A_215 : vector<16xf32> to vector<16xf32>
      %add3A_217 = arith.addf %get3A_213, %get3A_216 : vector<16xf32>
      %mul3A_218 = arith.constant 2.000000e-01 : f32
      %mul3A_219 = vector.broadcast %mul3A_218 : f32 to vector<16xf32>
      %mul3A_220 = arith.mulf %mul3A_219, %add3A_217 : vector<16xf32>
      %max3A = arith.maximumf %add3A_217, %mul3A_220 : vector<16xf32>
      %exp3A = math.exp %max3A : vector<16xf32>
      %swap3A = arith.index_cast %mul3A_211 : i32 to index
      %swap3A_221 = tpu.vector_load %arg31[%swap3A] {strides = array<i32>} : memref<2000xf32, #tpu.memory_space<vmem>>, vector<16xf32>,
      %swap3A_222 = vector.shape_cast %swap3A_221 : vector<16xf32> to vector<16xf32>
      %swap3A_223 = vector.shape_cast %exp3A : vector<16xf32> to vector<16xf32>
      tpu.vector_store %arg31[%swap3A], %swap3A_223 {strides = array<i32>} : memref<2000xf32, #tpu.memory_space<vmem>>, vector<16xf32>,
      %scan3A_224 = arith.constant 0 : i32
      scf.yield %scan3A_224 : i32
    }
    %scan3A_119 = arith.constant 125 : i32
    %add3A_120 = arith.constant 2000 : i32
    %add3A_121 = arith.addi %mul3A_14, %add3A_120 : i32
    "tpu.region"() ({
      %run_scoped3A = tpu.sem_alloc : memref<!tpu.dma_semaphore, #tpu.memory_space<semaphore_mem>>
      %dma_start3A_208 = tpu.memref_slice %arg7[%add3A_121] : memref<320000xf32, #tpu.memory_space<hbm>> -> memref<2000xf32, #tpu.memory_space<hbm>>
      %dma_start3A_209 = tpu.memref_slice %arg7[%add3A_121] : memref<320000xf32, #tpu.memory_space<hbm>> -> memref<2000xf32, #tpu.memory_space<hbm>>
      tpu.enqueue_dma source(%arg31 : memref<2000xf32, #tpu.memory_space<vmem>>) target(%dma_start3A_209 : memref<2000xf32, #tpu.memory_space<hbm>>) target_semaphore(%run_scoped3A : memref<!tpu.dma_semaphore, #tpu.memory_space<semaphore_mem>>)
      %dma_wait3A_210 = tpu.memref_slice %arg7[%add3A_121] : memref<320000xf32, #tpu.memory_space<hbm>> -> memref<2000xf32, #tpu.memory_space<hbm>>
      %dma_wait3A_211 = tpu.memref_slice %arg7[%add3A_121] : memref<320000xf32, #tpu.memory_space<hbm>> -> memref<2000xf32, #tpu.memory_space<hbm>>
      tpu.wait_dma2 semaphore(%run_scoped3A : memref<!tpu.dma_semaphore, #tpu.memory_space<semaphore_mem>>) src(%arg31 : memref<2000xf32, #tpu.memory_space<vmem>>) dst(%dma_wait3A_211 : memref<2000xf32, #tpu.memory_space<hbm>>)
      tpu.yield
    }) : () -> ()
    "tpu.region"() ({
      %run_scoped3A = tpu.sem_alloc : memref<!tpu.dma_semaphore, #tpu.memory_space<semaphore_mem>>
      %dma_start3A_208 = arith.constant 0 : i32
      %dma_start3A_209 = tpu.memref_slice %arg9[%dma_start3A_208] : memref<10240xf32, #tpu.memory_space<vmem_shared>> -> memref<10240xf32, #tpu.memory_space<vmem_shared>>
      tpu.enqueue_indirect_dma source(%arg31 : memref<2000xf32, #tpu.memory_space<vmem>>) target(%dma_start3A_209 : memref<10240xf32, #tpu.memory_space<vmem_shared>>) offsets(%arg15 : memref<2000xi32, #tpu.memory_space<vmem>>) semaphore(%run_scoped3A : memref<!tpu.dma_semaphore, #tpu.memory_space<semaphore_mem>>) {add = true}
      %dma_wait3A_210 = arith.constant 0 : i32
      %dma_wait3A_211 = tpu.memref_slice %arg9[%dma_wait3A_210] : memref<10240xf32, #tpu.memory_space<vmem_shared>> -> memref<10240xf32, #tpu.memory_space<vmem_shared>>
      tpu.wait_indirect_dma semaphore(%run_scoped3A : memref<!tpu.dma_semaphore, #tpu.memory_space<semaphore_mem>>) src(%arg31 : memref<2000xf32, #tpu.memory_space<vmem>>) dst(%dma_wait3A_211 : memref<10240xf32, #tpu.memory_space<vmem_shared>>)
      tpu.yield
    }) : () -> ()
    %add3A_122 = arith.constant 8000 : i32
    %add3A_123 = arith.addi %mul3A_14, %add3A_122 : i32
    %dma_start3A_124 = tpu.memref_slice %arg3[%add3A_123] : memref<320000xi32, #tpu.memory_space<hbm>> -> memref<2000xi32, #tpu.memory_space<hbm>>
    %dma_start3A_125 = tpu.memref_slice %arg3[%add3A_123] : memref<320000xi32, #tpu.memory_space<hbm>> -> memref<2000xi32, #tpu.memory_space<hbm>>
    tpu.enqueue_dma source(%dma_start3A_125 : memref<2000xi32, #tpu.memory_space<hbm>>) target(%arg10 : memref<2000xi32, #tpu.memory_space<vmem>>) target_semaphore(%arg34 : memref<!tpu.dma_semaphore, #tpu.memory_space<semaphore_mem>>)
    %dma_start3A_126 = tpu.memref_slice %arg4[%add3A_123] : memref<320000xi32, #tpu.memory_space<hbm>> -> memref<2000xi32, #tpu.memory_space<hbm>>
    %dma_start3A_127 = tpu.memref_slice %arg4[%add3A_123] : memref<320000xi32, #tpu.memory_space<hbm>> -> memref<2000xi32, #tpu.memory_space<hbm>>
    tpu.enqueue_dma source(%dma_start3A_127 : memref<2000xi32, #tpu.memory_space<hbm>>) target(%arg14 : memref<2000xi32, #tpu.memory_space<vmem>>) target_semaphore(%arg34 : memref<!tpu.dma_semaphore, #tpu.memory_space<semaphore_mem>>)
    %dma_start3A_128 = tpu.memref_slice %arg5[%add3A_123] : memref<320000xi32, #tpu.memory_space<hbm>> -> memref<2000xi32, #tpu.memory_space<hbm>>
    %dma_start3A_129 = tpu.memref_slice %arg5[%add3A_123] : memref<320000xi32, #tpu.memory_space<hbm>> -> memref<2000xi32, #tpu.memory_space<hbm>>
    tpu.enqueue_dma source(%dma_start3A_129 : memref<2000xi32, #tpu.memory_space<hbm>>) target(%arg18 : memref<2000xi32, #tpu.memory_space<vmem>>) target_semaphore(%arg34 : memref<!tpu.dma_semaphore, #tpu.memory_space<semaphore_mem>>)
    %dma_wait3A_130 = tpu.memref_slice %arg3[%add3A_85] : memref<320000xi32, #tpu.memory_space<hbm>> -> memref<2000xi32, #tpu.memory_space<hbm>>
    %dma_wait3A_131 = tpu.memref_slice %arg3[%add3A_85] : memref<320000xi32, #tpu.memory_space<hbm>> -> memref<2000xi32, #tpu.memory_space<hbm>>
    tpu.wait_dma2 semaphore(%arg37 : memref<!tpu.dma_semaphore, #tpu.memory_space<semaphore_mem>>) src(%dma_wait3A_131 : memref<2000xi32, #tpu.memory_space<hbm>>) dst(%arg13 : memref<2000xi32, #tpu.memory_space<vmem>>)
    %dma_wait3A_132 = tpu.memref_slice %arg4[%add3A_85] : memref<320000xi32, #tpu.memory_space<hbm>> -> memref<2000xi32, #tpu.memory_space<hbm>>
    %dma_wait3A_133 = tpu.memref_slice %arg4[%add3A_85] : memref<320000xi32, #tpu.memory_space<hbm>> -> memref<2000xi32, #tpu.memory_space<hbm>>
    tpu.wait_dma2 semaphore(%arg37 : memref<!tpu.dma_semaphore, #tpu.memory_space<semaphore_mem>>) src(%dma_wait3A_133 : memref<2000xi32, #tpu.memory_space<hbm>>) dst(%arg17 : memref<2000xi32, #tpu.memory_space<vmem>>)
    %dma_wait3A_134 = tpu.memref_slice %arg5[%add3A_85] : memref<320000xi32, #tpu.memory_space<hbm>> -> memref<2000xi32, #tpu.memory_space<hbm>>
    %dma_wait3A_135 = tpu.memref_slice %arg5[%add3A_85] : memref<320000xi32, #tpu.memory_space<hbm>> -> memref<2000xi32, #tpu.memory_space<hbm>>
    tpu.wait_dma2 semaphore(%arg37 : memref<!tpu.dma_semaphore, #tpu.memory_space<semaphore_mem>>) src(%dma_wait3A_135 : memref<2000xi32, #tpu.memory_space<hbm>>) dst(%arg21 : memref<2000xi32, #tpu.memory_space<vmem>>)
    %scan3A_136 = arith.constant 0 : i32
    %scan3A_137 = arith.constant 0 : i32
    %scan3A_138 = arith.constant 125 : i32
    %scan3A_139 = arith.addi %scan3A_137, %scan3A_138 : i32
    %scan3A_140 = arith.constant 1 : i32
    %scan3A_141 = scf.for %scan3A_208 = %scan3A_137 to %scan3A_139 step %scan3A_140 iter_args(%scan3A_209 = %scan3A_136) -> (i32)  : i32 {
      %mul3A_210 = arith.constant 16 : i32
      %mul3A_211 = arith.muli %scan3A_208, %mul3A_210 : i32
      %get3A = arith.index_cast %mul3A_211 : i32 to index
      %get3A_212 = tpu.vector_load %arg21[%get3A] {strides = array<i32>} : memref<2000xi32, #tpu.memory_space<vmem>>, vector<16xi32>,
      %get3A_213 = vector.shape_cast %get3A_212 : vector<16xi32> to vector<16xi32>
      %get3A_214 = arith.index_cast %mul3A_211 : i32 to index
      %get3A_215 = tpu.vector_load %arg13[%get3A_214] {strides = array<i32>} : memref<2000xi32, #tpu.memory_space<vmem>>, vector<16xi32>,
      %get3A_216 = vector.shape_cast %get3A_215 : vector<16xi32> to vector<16xi32>
      %mul3A_217 = arith.constant 16 : i32
      %mul3A_218 = vector.broadcast %mul3A_217 : i32 to vector<16xi32>
      %mul3A_219 = arith.muli %get3A_216, %mul3A_218 : vector<16xi32>
      %add3A_220 = arith.addi %mul3A_219, %get3A_213 : vector<16xi32>
      %swap3A = arith.index_cast %mul3A_211 : i32 to index
      %swap3A_221 = tpu.vector_load %arg23[%swap3A] {strides = array<i32>} : memref<2000xi32, #tpu.memory_space<vmem>>, vector<16xi32>,
      %swap3A_222 = vector.shape_cast %swap3A_221 : vector<16xi32> to vector<16xi32>
      %swap3A_223 = vector.shape_cast %add3A_220 : vector<16xi32> to vector<16xi32>
      tpu.vector_store %arg23[%swap3A], %swap3A_223 {strides = array<i32>} : memref<2000xi32, #tpu.memory_space<vmem>>, vector<16xi32>,
      %get3A_224 = arith.index_cast %mul3A_211 : i32 to index
      %get3A_225 = tpu.vector_load %arg17[%get3A_224] {strides = array<i32>} : memref<2000xi32, #tpu.memory_space<vmem>>, vector<16xi32>,
      %get3A_226 = vector.shape_cast %get3A_225 : vector<16xi32> to vector<16xi32>
      %mul3A_227 = arith.constant 16 : i32
      %mul3A_228 = vector.broadcast %mul3A_227 : i32 to vector<16xi32>
      %mul3A_229 = arith.muli %get3A_226, %mul3A_228 : vector<16xi32>
      %add3A_230 = arith.constant 8 : i32
      %add3A_231 = vector.broadcast %add3A_230 : i32 to vector<16xi32>
      %add3A_232 = arith.addi %get3A_213, %add3A_231 : vector<16xi32>
      %add3A_233 = arith.addi %mul3A_229, %add3A_232 : vector<16xi32>
      %swap3A_234 = arith.index_cast %mul3A_211 : i32 to index
      %swap3A_235 = tpu.vector_load %arg25[%swap3A_234] {strides = array<i32>} : memref<2000xi32, #tpu.memory_space<vmem>>, vector<16xi32>,
      %swap3A_236 = vector.shape_cast %swap3A_235 : vector<16xi32> to vector<16xi32>
      %swap3A_237 = vector.shape_cast %add3A_233 : vector<16xi32> to vector<16xi32>
      tpu.vector_store %arg25[%swap3A_234], %swap3A_237 {strides = array<i32>} : memref<2000xi32, #tpu.memory_space<vmem>>, vector<16xi32>,
      %scan3A_238 = arith.constant 0 : i32
      scf.yield %scan3A_238 : i32
    }
    %scan3A_142 = arith.constant 125 : i32
    %dma_start3A_143 = arith.constant 0 : i32
    %dma_start3A_144 = tpu.memref_slice %arg8[%dma_start3A_143] : memref<160000xf32, #tpu.memory_space<vmem_shared>> -> memref<160000xf32, #tpu.memory_space<vmem_shared>>
    tpu.enqueue_indirect_dma source(%dma_start3A_144 : memref<160000xf32, #tpu.memory_space<vmem_shared>>) target(%arg27 : memref<2000xf32, #tpu.memory_space<vmem>>) offsets(%arg23 : memref<2000xi32, #tpu.memory_space<vmem>>) semaphore(%arg39 : memref<!tpu.dma_semaphore, #tpu.memory_space<semaphore_mem>>)
    %dma_start3A_145 = arith.constant 0 : i32
    %dma_start3A_146 = tpu.memref_slice %arg8[%dma_start3A_145] : memref<160000xf32, #tpu.memory_space<vmem_shared>> -> memref<160000xf32, #tpu.memory_space<vmem_shared>>
    tpu.enqueue_indirect_dma source(%dma_start3A_146 : memref<160000xf32, #tpu.memory_space<vmem_shared>>) target(%arg29 : memref<2000xf32, #tpu.memory_space<vmem>>) offsets(%arg25 : memref<2000xi32, #tpu.memory_space<vmem>>) semaphore(%arg39 : memref<!tpu.dma_semaphore, #tpu.memory_space<semaphore_mem>>)
    %dma_wait3A_147 = arith.constant 0 : i32
    %dma_wait3A_148 = tpu.memref_slice %arg8[%dma_wait3A_147] : memref<160000xf32, #tpu.memory_space<vmem_shared>> -> memref<160000xf32, #tpu.memory_space<vmem_shared>>
    tpu.wait_indirect_dma semaphore(%arg38 : memref<!tpu.dma_semaphore, #tpu.memory_space<semaphore_mem>>) src(%dma_wait3A_148 : memref<160000xf32, #tpu.memory_space<vmem_shared>>) dst(%arg26 : memref<2000xf32, #tpu.memory_space<vmem>>)
    %dma_wait3A_149 = arith.constant 0 : i32
    %dma_wait3A_150 = tpu.memref_slice %arg8[%dma_wait3A_149] : memref<160000xf32, #tpu.memory_space<vmem_shared>> -> memref<160000xf32, #tpu.memory_space<vmem_shared>>
    tpu.wait_indirect_dma semaphore(%arg38 : memref<!tpu.dma_semaphore, #tpu.memory_space<semaphore_mem>>) src(%dma_wait3A_150 : memref<160000xf32, #tpu.memory_space<vmem_shared>>) dst(%arg28 : memref<2000xf32, #tpu.memory_space<vmem>>)
    %scan3A_151 = arith.constant 0 : i32
    %scan3A_152 = arith.constant 0 : i32
    %scan3A_153 = arith.constant 125 : i32
    %scan3A_154 = arith.addi %scan3A_152, %scan3A_153 : i32
    %scan3A_155 = arith.constant 1 : i32
    %scan3A_156 = scf.for %scan3A_208 = %scan3A_152 to %scan3A_154 step %scan3A_155 iter_args(%scan3A_209 = %scan3A_151) -> (i32)  : i32 {
      %mul3A_210 = arith.constant 16 : i32
      %mul3A_211 = arith.muli %scan3A_208, %mul3A_210 : i32
      %get3A = arith.index_cast %mul3A_211 : i32 to index
      %get3A_212 = tpu.vector_load %arg26[%get3A] {strides = array<i32>} : memref<2000xf32, #tpu.memory_space<vmem>>, vector<16xf32>,
      %get3A_213 = vector.shape_cast %get3A_212 : vector<16xf32> to vector<16xf32>
      %get3A_214 = arith.index_cast %mul3A_211 : i32 to index
      %get3A_215 = tpu.vector_load %arg28[%get3A_214] {strides = array<i32>} : memref<2000xf32, #tpu.memory_space<vmem>>, vector<16xf32>,
      %get3A_216 = vector.shape_cast %get3A_215 : vector<16xf32> to vector<16xf32>
      %add3A_217 = arith.addf %get3A_213, %get3A_216 : vector<16xf32>
      %mul3A_218 = arith.constant 2.000000e-01 : f32
      %mul3A_219 = vector.broadcast %mul3A_218 : f32 to vector<16xf32>
      %mul3A_220 = arith.mulf %mul3A_219, %add3A_217 : vector<16xf32>
      %max3A = arith.maximumf %add3A_217, %mul3A_220 : vector<16xf32>
      %exp3A = math.exp %max3A : vector<16xf32>
      %swap3A = arith.index_cast %mul3A_211 : i32 to index
      %swap3A_221 = tpu.vector_load %arg30[%swap3A] {strides = array<i32>} : memref<2000xf32, #tpu.memory_space<vmem>>, vector<16xf32>,
      %swap3A_222 = vector.shape_cast %swap3A_221 : vector<16xf32> to vector<16xf32>
      %swap3A_223 = vector.shape_cast %exp3A : vector<16xf32> to vector<16xf32>
      tpu.vector_store %arg30[%swap3A], %swap3A_223 {strides = array<i32>} : memref<2000xf32, #tpu.memory_space<vmem>>, vector<16xf32>,
      %scan3A_224 = arith.constant 0 : i32
      scf.yield %scan3A_224 : i32
    }
    %scan3A_157 = arith.constant 125 : i32
    %add3A_158 = arith.constant 4000 : i32
    %add3A_159 = arith.addi %mul3A_14, %add3A_158 : i32
    "tpu.region"() ({
      %run_scoped3A = tpu.sem_alloc : memref<!tpu.dma_semaphore, #tpu.memory_space<semaphore_mem>>
      %dma_start3A_208 = tpu.memref_slice %arg7[%add3A_159] : memref<320000xf32, #tpu.memory_space<hbm>> -> memref<2000xf32, #tpu.memory_space<hbm>>
      %dma_start3A_209 = tpu.memref_slice %arg7[%add3A_159] : memref<320000xf32, #tpu.memory_space<hbm>> -> memref<2000xf32, #tpu.memory_space<hbm>>
      tpu.enqueue_dma source(%arg30 : memref<2000xf32, #tpu.memory_space<vmem>>) target(%dma_start3A_209 : memref<2000xf32, #tpu.memory_space<hbm>>) target_semaphore(%run_scoped3A : memref<!tpu.dma_semaphore, #tpu.memory_space<semaphore_mem>>)
      %dma_wait3A_210 = tpu.memref_slice %arg7[%add3A_159] : memref<320000xf32, #tpu.memory_space<hbm>> -> memref<2000xf32, #tpu.memory_space<hbm>>
      %dma_wait3A_211 = tpu.memref_slice %arg7[%add3A_159] : memref<320000xf32, #tpu.memory_space<hbm>> -> memref<2000xf32, #tpu.memory_space<hbm>>
      tpu.wait_dma2 semaphore(%run_scoped3A : memref<!tpu.dma_semaphore, #tpu.memory_space<semaphore_mem>>) src(%arg30 : memref<2000xf32, #tpu.memory_space<vmem>>) dst(%dma_wait3A_211 : memref<2000xf32, #tpu.memory_space<hbm>>)
      tpu.yield
    }) : () -> ()
    "tpu.region"() ({
      %run_scoped3A = tpu.sem_alloc : memref<!tpu.dma_semaphore, #tpu.memory_space<semaphore_mem>>
      %dma_start3A_208 = arith.constant 0 : i32
      %dma_start3A_209 = tpu.memref_slice %arg9[%dma_start3A_208] : memref<10240xf32, #tpu.memory_space<vmem_shared>> -> memref<10240xf32, #tpu.memory_space<vmem_shared>>
      tpu.enqueue_indirect_dma source(%arg30 : memref<2000xf32, #tpu.memory_space<vmem>>) target(%dma_start3A_209 : memref<10240xf32, #tpu.memory_space<vmem_shared>>) offsets(%arg16 : memref<2000xi32, #tpu.memory_space<vmem>>) semaphore(%run_scoped3A : memref<!tpu.dma_semaphore, #tpu.memory_space<semaphore_mem>>) {add = true}
      %dma_wait3A_210 = arith.constant 0 : i32
      %dma_wait3A_211 = tpu.memref_slice %arg9[%dma_wait3A_210] : memref<10240xf32, #tpu.memory_space<vmem_shared>> -> memref<10240xf32, #tpu.memory_space<vmem_shared>>
      tpu.wait_indirect_dma semaphore(%run_scoped3A : memref<!tpu.dma_semaphore, #tpu.memory_space<semaphore_mem>>) src(%arg30 : memref<2000xf32, #tpu.memory_space<vmem>>) dst(%dma_wait3A_211 : memref<10240xf32, #tpu.memory_space<vmem_shared>>)
      tpu.yield
    }) : () -> ()
    %dma_wait3A_160 = tpu.memref_slice %arg3[%add3A_123] : memref<320000xi32, #tpu.memory_space<hbm>> -> memref<2000xi32, #tpu.memory_space<hbm>>
    %dma_wait3A_161 = tpu.memref_slice %arg3[%add3A_123] : memref<320000xi32, #tpu.memory_space<hbm>> -> memref<2000xi32, #tpu.memory_space<hbm>>
    tpu.wait_dma2 semaphore(%arg34 : memref<!tpu.dma_semaphore, #tpu.memory_space<semaphore_mem>>) src(%dma_wait3A_161 : memref<2000xi32, #tpu.memory_space<hbm>>) dst(%arg10 : memref<2000xi32, #tpu.memory_space<vmem>>)
    %dma_wait3A_162 = tpu.memref_slice %arg4[%add3A_123] : memref<320000xi32, #tpu.memory_space<hbm>> -> memref<2000xi32, #tpu.memory_space<hbm>>
    %dma_wait3A_163 = tpu.memref_slice %arg4[%add3A_123] : memref<320000xi32, #tpu.memory_space<hbm>> -> memref<2000xi32, #tpu.memory_space<hbm>>
    tpu.wait_dma2 semaphore(%arg34 : memref<!tpu.dma_semaphore, #tpu.memory_space<semaphore_mem>>) src(%dma_wait3A_163 : memref<2000xi32, #tpu.memory_space<hbm>>) dst(%arg14 : memref<2000xi32, #tpu.memory_space<vmem>>)
    %dma_wait3A_164 = tpu.memref_slice %arg5[%add3A_123] : memref<320000xi32, #tpu.memory_space<hbm>> -> memref<2000xi32, #tpu.memory_space<hbm>>
    %dma_wait3A_165 = tpu.memref_slice %arg5[%add3A_123] : memref<320000xi32, #tpu.memory_space<hbm>> -> memref<2000xi32, #tpu.memory_space<hbm>>
    tpu.wait_dma2 semaphore(%arg34 : memref<!tpu.dma_semaphore, #tpu.memory_space<semaphore_mem>>) src(%dma_wait3A_165 : memref<2000xi32, #tpu.memory_space<hbm>>) dst(%arg18 : memref<2000xi32, #tpu.memory_space<vmem>>)
    %scan3A_166 = arith.constant 0 : i32
    %scan3A_167 = arith.constant 0 : i32
    %scan3A_168 = arith.constant 125 : i32
    %scan3A_169 = arith.addi %scan3A_167, %scan3A_168 : i32
    %scan3A_170 = arith.constant 1 : i32
    %scan3A_171 = scf.for %scan3A_208 = %scan3A_167 to %scan3A_169 step %scan3A_170 iter_args(%scan3A_209 = %scan3A_166) -> (i32)  : i32 {
      %mul3A_210 = arith.constant 16 : i32
      %mul3A_211 = arith.muli %scan3A_208, %mul3A_210 : i32
      %get3A = arith.index_cast %mul3A_211 : i32 to index
      %get3A_212 = tpu.vector_load %arg18[%get3A] {strides = array<i32>} : memref<2000xi32, #tpu.memory_space<vmem>>, vector<16xi32>,
      %get3A_213 = vector.shape_cast %get3A_212 : vector<16xi32> to vector<16xi32>
      %get3A_214 = arith.index_cast %mul3A_211 : i32 to index
      %get3A_215 = tpu.vector_load %arg10[%get3A_214] {strides = array<i32>} : memref<2000xi32, #tpu.memory_space<vmem>>, vector<16xi32>,
      %get3A_216 = vector.shape_cast %get3A_215 : vector<16xi32> to vector<16xi32>
      %mul3A_217 = arith.constant 16 : i32
      %mul3A_218 = vector.broadcast %mul3A_217 : i32 to vector<16xi32>
      %mul3A_219 = arith.muli %get3A_216, %mul3A_218 : vector<16xi32>
      %add3A_220 = arith.addi %mul3A_219, %get3A_213 : vector<16xi32>
      %swap3A = arith.index_cast %mul3A_211 : i32 to index
      %swap3A_221 = tpu.vector_load %arg22[%swap3A] {strides = array<i32>} : memref<2000xi32, #tpu.memory_space<vmem>>, vector<16xi32>,
      %swap3A_222 = vector.shape_cast %swap3A_221 : vector<16xi32> to vector<16xi32>
      %swap3A_223 = vector.shape_cast %add3A_220 : vector<16xi32> to vector<16xi32>
      tpu.vector_store %arg22[%swap3A], %swap3A_223 {strides = array<i32>} : memref<2000xi32, #tpu.memory_space<vmem>>, vector<16xi32>,
      %get3A_224 = arith.index_cast %mul3A_211 : i32 to index
      %get3A_225 = tpu.vector_load %arg14[%get3A_224] {strides = array<i32>} : memref<2000xi32, #tpu.memory_space<vmem>>, vector<16xi32>,
      %get3A_226 = vector.shape_cast %get3A_225 : vector<16xi32> to vector<16xi32>
      %mul3A_227 = arith.constant 16 : i32
      %mul3A_228 = vector.broadcast %mul3A_227 : i32 to vector<16xi32>
      %mul3A_229 = arith.muli %get3A_226, %mul3A_228 : vector<16xi32>
      %add3A_230 = arith.constant 8 : i32
      %add3A_231 = vector.broadcast %add3A_230 : i32 to vector<16xi32>
      %add3A_232 = arith.addi %get3A_213, %add3A_231 : vector<16xi32>
      %add3A_233 = arith.addi %mul3A_229, %add3A_232 : vector<16xi32>
      %swap3A_234 = arith.index_cast %mul3A_211 : i32 to index
      %swap3A_235 = tpu.vector_load %arg24[%swap3A_234] {strides = array<i32>} : memref<2000xi32, #tpu.memory_space<vmem>>, vector<16xi32>,
      %swap3A_236 = vector.shape_cast %swap3A_235 : vector<16xi32> to vector<16xi32>
      %swap3A_237 = vector.shape_cast %add3A_233 : vector<16xi32> to vector<16xi32>
      tpu.vector_store %arg24[%swap3A_234], %swap3A_237 {strides = array<i32>} : memref<2000xi32, #tpu.memory_space<vmem>>, vector<16xi32>,
      %scan3A_238 = arith.constant 0 : i32
      scf.yield %scan3A_238 : i32
    }
    %scan3A_172 = arith.constant 125 : i32
    %dma_start3A_173 = arith.constant 0 : i32
    %dma_start3A_174 = tpu.memref_slice %arg8[%dma_start3A_173] : memref<160000xf32, #tpu.memory_space<vmem_shared>> -> memref<160000xf32, #tpu.memory_space<vmem_shared>>
    tpu.enqueue_indirect_dma source(%dma_start3A_174 : memref<160000xf32, #tpu.memory_space<vmem_shared>>) target(%arg26 : memref<2000xf32, #tpu.memory_space<vmem>>) offsets(%arg22 : memref<2000xi32, #tpu.memory_space<vmem>>) semaphore(%arg38 : memref<!tpu.dma_semaphore, #tpu.memory_space<semaphore_mem>>)
    %dma_start3A_175 = arith.constant 0 : i32
    %dma_start3A_176 = tpu.memref_slice %arg8[%dma_start3A_175] : memref<160000xf32, #tpu.memory_space<vmem_shared>> -> memref<160000xf32, #tpu.memory_space<vmem_shared>>
    tpu.enqueue_indirect_dma source(%dma_start3A_176 : memref<160000xf32, #tpu.memory_space<vmem_shared>>) target(%arg28 : memref<2000xf32, #tpu.memory_space<vmem>>) offsets(%arg24 : memref<2000xi32, #tpu.memory_space<vmem>>) semaphore(%arg38 : memref<!tpu.dma_semaphore, #tpu.memory_space<semaphore_mem>>)
    %dma_wait3A_177 = arith.constant 0 : i32
    %dma_wait3A_178 = tpu.memref_slice %arg8[%dma_wait3A_177] : memref<160000xf32, #tpu.memory_space<vmem_shared>> -> memref<160000xf32, #tpu.memory_space<vmem_shared>>
    tpu.wait_indirect_dma semaphore(%arg39 : memref<!tpu.dma_semaphore, #tpu.memory_space<semaphore_mem>>) src(%dma_wait3A_178 : memref<160000xf32, #tpu.memory_space<vmem_shared>>) dst(%arg27 : memref<2000xf32, #tpu.memory_space<vmem>>)
    %dma_wait3A_179 = arith.constant 0 : i32
    %dma_wait3A_180 = tpu.memref_slice %arg8[%dma_wait3A_179] : memref<160000xf32, #tpu.memory_space<vmem_shared>> -> memref<160000xf32, #tpu.memory_space<vmem_shared>>
    tpu.wait_indirect_dma semaphore(%arg39 : memref<!tpu.dma_semaphore, #tpu.memory_space<semaphore_mem>>) src(%dma_wait3A_180 : memref<160000xf32, #tpu.memory_space<vmem_shared>>) dst(%arg29 : memref<2000xf32, #tpu.memory_space<vmem>>)
    %scan3A_181 = arith.constant 0 : i32
    %scan3A_182 = arith.constant 0 : i32
    %scan3A_183 = arith.constant 125 : i32
    %scan3A_184 = arith.addi %scan3A_182, %scan3A_183 : i32
    %scan3A_185 = arith.constant 1 : i32
    %scan3A_186 = scf.for %scan3A_208 = %scan3A_182 to %scan3A_184 step %scan3A_185 iter_args(%scan3A_209 = %scan3A_181) -> (i32)  : i32 {
      %mul3A_210 = arith.constant 16 : i32
      %mul3A_211 = arith.muli %scan3A_208, %mul3A_210 : i32
      %get3A = arith.index_cast %mul3A_211 : i32 to index
      %get3A_212 = tpu.vector_load %arg27[%get3A] {strides = array<i32>} : memref<2000xf32, #tpu.memory_space<vmem>>, vector<16xf32>,
      %get3A_213 = vector.shape_cast %get3A_212 : vector<16xf32> to vector<16xf32>
      %get3A_214 = arith.index_cast %mul3A_211 : i32 to index
      %get3A_215 = tpu.vector_load %arg29[%get3A_214] {strides = array<i32>} : memref<2000xf32, #tpu.memory_space<vmem>>, vector<16xf32>,
      %get3A_216 = vector.shape_cast %get3A_215 : vector<16xf32> to vector<16xf32>
      %add3A_217 = arith.addf %get3A_213, %get3A_216 : vector<16xf32>
      %mul3A_218 = arith.constant 2.000000e-01 : f32
      %mul3A_219 = vector.broadcast %mul3A_218 : f32 to vector<16xf32>
      %mul3A_220 = arith.mulf %mul3A_219, %add3A_217 : vector<16xf32>
      %max3A = arith.maximumf %add3A_217, %mul3A_220 : vector<16xf32>
      %exp3A = math.exp %max3A : vector<16xf32>
      %swap3A = arith.index_cast %mul3A_211 : i32 to index
      %swap3A_221 = tpu.vector_load %arg31[%swap3A] {strides = array<i32>} : memref<2000xf32, #tpu.memory_space<vmem>>, vector<16xf32>,
      %swap3A_222 = vector.shape_cast %swap3A_221 : vector<16xf32> to vector<16xf32>
      %swap3A_223 = vector.shape_cast %exp3A : vector<16xf32> to vector<16xf32>
      tpu.vector_store %arg31[%swap3A], %swap3A_223 {strides = array<i32>} : memref<2000xf32, #tpu.memory_space<vmem>>, vector<16xf32>,
      %scan3A_224 = arith.constant 0 : i32
      scf.yield %scan3A_224 : i32
    }
    %scan3A_187 = arith.constant 125 : i32
    %add3A_188 = arith.constant 6000 : i32
    %add3A_189 = arith.addi %mul3A_14, %add3A_188 : i32
    "tpu.region"() ({
      %run_scoped3A = tpu.sem_alloc : memref<!tpu.dma_semaphore, #tpu.memory_space<semaphore_mem>>
      %dma_start3A_208 = tpu.memref_slice %arg7[%add3A_189] : memref<320000xf32, #tpu.memory_space<hbm>> -> memref<2000xf32, #tpu.memory_space<hbm>>
      %dma_start3A_209 = tpu.memref_slice %arg7[%add3A_189] : memref<320000xf32, #tpu.memory_space<hbm>> -> memref<2000xf32, #tpu.memory_space<hbm>>
      tpu.enqueue_dma source(%arg31 : memref<2000xf32, #tpu.memory_space<vmem>>) target(%dma_start3A_209 : memref<2000xf32, #tpu.memory_space<hbm>>) target_semaphore(%run_scoped3A : memref<!tpu.dma_semaphore, #tpu.memory_space<semaphore_mem>>)
      %dma_wait3A_210 = tpu.memref_slice %arg7[%add3A_189] : memref<320000xf32, #tpu.memory_space<hbm>> -> memref<2000xf32, #tpu.memory_space<hbm>>
      %dma_wait3A_211 = tpu.memref_slice %arg7[%add3A_189] : memref<320000xf32, #tpu.memory_space<hbm>> -> memref<2000xf32, #tpu.memory_space<hbm>>
      tpu.wait_dma2 semaphore(%run_scoped3A : memref<!tpu.dma_semaphore, #tpu.memory_space<semaphore_mem>>) src(%arg31 : memref<2000xf32, #tpu.memory_space<vmem>>) dst(%dma_wait3A_211 : memref<2000xf32, #tpu.memory_space<hbm>>)
      tpu.yield
    }) : () -> ()
    "tpu.region"() ({
      %run_scoped3A = tpu.sem_alloc : memref<!tpu.dma_semaphore, #tpu.memory_space<semaphore_mem>>
      %dma_start3A_208 = arith.constant 0 : i32
      %dma_start3A_209 = tpu.memref_slice %arg9[%dma_start3A_208] : memref<10240xf32, #tpu.memory_space<vmem_shared>> -> memref<10240xf32, #tpu.memory_space<vmem_shared>>
      tpu.enqueue_indirect_dma source(%arg31 : memref<2000xf32, #tpu.memory_space<vmem>>) target(%dma_start3A_209 : memref<10240xf32, #tpu.memory_space<vmem_shared>>) offsets(%arg17 : memref<2000xi32, #tpu.memory_space<vmem>>) semaphore(%run_scoped3A : memref<!tpu.dma_semaphore, #tpu.memory_space<semaphore_mem>>) {add = true}
      %dma_wait3A_210 = arith.constant 0 : i32
      %dma_wait3A_211 = tpu.memref_slice %arg9[%dma_wait3A_210] : memref<10240xf32, #tpu.memory_space<vmem_shared>> -> memref<10240xf32, #tpu.memory_space<vmem_shared>>
      tpu.wait_indirect_dma semaphore(%run_scoped3A : memref<!tpu.dma_semaphore, #tpu.memory_space<semaphore_mem>>) src(%arg31 : memref<2000xf32, #tpu.memory_space<vmem>>) dst(%dma_wait3A_211 : memref<10240xf32, #tpu.memory_space<vmem_shared>>)
      tpu.yield
    }) : () -> ()
    %dma_wait3A_190 = arith.constant 0 : i32
    %dma_wait3A_191 = tpu.memref_slice %arg8[%dma_wait3A_190] : memref<160000xf32, #tpu.memory_space<vmem_shared>> -> memref<160000xf32, #tpu.memory_space<vmem_shared>>
    tpu.wait_indirect_dma semaphore(%arg38 : memref<!tpu.dma_semaphore, #tpu.memory_space<semaphore_mem>>) src(%dma_wait3A_191 : memref<160000xf32, #tpu.memory_space<vmem_shared>>) dst(%arg26 : memref<2000xf32, #tpu.memory_space<vmem>>)
    %dma_wait3A_192 = arith.constant 0 : i32
    %dma_wait3A_193 = tpu.memref_slice %arg8[%dma_wait3A_192] : memref<160000xf32, #tpu.memory_space<vmem_shared>> -> memref<160000xf32, #tpu.memory_space<vmem_shared>>
    tpu.wait_indirect_dma semaphore(%arg38 : memref<!tpu.dma_semaphore, #tpu.memory_space<semaphore_mem>>) src(%dma_wait3A_193 : memref<160000xf32, #tpu.memory_space<vmem_shared>>) dst(%arg28 : memref<2000xf32, #tpu.memory_space<vmem>>)
    %scan3A_194 = arith.constant 0 : i32
    %scan3A_195 = arith.constant 0 : i32
    %scan3A_196 = arith.constant 125 : i32
    %scan3A_197 = arith.addi %scan3A_195, %scan3A_196 : i32
    %scan3A_198 = arith.constant 1 : i32
    %scan3A_199 = scf.for %scan3A_208 = %scan3A_195 to %scan3A_197 step %scan3A_198 iter_args(%scan3A_209 = %scan3A_194) -> (i32)  : i32 {
      %mul3A_210 = arith.constant 16 : i32
      %mul3A_211 = arith.muli %scan3A_208, %mul3A_210 : i32
      %get3A = arith.index_cast %mul3A_211 : i32 to index
      %get3A_212 = tpu.vector_load %arg26[%get3A] {strides = array<i32>} : memref<2000xf32, #tpu.memory_space<vmem>>, vector<16xf32>,
      %get3A_213 = vector.shape_cast %get3A_212 : vector<16xf32> to vector<16xf32>
      %get3A_214 = arith.index_cast %mul3A_211 : i32 to index
      %get3A_215 = tpu.vector_load %arg28[%get3A_214] {strides = array<i32>} : memref<2000xf32, #tpu.memory_space<vmem>>, vector<16xf32>,
      %get3A_216 = vector.shape_cast %get3A_215 : vector<16xf32> to vector<16xf32>
      %add3A_217 = arith.addf %get3A_213, %get3A_216 : vector<16xf32>
      %mul3A_218 = arith.constant 2.000000e-01 : f32
      %mul3A_219 = vector.broadcast %mul3A_218 : f32 to vector<16xf32>
      %mul3A_220 = arith.mulf %mul3A_219, %add3A_217 : vector<16xf32>
      %max3A = arith.maximumf %add3A_217, %mul3A_220 : vector<16xf32>
      %exp3A = math.exp %max3A : vector<16xf32>
      %swap3A = arith.index_cast %mul3A_211 : i32 to index
      %swap3A_221 = tpu.vector_load %arg30[%swap3A] {strides = array<i32>} : memref<2000xf32, #tpu.memory_space<vmem>>, vector<16xf32>,
      %swap3A_222 = vector.shape_cast %swap3A_221 : vector<16xf32> to vector<16xf32>
      %swap3A_223 = vector.shape_cast %exp3A : vector<16xf32> to vector<16xf32>
      tpu.vector_store %arg30[%swap3A], %swap3A_223 {strides = array<i32>} : memref<2000xf32, #tpu.memory_space<vmem>>, vector<16xf32>,
      %scan3A_224 = arith.constant 0 : i32
      scf.yield %scan3A_224 : i32
    }
    %scan3A_200 = arith.constant 125 : i32
    %add3A_201 = arith.constant 8000 : i32
    %add3A_202 = arith.addi %mul3A_14, %add3A_201 : i32
    "tpu.region"() ({
      %run_scoped3A = tpu.sem_alloc : memref<!tpu.dma_semaphore, #tpu.memory_space<semaphore_mem>>
      %dma_start3A_208 = tpu.memref_slice %arg7[%add3A_202] : memref<320000xf32, #tpu.memory_space<hbm>> -> memref<2000xf32, #tpu.memory_space<hbm>>
      %dma_start3A_209 = tpu.memref_slice %arg7[%add3A_202] : memref<320000xf32, #tpu.memory_space<hbm>> -> memref<2000xf32, #tpu.memory_space<hbm>>
      tpu.enqueue_dma source(%arg30 : memref<2000xf32, #tpu.memory_space<vmem>>) target(%dma_start3A_209 : memref<2000xf32, #tpu.memory_space<hbm>>) target_semaphore(%run_scoped3A : memref<!tpu.dma_semaphore, #tpu.memory_space<semaphore_mem>>)
      %dma_wait3A_210 = tpu.memref_slice %arg7[%add3A_202] : memref<320000xf32, #tpu.memory_space<hbm>> -> memref<2000xf32, #tpu.memory_space<hbm>>
      %dma_wait3A_211 = tpu.memref_slice %arg7[%add3A_202] : memref<320000xf32, #tpu.memory_space<hbm>> -> memref<2000xf32, #tpu.memory_space<hbm>>
      tpu.wait_dma2 semaphore(%run_scoped3A : memref<!tpu.dma_semaphore, #tpu.memory_space<semaphore_mem>>) src(%arg30 : memref<2000xf32, #tpu.memory_space<vmem>>) dst(%dma_wait3A_211 : memref<2000xf32, #tpu.memory_space<hbm>>)
      tpu.yield
    }) : () -> ()
    "tpu.region"() ({
      %run_scoped3A = tpu.sem_alloc : memref<!tpu.dma_semaphore, #tpu.memory_space<semaphore_mem>>
      %dma_start3A_208 = arith.constant 0 : i32
      %dma_start3A_209 = tpu.memref_slice %arg9[%dma_start3A_208] : memref<10240xf32, #tpu.memory_space<vmem_shared>> -> memref<10240xf32, #tpu.memory_space<vmem_shared>>
      tpu.enqueue_indirect_dma source(%arg30 : memref<2000xf32, #tpu.memory_space<vmem>>) target(%dma_start3A_209 : memref<10240xf32, #tpu.memory_space<vmem_shared>>) offsets(%arg14 : memref<2000xi32, #tpu.memory_space<vmem>>) semaphore(%run_scoped3A : memref<!tpu.dma_semaphore, #tpu.memory_space<semaphore_mem>>) {add = true}
      %dma_wait3A_210 = arith.constant 0 : i32
      %dma_wait3A_211 = tpu.memref_slice %arg9[%dma_wait3A_210] : memref<10240xf32, #tpu.memory_space<vmem_shared>> -> memref<10240xf32, #tpu.memory_space<vmem_shared>>
      tpu.wait_indirect_dma semaphore(%run_scoped3A : memref<!tpu.dma_semaphore, #tpu.memory_space<semaphore_mem>>) src(%arg30 : memref<2000xf32, #tpu.memory_space<vmem>>) dst(%dma_wait3A_211 : memref<10240xf32, #tpu.memory_space<vmem_shared>>)
      tpu.yield
    }) : () -> ()
    %barrier3A_203 = arith.constant 0 : index
    tpu.barrier barrier_id(%barrier3A_203)
    %mul3A_204 = arith.constant 640 : i32
    %mul3A_205 = arith.muli %arg1, %mul3A_204 : i32
    "tpu.region"() ({
      %run_scoped3A = tpu.sem_alloc : memref<!tpu.dma_semaphore, #tpu.memory_space<semaphore_mem>>
      %dma_start3A_208 = tpu.memref_slice %arg9[%mul3A_205] : memref<10240xf32, #tpu.memory_space<vmem_shared>> -> memref<640xf32, #tpu.memory_space<vmem_shared>>
      %dma_start3A_209 = tpu.memref_slice %arg9[%mul3A_205] : memref<10240xf32, #tpu.memory_space<vmem_shared>> -> memref<640xf32, #tpu.memory_space<vmem_shared>>
      tpu.enqueue_dma source(%dma_start3A_209 : memref<640xf32, #tpu.memory_space<vmem_shared>>) target(%arg32 : memref<640xf32, #tpu.memory_space<vmem>>) target_semaphore(%run_scoped3A : memref<!tpu.dma_semaphore, #tpu.memory_space<semaphore_mem>>)
      %dma_wait3A_210 = tpu.memref_slice %arg9[%mul3A_205] : memref<10240xf32, #tpu.memory_space<vmem_shared>> -> memref<640xf32, #tpu.memory_space<vmem_shared>>
      %dma_wait3A_211 = tpu.memref_slice %arg9[%mul3A_205] : memref<10240xf32, #tpu.memory_space<vmem_shared>> -> memref<640xf32, #tpu.memory_space<vmem_shared>>
      tpu.wait_dma2 semaphore(%run_scoped3A : memref<!tpu.dma_semaphore, #tpu.memory_space<semaphore_mem>>) src(%dma_wait3A_211 : memref<640xf32, #tpu.memory_space<vmem_shared>>) dst(%arg32 : memref<640xf32, #tpu.memory_space<vmem>>)
      tpu.yield
    }) : () -> ()
    %mul3A_206 = arith.constant 640 : i32
    %mul3A_207 = arith.muli %arg1, %mul3A_206 : i32
    "tpu.region"() ({
      %run_scoped3A = tpu.sem_alloc : memref<!tpu.dma_semaphore, #tpu.memory_space<semaphore_mem>>
      %dma_start3A_208 = tpu.memref_slice %arg6[%arg0, %mul3A_207] : memref<2x10240xf32, #tpu.memory_space<hbm>> -> memref<1x640xf32, #tpu.memory_space<hbm>>
      %dma_start3A_209 = tpu.memref_squeeze %dma_start3A_208 : memref<1x640xf32, #tpu.memory_space<hbm>> -> memref<640xf32, #tpu.memory_space<hbm>>
      %dma_start3A_210 = tpu.memref_slice %arg6[%arg0, %mul3A_207] : memref<2x10240xf32, #tpu.memory_space<hbm>> -> memref<1x640xf32, #tpu.memory_space<hbm>>
      %dma_start3A_211 = tpu.memref_squeeze %dma_start3A_210 : memref<1x640xf32, #tpu.memory_space<hbm>> -> memref<640xf32, #tpu.memory_space<hbm>>
      tpu.enqueue_dma source(%arg32 : memref<640xf32, #tpu.memory_space<vmem>>) target(%dma_start3A_211 : memref<640xf32, #tpu.memory_space<hbm>>) target_semaphore(%run_scoped3A : memref<!tpu.dma_semaphore, #tpu.memory_space<semaphore_mem>>)
      %dma_wait3A_212 = tpu.memref_slice %arg6[%arg0, %mul3A_207] : memref<2x10240xf32, #tpu.memory_space<hbm>> -> memref<1x640xf32, #tpu.memory_space<hbm>>
      %dma_wait3A_213 = tpu.memref_squeeze %dma_wait3A_212 : memref<1x640xf32, #tpu.memory_space<hbm>> -> memref<640xf32, #tpu.memory_space<hbm>>
      %dma_wait3A_214 = tpu.memref_slice %arg6[%arg0, %mul3A_207] : memref<2x10240xf32, #tpu.memory_space<hbm>> -> memref<1x640xf32, #tpu.memory_space<hbm>>
      %dma_wait3A_215 = tpu.memref_squeeze %dma_wait3A_214 : memref<1x640xf32, #tpu.memory_space<hbm>> -> memref<640xf32, #tpu.memory_space<hbm>>
      tpu.wait_dma2 semaphore(%run_scoped3A : memref<!tpu.dma_semaphore, #tpu.memory_space<semaphore_mem>>) src(%arg32 : memref<640xf32, #tpu.memory_space<vmem>>) dst(%dma_wait3A_215 : memref<640xf32, #tpu.memory_space<hbm>>)
      tpu.yield
    }) : () -> ()
    return
  }
}

module attributes {stable_mosaic.version = 14 : i64} {
  func.func @_tc_pre_body(%arg0: i32, %arg1: memref<10000x128xf32, #tpu.memory_space<vmem>>, %arg2: memref<8x128x128xf32, #tpu.memory_space<vmem>>, %arg3: memref<256x1xf32, #tpu.memory_space<vmem>>, %arg4: memref<1x1xf32, #tpu.memory_space<vmem>>, %arg5: memref<10000x16xf32, #tpu.memory_space<vmem>>, %arg6: memref<1x128xf32, #tpu.memory_space<vmem>>) attributes {dimension_semantics = [#tpu.dimension_semantics<arbitrary>], iteration_bounds = array<i64: 1>, scalar_prefetch = 0 : i64, scratch_operands = 0 : i64, tpu.core_type = #tpu.core_type<tc>, window_params = [{pipeline_mode = #tpu.pipeline_mode<synchronous>, transform_indices = @transform_0, window_bounds = array<i64: 10000, 128>}, {pipeline_mode = #tpu.pipeline_mode<synchronous>, transform_indices = @transform_1, window_bounds = array<i64: 8, 128, 128>}, {pipeline_mode = #tpu.pipeline_mode<synchronous>, transform_indices = @transform_2, window_bounds = array<i64: 256, 1>}, {pipeline_mode = #tpu.pipeline_mode<synchronous>, transform_indices = @transform_3, window_bounds = array<i64: 1, 1>}, {pipeline_mode = #tpu.pipeline_mode<synchronous>, transform_indices = @transform_4, window_bounds = array<i64: 10000, 16>}, {pipeline_mode = #tpu.pipeline_mode<synchronous>, transform_indices = @transform_5, window_bounds = array<i64: 1, 128>}]} {
    %get3A = arith.constant 0 : index
    %get3A_0 = arith.constant 0 : index
    %get3A_1 = vector.load %arg3[%get3A, %get3A_0] : memref<256x1xf32, #tpu.memory_space<vmem>>, vector<128x1xf32>
    %get3A_2 = arith.constant 128 : index
    %get3A_3 = arith.constant 0 : index
    %get3A_4 = vector.load %arg3[%get3A_2, %get3A_3] : memref<256x1xf32, #tpu.memory_space<vmem>>, vector<128x1xf32>
    %get3A_5 = arith.constant 0 : index
    %get3A_6 = arith.constant 0 : index
    %get3A_7 = arith.constant 0 : index
    %get3A_8 = vector.load %arg2[%get3A_5, %get3A_6, %get3A_7] : memref<8x128x128xf32, #tpu.memory_space<vmem>>, vector<1x128x128xf32>
    %get3A_9 = vector.shape_cast %get3A_8 : vector<1x128x128xf32> to vector<128x128xf32>
    %dot_general3A = arith.constant dense<0.000000e+00> : vector<128x1xf32>
    %dot_general3A_10 = tpu.matmul %get3A_9, %get3A_1, %dot_general3A {dimension_numbers = #tpu.dot_dimension_numbers<[1], [0], [0], [1], [0, 0, 1, 1], [], []>, precision = #tpu.contract_precision<fp32>, transpose_lhs_hint = false} : vector<128x128xf32>, vector<128x1xf32>, vector<128x1xf32> -> vector<128x1xf32>
    %get3A_11 = arith.constant 1 : index
    %get3A_12 = arith.constant 0 : index
    %get3A_13 = arith.constant 0 : index
    %get3A_14 = vector.load %arg2[%get3A_11, %get3A_12, %get3A_13] : memref<8x128x128xf32, #tpu.memory_space<vmem>>, vector<1x128x128xf32>
    %get3A_15 = vector.shape_cast %get3A_14 : vector<1x128x128xf32> to vector<128x128xf32>
    %dot_general3A_16 = arith.constant dense<0.000000e+00> : vector<128x1xf32>
    %dot_general3A_17 = tpu.matmul %get3A_15, %get3A_1, %dot_general3A_16 {dimension_numbers = #tpu.dot_dimension_numbers<[1], [0], [0], [1], [0, 0, 1, 1], [], []>, precision = #tpu.contract_precision<fp32>, transpose_lhs_hint = false} : vector<128x128xf32>, vector<128x1xf32>, vector<128x1xf32> -> vector<128x1xf32>
    %get3A_18 = arith.constant 2 : index
    %get3A_19 = arith.constant 0 : index
    %get3A_20 = arith.constant 0 : index
    %get3A_21 = vector.load %arg2[%get3A_18, %get3A_19, %get3A_20] : memref<8x128x128xf32, #tpu.memory_space<vmem>>, vector<1x128x128xf32>
    %get3A_22 = vector.shape_cast %get3A_21 : vector<1x128x128xf32> to vector<128x128xf32>
    %dot_general3A_23 = arith.constant dense<0.000000e+00> : vector<128x1xf32>
    %dot_general3A_24 = tpu.matmul %get3A_22, %get3A_1, %dot_general3A_23 {dimension_numbers = #tpu.dot_dimension_numbers<[1], [0], [0], [1], [0, 0, 1, 1], [], []>, precision = #tpu.contract_precision<fp32>, transpose_lhs_hint = false} : vector<128x128xf32>, vector<128x1xf32>, vector<128x1xf32> -> vector<128x1xf32>
    %get3A_25 = arith.constant 3 : index
    %get3A_26 = arith.constant 0 : index
    %get3A_27 = arith.constant 0 : index
    %get3A_28 = vector.load %arg2[%get3A_25, %get3A_26, %get3A_27] : memref<8x128x128xf32, #tpu.memory_space<vmem>>, vector<1x128x128xf32>
    %get3A_29 = vector.shape_cast %get3A_28 : vector<1x128x128xf32> to vector<128x128xf32>
    %dot_general3A_30 = arith.constant dense<0.000000e+00> : vector<128x1xf32>
    %dot_general3A_31 = tpu.matmul %get3A_29, %get3A_1, %dot_general3A_30 {dimension_numbers = #tpu.dot_dimension_numbers<[1], [0], [0], [1], [0, 0, 1, 1], [], []>, precision = #tpu.contract_precision<fp32>, transpose_lhs_hint = false} : vector<128x128xf32>, vector<128x1xf32>, vector<128x1xf32> -> vector<128x1xf32>
    %get3A_32 = arith.constant 4 : index
    %get3A_33 = arith.constant 0 : index
    %get3A_34 = arith.constant 0 : index
    %get3A_35 = vector.load %arg2[%get3A_32, %get3A_33, %get3A_34] : memref<8x128x128xf32, #tpu.memory_space<vmem>>, vector<1x128x128xf32>
    %get3A_36 = vector.shape_cast %get3A_35 : vector<1x128x128xf32> to vector<128x128xf32>
    %dot_general3A_37 = arith.constant dense<0.000000e+00> : vector<128x1xf32>
    %dot_general3A_38 = tpu.matmul %get3A_36, %get3A_1, %dot_general3A_37 {dimension_numbers = #tpu.dot_dimension_numbers<[1], [0], [0], [1], [0, 0, 1, 1], [], []>, precision = #tpu.contract_precision<fp32>, transpose_lhs_hint = false} : vector<128x128xf32>, vector<128x1xf32>, vector<128x1xf32> -> vector<128x1xf32>
    %get3A_39 = arith.constant 5 : index
    %get3A_40 = arith.constant 0 : index
    %get3A_41 = arith.constant 0 : index
    %get3A_42 = vector.load %arg2[%get3A_39, %get3A_40, %get3A_41] : memref<8x128x128xf32, #tpu.memory_space<vmem>>, vector<1x128x128xf32>
    %get3A_43 = vector.shape_cast %get3A_42 : vector<1x128x128xf32> to vector<128x128xf32>
    %dot_general3A_44 = arith.constant dense<0.000000e+00> : vector<128x1xf32>
    %dot_general3A_45 = tpu.matmul %get3A_43, %get3A_1, %dot_general3A_44 {dimension_numbers = #tpu.dot_dimension_numbers<[1], [0], [0], [1], [0, 0, 1, 1], [], []>, precision = #tpu.contract_precision<fp32>, transpose_lhs_hint = false} : vector<128x128xf32>, vector<128x1xf32>, vector<128x1xf32> -> vector<128x1xf32>
    %get3A_46 = arith.constant 6 : index
    %get3A_47 = arith.constant 0 : index
    %get3A_48 = arith.constant 0 : index
    %get3A_49 = vector.load %arg2[%get3A_46, %get3A_47, %get3A_48] : memref<8x128x128xf32, #tpu.memory_space<vmem>>, vector<1x128x128xf32>
    %get3A_50 = vector.shape_cast %get3A_49 : vector<1x128x128xf32> to vector<128x128xf32>
    %dot_general3A_51 = arith.constant dense<0.000000e+00> : vector<128x1xf32>
    %dot_general3A_52 = tpu.matmul %get3A_50, %get3A_1, %dot_general3A_51 {dimension_numbers = #tpu.dot_dimension_numbers<[1], [0], [0], [1], [0, 0, 1, 1], [], []>, precision = #tpu.contract_precision<fp32>, transpose_lhs_hint = false} : vector<128x128xf32>, vector<128x1xf32>, vector<128x1xf32> -> vector<128x1xf32>
    %get3A_53 = arith.constant 7 : index
    %get3A_54 = arith.constant 0 : index
    %get3A_55 = arith.constant 0 : index
    %get3A_56 = vector.load %arg2[%get3A_53, %get3A_54, %get3A_55] : memref<8x128x128xf32, #tpu.memory_space<vmem>>, vector<1x128x128xf32>
    %get3A_57 = vector.shape_cast %get3A_56 : vector<1x128x128xf32> to vector<128x128xf32>
    %dot_general3A_58 = arith.constant dense<0.000000e+00> : vector<128x1xf32>
    %dot_general3A_59 = tpu.matmul %get3A_57, %get3A_1, %dot_general3A_58 {dimension_numbers = #tpu.dot_dimension_numbers<[1], [0], [0], [1], [0, 0, 1, 1], [], []>, precision = #tpu.contract_precision<fp32>, transpose_lhs_hint = false} : vector<128x128xf32>, vector<128x1xf32>, vector<128x1xf32> -> vector<128x1xf32>
    %get3A_60 = arith.constant 0 : index
    %get3A_61 = arith.constant 0 : index
    %get3A_62 = arith.constant 0 : index
    %get3A_63 = vector.load %arg2[%get3A_60, %get3A_61, %get3A_62] : memref<8x128x128xf32, #tpu.memory_space<vmem>>, vector<1x128x128xf32>
    %get3A_64 = vector.shape_cast %get3A_63 : vector<1x128x128xf32> to vector<128x128xf32>
    %dot_general3A_65 = arith.constant dense<0.000000e+00> : vector<128x1xf32>
    %dot_general3A_66 = tpu.matmul %get3A_64, %get3A_4, %dot_general3A_65 {dimension_numbers = #tpu.dot_dimension_numbers<[1], [0], [0], [1], [0, 0, 1, 1], [], []>, precision = #tpu.contract_precision<fp32>, transpose_lhs_hint = false} : vector<128x128xf32>, vector<128x1xf32>, vector<128x1xf32> -> vector<128x1xf32>
    %get3A_67 = arith.constant 1 : index
    %get3A_68 = arith.constant 0 : index
    %get3A_69 = arith.constant 0 : index
    %get3A_70 = vector.load %arg2[%get3A_67, %get3A_68, %get3A_69] : memref<8x128x128xf32, #tpu.memory_space<vmem>>, vector<1x128x128xf32>
    %get3A_71 = vector.shape_cast %get3A_70 : vector<1x128x128xf32> to vector<128x128xf32>
    %dot_general3A_72 = arith.constant dense<0.000000e+00> : vector<128x1xf32>
    %dot_general3A_73 = tpu.matmul %get3A_71, %get3A_4, %dot_general3A_72 {dimension_numbers = #tpu.dot_dimension_numbers<[1], [0], [0], [1], [0, 0, 1, 1], [], []>, precision = #tpu.contract_precision<fp32>, transpose_lhs_hint = false} : vector<128x128xf32>, vector<128x1xf32>, vector<128x1xf32> -> vector<128x1xf32>
    %get3A_74 = arith.constant 2 : index
    %get3A_75 = arith.constant 0 : index
    %get3A_76 = arith.constant 0 : index
    %get3A_77 = vector.load %arg2[%get3A_74, %get3A_75, %get3A_76] : memref<8x128x128xf32, #tpu.memory_space<vmem>>, vector<1x128x128xf32>
    %get3A_78 = vector.shape_cast %get3A_77 : vector<1x128x128xf32> to vector<128x128xf32>
    %dot_general3A_79 = arith.constant dense<0.000000e+00> : vector<128x1xf32>
    %dot_general3A_80 = tpu.matmul %get3A_78, %get3A_4, %dot_general3A_79 {dimension_numbers = #tpu.dot_dimension_numbers<[1], [0], [0], [1], [0, 0, 1, 1], [], []>, precision = #tpu.contract_precision<fp32>, transpose_lhs_hint = false} : vector<128x128xf32>, vector<128x1xf32>, vector<128x1xf32> -> vector<128x1xf32>
    %get3A_81 = arith.constant 3 : index
    %get3A_82 = arith.constant 0 : index
    %get3A_83 = arith.constant 0 : index
    %get3A_84 = vector.load %arg2[%get3A_81, %get3A_82, %get3A_83] : memref<8x128x128xf32, #tpu.memory_space<vmem>>, vector<1x128x128xf32>
    %get3A_85 = vector.shape_cast %get3A_84 : vector<1x128x128xf32> to vector<128x128xf32>
    %dot_general3A_86 = arith.constant dense<0.000000e+00> : vector<128x1xf32>
    %dot_general3A_87 = tpu.matmul %get3A_85, %get3A_4, %dot_general3A_86 {dimension_numbers = #tpu.dot_dimension_numbers<[1], [0], [0], [1], [0, 0, 1, 1], [], []>, precision = #tpu.contract_precision<fp32>, transpose_lhs_hint = false} : vector<128x128xf32>, vector<128x1xf32>, vector<128x1xf32> -> vector<128x1xf32>
    %get3A_88 = arith.constant 4 : index
    %get3A_89 = arith.constant 0 : index
    %get3A_90 = arith.constant 0 : index
    %get3A_91 = vector.load %arg2[%get3A_88, %get3A_89, %get3A_90] : memref<8x128x128xf32, #tpu.memory_space<vmem>>, vector<1x128x128xf32>
    %get3A_92 = vector.shape_cast %get3A_91 : vector<1x128x128xf32> to vector<128x128xf32>
    %dot_general3A_93 = arith.constant dense<0.000000e+00> : vector<128x1xf32>
    %dot_general3A_94 = tpu.matmul %get3A_92, %get3A_4, %dot_general3A_93 {dimension_numbers = #tpu.dot_dimension_numbers<[1], [0], [0], [1], [0, 0, 1, 1], [], []>, precision = #tpu.contract_precision<fp32>, transpose_lhs_hint = false} : vector<128x128xf32>, vector<128x1xf32>, vector<128x1xf32> -> vector<128x1xf32>
    %get3A_95 = arith.constant 5 : index
    %get3A_96 = arith.constant 0 : index
    %get3A_97 = arith.constant 0 : index
    %get3A_98 = vector.load %arg2[%get3A_95, %get3A_96, %get3A_97] : memref<8x128x128xf32, #tpu.memory_space<vmem>>, vector<1x128x128xf32>
    %get3A_99 = vector.shape_cast %get3A_98 : vector<1x128x128xf32> to vector<128x128xf32>
    %dot_general3A_100 = arith.constant dense<0.000000e+00> : vector<128x1xf32>
    %dot_general3A_101 = tpu.matmul %get3A_99, %get3A_4, %dot_general3A_100 {dimension_numbers = #tpu.dot_dimension_numbers<[1], [0], [0], [1], [0, 0, 1, 1], [], []>, precision = #tpu.contract_precision<fp32>, transpose_lhs_hint = false} : vector<128x128xf32>, vector<128x1xf32>, vector<128x1xf32> -> vector<128x1xf32>
    %get3A_102 = arith.constant 6 : index
    %get3A_103 = arith.constant 0 : index
    %get3A_104 = arith.constant 0 : index
    %get3A_105 = vector.load %arg2[%get3A_102, %get3A_103, %get3A_104] : memref<8x128x128xf32, #tpu.memory_space<vmem>>, vector<1x128x128xf32>
    %get3A_106 = vector.shape_cast %get3A_105 : vector<1x128x128xf32> to vector<128x128xf32>
    %dot_general3A_107 = arith.constant dense<0.000000e+00> : vector<128x1xf32>
    %dot_general3A_108 = tpu.matmul %get3A_106, %get3A_4, %dot_general3A_107 {dimension_numbers = #tpu.dot_dimension_numbers<[1], [0], [0], [1], [0, 0, 1, 1], [], []>, precision = #tpu.contract_precision<fp32>, transpose_lhs_hint = false} : vector<128x128xf32>, vector<128x1xf32>, vector<128x1xf32> -> vector<128x1xf32>
    %get3A_109 = arith.constant 7 : index
    %get3A_110 = arith.constant 0 : index
    %get3A_111 = arith.constant 0 : index
    %get3A_112 = vector.load %arg2[%get3A_109, %get3A_110, %get3A_111] : memref<8x128x128xf32, #tpu.memory_space<vmem>>, vector<1x128x128xf32>
    %get3A_113 = vector.shape_cast %get3A_112 : vector<1x128x128xf32> to vector<128x128xf32>
    %dot_general3A_114 = arith.constant dense<0.000000e+00> : vector<128x1xf32>
    %dot_general3A_115 = tpu.matmul %get3A_113, %get3A_4, %dot_general3A_114 {dimension_numbers = #tpu.dot_dimension_numbers<[1], [0], [0], [1], [0, 0, 1, 1], [], []>, precision = #tpu.contract_precision<fp32>, transpose_lhs_hint = false} : vector<128x128xf32>, vector<128x1xf32>, vector<128x1xf32> -> vector<128x1xf32>
    %concatenate3A = tpu.concatenate %dot_general3A_10, %dot_general3A_17, %dot_general3A_24, %dot_general3A_31, %dot_general3A_38, %dot_general3A_45, %dot_general3A_52, %dot_general3A_59, %dot_general3A_66, %dot_general3A_73, %dot_general3A_80, %dot_general3A_87, %dot_general3A_94, %dot_general3A_101, %dot_general3A_108, %dot_general3A_115 in 1 : vector<128x1xf32>, vector<128x1xf32>, vector<128x1xf32>, vector<128x1xf32>, vector<128x1xf32>, vector<128x1xf32>, vector<128x1xf32>, vector<128x1xf32>, vector<128x1xf32>, vector<128x1xf32>, vector<128x1xf32>, vector<128x1xf32>, vector<128x1xf32>, vector<128x1xf32>, vector<128x1xf32>, vector<128x1xf32> -> vector<128x16xf32>
    %get3A_116 = arith.constant 0 : index
    %get3A_117 = arith.constant 0 : index
    %get3A_118 = vector.load %arg1[%get3A_116, %get3A_117] : memref<10000x128xf32, #tpu.memory_space<vmem>>, vector<10000x128xf32>
    %dot_general3A_119 = arith.constant dense<0.000000e+00> : vector<10000x16xf32>
    %dot_general3A_120 = tpu.matmul %get3A_118, %concatenate3A, %dot_general3A_119 {dimension_numbers = #tpu.dot_dimension_numbers<[1], [0], [0], [1], [0, 0, 1, 1], [], []>, precision = #tpu.contract_precision<fp32>, transpose_lhs_hint = false} : vector<10000x128xf32>, vector<128x16xf32>, vector<10000x16xf32> -> vector<10000x16xf32>
    %iota3A = tpu.iota {dimensions = array<i32: 1>} : vector<1x16xi32>
    %lt3A = arith.constant 8 : i32
    %lt3A_121 = vector.broadcast %lt3A : i32 to vector<1x16xi32>
    %lt3A_122 = arith.cmpi slt, %iota3A, %lt3A_121 : vector<1x16xi32>
    %get3A_123 = arith.constant 0 : index
    %get3A_124 = arith.constant 0 : index
    %get3A_125 = vector.load %arg4[%get3A_123, %get3A_124] : memref<1x1xf32, #tpu.memory_space<vmem>>, vector<1x1xf32>
    %get3A_126 = vector.extract %get3A_125[0, 0] : f32 from vector<1x1xf32>
    %jit3A = arith.constant 0.000000e+00 : f32
    %broadcast_in_dim3A = vector.broadcast %get3A_126 : f32 to vector<1x16xf32>
    %broadcast_in_dim3A_127 = vector.broadcast %jit3A : f32 to vector<1x16xf32>
    %select_n3A = arith.select %lt3A_122, %broadcast_in_dim3A, %broadcast_in_dim3A_127 : vector<1x16xi1>, vector<1x16xf32>
    %add3A = vector.broadcast %select_n3A : vector<1x16xf32> to vector<10000x16xf32>
    %add3A_128 = arith.addf %dot_general3A_120, %add3A : vector<10000x16xf32>
    %swap3A = arith.constant 0 : index
    %swap3A_129 = arith.constant 0 : index
    %swap3A_130 = vector.load %arg5[%swap3A, %swap3A_129] : memref<10000x16xf32, #tpu.memory_space<vmem>>, vector<10000x16xf32>
    tpu.vector_store %arg5[%swap3A, %swap3A_129], %add3A_128 {strides = array<i32>} : memref<10000x16xf32, #tpu.memory_space<vmem>>, vector<10000x16xf32>,
    %reduce_sum3A = arith.constant dense<0.000000e+00> : vector<128xf32>
    %reduce_sum3A_131 = vector.multi_reduction <add>, %get3A_118, %reduce_sum3A [0] : vector<10000x128xf32> to vector<128xf32>
    %broadcast_in_dim3A_132 = vector.shape_cast %reduce_sum3A_131 : vector<128xf32> to vector<1x128xf32>
    %swap3A_133 = arith.constant 0 : index
    %swap3A_134 = arith.constant 0 : index
    %swap3A_135 = vector.load %arg6[%swap3A_133, %swap3A_134] : memref<1x128xf32, #tpu.memory_space<vmem>>, vector<1x128xf32>
    tpu.vector_store %arg6[%swap3A_133, %swap3A_134], %broadcast_in_dim3A_132 {strides = array<i32>} : memref<1x128xf32, #tpu.memory_space<vmem>>, vector<1x128xf32>,
    return
  }
  func.func @transform_0(%arg0: i32) -> (i32, i32) {
    %c0_i32 = arith.constant 0 : i32
    %c0_i32_0 = arith.constant 0 : i32
    %c0_i32_1 = arith.constant 0 : i32
    return %c0_i32, %c0_i32_0 : i32, i32
  }
  func.func @transform_1(%arg0: i32) -> (i32, i32, i32) {
    %c0_i32 = arith.constant 0 : i32
    %c0_i32_0 = arith.constant 0 : i32
    %c0_i32_1 = arith.constant 0 : i32
    %c0_i32_2 = arith.constant 0 : i32
    return %c0_i32, %c0_i32_0, %c0_i32_1 : i32, i32, i32
  }
  func.func @transform_2(%arg0: i32) -> (i32, i32) {
    %c0_i32 = arith.constant 0 : i32
    %c0_i32_0 = arith.constant 0 : i32
    %c0_i32_1 = arith.constant 0 : i32
    return %c0_i32, %c0_i32_0 : i32, i32
  }
  func.func @transform_3(%arg0: i32) -> (i32, i32) {
    %c0_i32 = arith.constant 0 : i32
    %c0_i32_0 = arith.constant 0 : i32
    %c0_i32_1 = arith.constant 0 : i32
    return %c0_i32, %c0_i32_0 : i32, i32
  }
  func.func @transform_4(%arg0: i32) -> (i32, i32) {
    %c0_i32 = arith.constant 0 : i32
    %c0_i32_0 = arith.constant 0 : i32
    %c0_i32_1 = arith.constant 0 : i32
    return %c0_i32, %c0_i32_0 : i32, i32
  }
  func.func @transform_5(%arg0: i32) -> (i32, i32) {
    %c0_i32 = arith.constant 0 : i32
    %c0_i32_0 = arith.constant 0 : i32
    %c0_i32_1 = arith.constant 0 : i32
    return %c0_i32, %c0_i32_0 : i32, i32
  }
}

module attributes {stable_mosaic.version = 14 : i64} {
  func.func @_tc_post_body(%arg0: i32, %arg1: memref<2x1000x8xf32, #tpu.memory_space<vmem>>, %arg2: memref<1000x128xf32, #tpu.memory_space<vmem>>, %arg3: memref<8x128x128xf32, #tpu.memory_space<vmem>>, %arg4: memref<128x128xf32, #tpu.memory_space<vmem>>, %arg5: memref<1x128xf32, #tpu.memory_space<vmem>>, %arg6: memref<1x128xf32, #tpu.memory_space<vmem>>, %arg7: memref<256x128xf32, #tpu.memory_space<vmem>>, %arg8: memref<1x128xf32, #tpu.memory_space<vmem>>, %arg9: memref<1x128xf32, #tpu.memory_space<vmem>>, %arg10: memref<8x128xf32, #tpu.memory_space<vmem>>) attributes {dimension_semantics = [#tpu.dimension_semantics<arbitrary>], iteration_bounds = array<i64: 10>, scalar_prefetch = 0 : i64, scratch_operands = 1 : i64, tpu.core_type = #tpu.core_type<tc>, window_params = [{transform_indices = @transform_0, window_bounds = array<i64: 2, 1000, 8>}, {transform_indices = @transform_1, window_bounds = array<i64: 1000, 128>}, {pipeline_mode = #tpu.pipeline_mode<synchronous>, transform_indices = @transform_2, window_bounds = array<i64: 8, 128, 128>}, {pipeline_mode = #tpu.pipeline_mode<synchronous>, transform_indices = @transform_3, window_bounds = array<i64: 128, 128>}, {pipeline_mode = #tpu.pipeline_mode<synchronous>, transform_indices = @transform_4, window_bounds = array<i64: 1, 128>}, {pipeline_mode = #tpu.pipeline_mode<synchronous>, transform_indices = @transform_5, window_bounds = array<i64: 1, 128>}, {pipeline_mode = #tpu.pipeline_mode<synchronous>, transform_indices = @transform_6, window_bounds = array<i64: 256, 128>}, {pipeline_mode = #tpu.pipeline_mode<synchronous>, transform_indices = @transform_7, window_bounds = array<i64: 1, 128>}, {pipeline_mode = #tpu.pipeline_mode<synchronous>, transform_indices = @transform_8, window_bounds = array<i64: 1, 128>}]} {
    %get3A = arith.constant 0 : index
    %get3A_0 = arith.constant 0 : index
    %get3A_1 = arith.constant 0 : index
    %get3A_2 = vector.load %arg1[%get3A, %get3A_0, %get3A_1] : memref<2x1000x8xf32, #tpu.memory_space<vmem>>, vector<1x1000x8xf32>
    %get3A_3 = vector.shape_cast %get3A_2 : vector<1x1000x8xf32> to vector<1000x8xf32>
    %get3A_4 = arith.constant 1 : index
    %get3A_5 = arith.constant 0 : index
    %get3A_6 = arith.constant 0 : index
    %get3A_7 = vector.load %arg1[%get3A_4, %get3A_5, %get3A_6] : memref<2x1000x8xf32, #tpu.memory_space<vmem>>, vector<1x1000x8xf32>
    %get3A_8 = vector.shape_cast %get3A_7 : vector<1x1000x8xf32> to vector<1000x8xf32>
    %add3A = arith.addf %get3A_3, %get3A_8 : vector<1000x8xf32>
    %get3A_9 = arith.constant 0 : index
    %get3A_10 = arith.constant 0 : index
    %get3A_11 = vector.load %arg2[%get3A_9, %get3A_10] : memref<1000x128xf32, #tpu.memory_space<vmem>>, vector<1000x128xf32>
    %dot_general3A = arith.constant dense<0.000000e+00> : vector<8x128xf32>
    %dot_general3A_12 = tpu.matmul %add3A, %get3A_11, %dot_general3A {dimension_numbers = #tpu.dot_dimension_numbers<[0], [0], [1], [1], [0, 1, 1, 1], [], []>, precision = #tpu.contract_precision<fp32>, transpose_lhs_hint = false} : vector<1000x8xf32>, vector<1000x128xf32>, vector<8x128xf32> -> vector<8x128xf32>
    %eq3A = arith.constant 0 : i32
    %eq3A_13 = arith.cmpi eq, %arg0, %eq3A : i32
    %convert_element_type3A = arith.extui %eq3A_13 : i1 to i32
    %cond3A = arith.constant 0 : i32
    %cond3A_14 = arith.cmpi ne, %convert_element_type3A, %cond3A : i32
    scf.if %cond3A_14 {
      %swap3A = arith.constant 0 : index
      %swap3A_24 = arith.constant 0 : index
      %swap3A_25 = vector.load %arg10[%swap3A, %swap3A_24] : memref<8x128xf32, #tpu.memory_space<vmem>>, vector<8x128xf32>
      tpu.vector_store %arg10[%swap3A, %swap3A_24], %dot_general3A_12 {strides = array<i32>} : memref<8x128xf32, #tpu.memory_space<vmem>>, vector<8x128xf32>,
    } else {
    }
    %gt3A = arith.constant 0 : i32
    %gt3A_15 = arith.cmpi sgt, %arg0, %gt3A : i32
    %convert_element_type3A_16 = arith.extui %gt3A_15 : i1 to i32
    %cond3A_17 = arith.constant 0 : i32
    %cond3A_18 = arith.cmpi ne, %convert_element_type3A_16, %cond3A_17 : i32
    scf.if %cond3A_18 {
      %get3A_24 = arith.constant 0 : index
      %get3A_25 = arith.constant 0 : index
      %get3A_26 = vector.load %arg10[%get3A_24, %get3A_25] : memref<8x128xf32, #tpu.memory_space<vmem>>, vector<8x128xf32>
      %add3A_27 = arith.addf %get3A_26, %dot_general3A_12 : vector<8x128xf32>
      %swap3A = arith.constant 0 : index
      %swap3A_28 = arith.constant 0 : index
      %swap3A_29 = vector.load %arg10[%swap3A, %swap3A_28] : memref<8x128xf32, #tpu.memory_space<vmem>>, vector<8x128xf32>
      tpu.vector_store %arg10[%swap3A, %swap3A_28], %add3A_27 {strides = array<i32>} : memref<8x128xf32, #tpu.memory_space<vmem>>, vector<8x128xf32>,
    } else {
    }
    %eq3A_19 = arith.constant 9 : i32
    %eq3A_20 = arith.cmpi eq, %arg0, %eq3A_19 : i32
    %convert_element_type3A_21 = arith.extui %eq3A_20 : i1 to i32
    %cond3A_22 = arith.constant 0 : i32
    %cond3A_23 = arith.cmpi ne, %convert_element_type3A_21, %cond3A_22 : i32
    scf.if %cond3A_23 {
      %get3A_24 = arith.constant 0 : index
      %get3A_25 = arith.constant 0 : index
      %get3A_26 = vector.load %arg10[%get3A_24, %get3A_25] : memref<8x128xf32, #tpu.memory_space<vmem>>, vector<8x128xf32>
      %broadcast_in_dim3A = arith.constant 0.000000e+00 : f32
      %broadcast_in_dim3A_27 = vector.broadcast %broadcast_in_dim3A : f32 to vector<1x128xf32>
      %slice3A = vector.extract_strided_slice %get3A_26 {offsets = [0, 0], sizes = [1, 128], strides = [1, 1]} : vector<8x128xf32> to vector<1x128xf32>
      %get3A_28 = arith.constant 0 : index
      %get3A_29 = arith.constant 0 : index
      %get3A_30 = arith.constant 0 : index
      %get3A_31 = vector.load %arg3[%get3A_28, %get3A_29, %get3A_30] : memref<8x128x128xf32, #tpu.memory_space<vmem>>, vector<1x128x128xf32>
      %get3A_32 = vector.shape_cast %get3A_31 : vector<1x128x128xf32> to vector<128x128xf32>
      %dot_general3A_33 = arith.constant dense<0.000000e+00> : vector<1x128xf32>
      %dot_general3A_34 = tpu.matmul %slice3A, %get3A_32, %dot_general3A_33 {dimension_numbers = #tpu.dot_dimension_numbers<[1], [0], [0], [1], [0, 0, 1, 1], [], []>, precision = #tpu.contract_precision<fp32>, transpose_lhs_hint = false} : vector<1x128xf32>, vector<128x128xf32>, vector<1x128xf32> -> vector<1x128xf32>
      %add3A_35 = arith.addf %broadcast_in_dim3A_27, %dot_general3A_34 : vector<1x128xf32>
      %slice3A_36 = vector.extract_strided_slice %get3A_26 {offsets = [1, 0], sizes = [1, 128], strides = [1, 1]} : vector<8x128xf32> to vector<1x128xf32>
      %get3A_37 = arith.constant 1 : index
      %get3A_38 = arith.constant 0 : index
      %get3A_39 = arith.constant 0 : index
      %get3A_40 = vector.load %arg3[%get3A_37, %get3A_38, %get3A_39] : memref<8x128x128xf32, #tpu.memory_space<vmem>>, vector<1x128x128xf32>
      %get3A_41 = vector.shape_cast %get3A_40 : vector<1x128x128xf32> to vector<128x128xf32>
      %dot_general3A_42 = arith.constant dense<0.000000e+00> : vector<1x128xf32>
      %dot_general3A_43 = tpu.matmul %slice3A_36, %get3A_41, %dot_general3A_42 {dimension_numbers = #tpu.dot_dimension_numbers<[1], [0], [0], [1], [0, 0, 1, 1], [], []>, precision = #tpu.contract_precision<fp32>, transpose_lhs_hint = false} : vector<1x128xf32>, vector<128x128xf32>, vector<1x128xf32> -> vector<1x128xf32>
      %add3A_44 = arith.addf %add3A_35, %dot_general3A_43 : vector<1x128xf32>
      %slice3A_45 = vector.extract_strided_slice %get3A_26 {offsets = [2, 0], sizes = [1, 128], strides = [1, 1]} : vector<8x128xf32> to vector<1x128xf32>
      %get3A_46 = arith.constant 2 : index
      %get3A_47 = arith.constant 0 : index
      %get3A_48 = arith.constant 0 : index
      %get3A_49 = vector.load %arg3[%get3A_46, %get3A_47, %get3A_48] : memref<8x128x128xf32, #tpu.memory_space<vmem>>, vector<1x128x128xf32>
      %get3A_50 = vector.shape_cast %get3A_49 : vector<1x128x128xf32> to vector<128x128xf32>
      %dot_general3A_51 = arith.constant dense<0.000000e+00> : vector<1x128xf32>
      %dot_general3A_52 = tpu.matmul %slice3A_45, %get3A_50, %dot_general3A_51 {dimension_numbers = #tpu.dot_dimension_numbers<[1], [0], [0], [1], [0, 0, 1, 1], [], []>, precision = #tpu.contract_precision<fp32>, transpose_lhs_hint = false} : vector<1x128xf32>, vector<128x128xf32>, vector<1x128xf32> -> vector<1x128xf32>
      %add3A_53 = arith.addf %add3A_44, %dot_general3A_52 : vector<1x128xf32>
      %slice3A_54 = vector.extract_strided_slice %get3A_26 {offsets = [3, 0], sizes = [1, 128], strides = [1, 1]} : vector<8x128xf32> to vector<1x128xf32>
      %get3A_55 = arith.constant 3 : index
      %get3A_56 = arith.constant 0 : index
      %get3A_57 = arith.constant 0 : index
      %get3A_58 = vector.load %arg3[%get3A_55, %get3A_56, %get3A_57] : memref<8x128x128xf32, #tpu.memory_space<vmem>>, vector<1x128x128xf32>
      %get3A_59 = vector.shape_cast %get3A_58 : vector<1x128x128xf32> to vector<128x128xf32>
      %dot_general3A_60 = arith.constant dense<0.000000e+00> : vector<1x128xf32>
      %dot_general3A_61 = tpu.matmul %slice3A_54, %get3A_59, %dot_general3A_60 {dimension_numbers = #tpu.dot_dimension_numbers<[1], [0], [0], [1], [0, 0, 1, 1], [], []>, precision = #tpu.contract_precision<fp32>, transpose_lhs_hint = false} : vector<1x128xf32>, vector<128x128xf32>, vector<1x128xf32> -> vector<1x128xf32>
      %add3A_62 = arith.addf %add3A_53, %dot_general3A_61 : vector<1x128xf32>
      %slice3A_63 = vector.extract_strided_slice %get3A_26 {offsets = [4, 0], sizes = [1, 128], strides = [1, 1]} : vector<8x128xf32> to vector<1x128xf32>
      %get3A_64 = arith.constant 4 : index
      %get3A_65 = arith.constant 0 : index
      %get3A_66 = arith.constant 0 : index
      %get3A_67 = vector.load %arg3[%get3A_64, %get3A_65, %get3A_66] : memref<8x128x128xf32, #tpu.memory_space<vmem>>, vector<1x128x128xf32>
      %get3A_68 = vector.shape_cast %get3A_67 : vector<1x128x128xf32> to vector<128x128xf32>
      %dot_general3A_69 = arith.constant dense<0.000000e+00> : vector<1x128xf32>
      %dot_general3A_70 = tpu.matmul %slice3A_63, %get3A_68, %dot_general3A_69 {dimension_numbers = #tpu.dot_dimension_numbers<[1], [0], [0], [1], [0, 0, 1, 1], [], []>, precision = #tpu.contract_precision<fp32>, transpose_lhs_hint = false} : vector<1x128xf32>, vector<128x128xf32>, vector<1x128xf32> -> vector<1x128xf32>
      %add3A_71 = arith.addf %add3A_62, %dot_general3A_70 : vector<1x128xf32>
      %slice3A_72 = vector.extract_strided_slice %get3A_26 {offsets = [5, 0], sizes = [1, 128], strides = [1, 1]} : vector<8x128xf32> to vector<1x128xf32>
      %get3A_73 = arith.constant 5 : index
      %get3A_74 = arith.constant 0 : index
      %get3A_75 = arith.constant 0 : index
      %get3A_76 = vector.load %arg3[%get3A_73, %get3A_74, %get3A_75] : memref<8x128x128xf32, #tpu.memory_space<vmem>>, vector<1x128x128xf32>
      %get3A_77 = vector.shape_cast %get3A_76 : vector<1x128x128xf32> to vector<128x128xf32>
      %dot_general3A_78 = arith.constant dense<0.000000e+00> : vector<1x128xf32>
      %dot_general3A_79 = tpu.matmul %slice3A_72, %get3A_77, %dot_general3A_78 {dimension_numbers = #tpu.dot_dimension_numbers<[1], [0], [0], [1], [0, 0, 1, 1], [], []>, precision = #tpu.contract_precision<fp32>, transpose_lhs_hint = false} : vector<1x128xf32>, vector<128x128xf32>, vector<1x128xf32> -> vector<1x128xf32>
      %add3A_80 = arith.addf %add3A_71, %dot_general3A_79 : vector<1x128xf32>
      %slice3A_81 = vector.extract_strided_slice %get3A_26 {offsets = [6, 0], sizes = [1, 128], strides = [1, 1]} : vector<8x128xf32> to vector<1x128xf32>
      %get3A_82 = arith.constant 6 : index
      %get3A_83 = arith.constant 0 : index
      %get3A_84 = arith.constant 0 : index
      %get3A_85 = vector.load %arg3[%get3A_82, %get3A_83, %get3A_84] : memref<8x128x128xf32, #tpu.memory_space<vmem>>, vector<1x128x128xf32>
      %get3A_86 = vector.shape_cast %get3A_85 : vector<1x128x128xf32> to vector<128x128xf32>
      %dot_general3A_87 = arith.constant dense<0.000000e+00> : vector<1x128xf32>
      %dot_general3A_88 = tpu.matmul %slice3A_81, %get3A_86, %dot_general3A_87 {dimension_numbers = #tpu.dot_dimension_numbers<[1], [0], [0], [1], [0, 0, 1, 1], [], []>, precision = #tpu.contract_precision<fp32>, transpose_lhs_hint = false} : vector<1x128xf32>, vector<128x128xf32>, vector<1x128xf32> -> vector<1x128xf32>
      %add3A_89 = arith.addf %add3A_80, %dot_general3A_88 : vector<1x128xf32>
      %slice3A_90 = vector.extract_strided_slice %get3A_26 {offsets = [7, 0], sizes = [1, 128], strides = [1, 1]} : vector<8x128xf32> to vector<1x128xf32>
      %get3A_91 = arith.constant 7 : index
      %get3A_92 = arith.constant 0 : index
      %get3A_93 = arith.constant 0 : index
      %get3A_94 = vector.load %arg3[%get3A_91, %get3A_92, %get3A_93] : memref<8x128x128xf32, #tpu.memory_space<vmem>>, vector<1x128x128xf32>
      %get3A_95 = vector.shape_cast %get3A_94 : vector<1x128x128xf32> to vector<128x128xf32>
      %dot_general3A_96 = arith.constant dense<0.000000e+00> : vector<1x128xf32>
      %dot_general3A_97 = tpu.matmul %slice3A_90, %get3A_95, %dot_general3A_96 {dimension_numbers = #tpu.dot_dimension_numbers<[1], [0], [0], [1], [0, 0, 1, 1], [], []>, precision = #tpu.contract_precision<fp32>, transpose_lhs_hint = false} : vector<1x128xf32>, vector<128x128xf32>, vector<1x128xf32> -> vector<1x128xf32>
      %add3A_98 = arith.addf %add3A_89, %dot_general3A_97 : vector<1x128xf32>
      %get3A_99 = arith.constant 0 : index
      %get3A_100 = arith.constant 0 : index
      %get3A_101 = vector.load %arg5[%get3A_99, %get3A_100] : memref<1x128xf32, #tpu.memory_space<vmem>>, vector<1x128xf32>
      %get3A_102 = arith.constant 0 : index
      %get3A_103 = arith.constant 0 : index
      %get3A_104 = vector.load %arg4[%get3A_102, %get3A_103] : memref<128x128xf32, #tpu.memory_space<vmem>>, vector<128x128xf32>
      %dot_general3A_105 = arith.constant dense<0.000000e+00> : vector<1x128xf32>
      %dot_general3A_106 = tpu.matmul %get3A_101, %get3A_104, %dot_general3A_105 {dimension_numbers = #tpu.dot_dimension_numbers<[1], [0], [0], [1], [0, 0, 1, 1], [], []>, precision = #tpu.contract_precision<fp32>, transpose_lhs_hint = false} : vector<1x128xf32>, vector<128x128xf32>, vector<1x128xf32> -> vector<1x128xf32>
      %add3A_107 = arith.addf %add3A_98, %dot_general3A_106 : vector<1x128xf32>
      %get3A_108 = arith.constant 0 : index
      %get3A_109 = arith.constant 0 : index
      %get3A_110 = vector.load %arg6[%get3A_108, %get3A_109] : memref<1x128xf32, #tpu.memory_space<vmem>>, vector<1x128xf32>
      %get3A_111 = arith.constant 0 : index
      %get3A_112 = arith.constant 0 : index
      %get3A_113 = vector.load %arg7[%get3A_111, %get3A_112] : memref<256x128xf32, #tpu.memory_space<vmem>>, vector<128x128xf32>
      %dot_general3A_114 = arith.constant dense<0.000000e+00> : vector<1x128xf32>
      %dot_general3A_115 = tpu.matmul %get3A_110, %get3A_113, %dot_general3A_114 {dimension_numbers = #tpu.dot_dimension_numbers<[1], [0], [0], [1], [0, 0, 1, 1], [], []>, precision = #tpu.contract_precision<fp32>, transpose_lhs_hint = false} : vector<1x128xf32>, vector<128x128xf32>, vector<1x128xf32> -> vector<1x128xf32>
      %get3A_116 = arith.constant 128 : index
      %get3A_117 = arith.constant 0 : index
      %get3A_118 = vector.load %arg7[%get3A_116, %get3A_117] : memref<256x128xf32, #tpu.memory_space<vmem>>, vector<128x128xf32>
      %dot_general3A_119 = arith.constant dense<0.000000e+00> : vector<1x128xf32>
      %dot_general3A_120 = tpu.matmul %add3A_107, %get3A_118, %dot_general3A_119 {dimension_numbers = #tpu.dot_dimension_numbers<[1], [0], [0], [1], [0, 0, 1, 1], [], []>, precision = #tpu.contract_precision<fp32>, transpose_lhs_hint = false} : vector<1x128xf32>, vector<128x128xf32>, vector<1x128xf32> -> vector<1x128xf32>
      %add3A_121 = arith.addf %dot_general3A_115, %dot_general3A_120 : vector<1x128xf32>
      %get3A_122 = arith.constant 0 : index
      %get3A_123 = arith.constant 0 : index
      %get3A_124 = vector.load %arg8[%get3A_122, %get3A_123] : memref<1x128xf32, #tpu.memory_space<vmem>>, vector<1x128xf32>
      %add3A_125 = arith.addf %add3A_121, %get3A_124 : vector<1x128xf32>
      %max3A = arith.constant 0.000000e+00 : f32
      %max3A_126 = vector.broadcast %max3A : f32 to vector<1x128xf32>
      %max3A_127 = arith.maximumf %add3A_125, %max3A_126 : vector<1x128xf32>
      %swap3A = arith.constant 0 : index
      %swap3A_128 = arith.constant 0 : index
      %swap3A_129 = vector.load %arg9[%swap3A, %swap3A_128] : memref<1x128xf32, #tpu.memory_space<vmem>>, vector<1x128xf32>
      tpu.vector_store %arg9[%swap3A, %swap3A_128], %max3A_127 {strides = array<i32>} : memref<1x128xf32, #tpu.memory_space<vmem>>, vector<1x128xf32>,
    } else {
    }
    return
  }
  func.func @transform_0(%arg0: i32) -> (i32, i32, i32) {
    %c0_i32 = arith.constant 0 : i32
    %c0_i32_0 = arith.constant 0 : i32
    %c0_i32_1 = arith.constant 0 : i32
    return %c0_i32, %arg0, %c0_i32_0 : i32, i32, i32
  }
  func.func @transform_1(%arg0: i32) -> (i32, i32) {
    %c0_i32 = arith.constant 0 : i32
    %c0_i32_0 = arith.constant 0 : i32
    return %arg0, %c0_i32 : i32, i32
  }
  func.func @transform_2(%arg0: i32) -> (i32, i32, i32) {
    %c0_i32 = arith.constant 0 : i32
    %c0_i32_0 = arith.constant 0 : i32
    %c0_i32_1 = arith.constant 0 : i32
    %c0_i32_2 = arith.constant 0 : i32
    return %c0_i32, %c0_i32_0, %c0_i32_1 : i32, i32, i32
  }
  func.func @transform_3(%arg0: i32) -> (i32, i32) {
    %c0_i32 = arith.constant 0 : i32
    %c0_i32_0 = arith.constant 0 : i32
    %c0_i32_1 = arith.constant 0 : i32
    return %c0_i32, %c0_i32_0 : i32, i32
  }
  func.func @transform_4(%arg0: i32) -> (i32, i32) {
    %c0_i32 = arith.constant 0 : i32
    %c0_i32_0 = arith.constant 0 : i32
    %c0_i32_1 = arith.constant 0 : i32
    return %c0_i32, %c0_i32_0 : i32, i32
  }
  func.func @transform_5(%arg0: i32) -> (i32, i32) {
    %c0_i32 = arith.constant 0 : i32
    %c0_i32_0 = arith.constant 0 : i32
    %c0_i32_1 = arith.constant 0 : i32
    return %c0_i32, %c0_i32_0 : i32, i32
  }
  func.func @transform_6(%arg0: i32) -> (i32, i32) {
    %c0_i32 = arith.constant 0 : i32
    %c0_i32_0 = arith.constant 0 : i32
    %c0_i32_1 = arith.constant 0 : i32
    return %c0_i32, %c0_i32_0 : i32, i32
  }
  func.func @transform_7(%arg0: i32) -> (i32, i32) {
    %c0_i32 = arith.constant 0 : i32
    %c0_i32_0 = arith.constant 0 : i32
    %c0_i32_1 = arith.constant 0 : i32
    return %c0_i32, %c0_i32_0 : i32, i32
  }
  func.func @transform_8(%arg0: i32) -> (i32, i32) {
    %c0_i32 = arith.constant 0 : i32
    %c0_i32_0 = arith.constant 0 : i32
    %c0_i32_1 = arith.constant 0 : i32
    return %c0_i32, %c0_i32_0 : i32, i32
  }
}

</mosaic_0001>

<sc_bundles>
// kernel: kernel.6.cloned.1.call-start
scs
__scs_entry_jumppad:
0x0: {  	(pc) =	sbr.rel $0x88, $3  }
0x1: {  	(tag) =	ssettag $0x0;
	lr =	simm.s32 $0x1  }
0x2: {  	[smem:$0x3F97] =	sst lr;
	_ =	strace $0xD0000000  }
0x3: {  	_ = 	snop  }
0x4: {  	_ = 	snop  }
0x5: {  	_ = 	snop  }
0x6: {  	_ = 	snop  }
0x7: {  	_ = 	snop  }
__scs_overlays_trampoline_lowered:
0x8: {  	[smem:$0x3FA6] =	sst s0  }
0x9: {  	[smem:$0x3FA7] =	sst s1  }
0xa: {  	[smem:$0x3FA8] =	sst s2  }
0xb: {  	[smem:$0x3FA9] =	sst s3  }
0xc: {  	[smem:$0x3FAA] =	sst s4  }
0xd: {  	[smem:$0x3FAB] =	sst s5  }
0xe: {  	[smem:$0x3FAC] =	sst s6  }
0xf: {  	[smem:$0x3FAD] =	sst s7  }
0x10: {  	[smem:$0x3FAE] =	sst s8  }
0x11: {  	[smem:$0x3FAF] =	sst s9;
	s0 =	simm.s32 @!p0 $0x0  }
0x12: {  	s1 =	sld [smem:$0x3F95];
	s0 =	simm.s32 @p0 $0x1  }
0x13: {  	[smem:$0x3FB0] =	sst s0;
	s0 =	simm.s32 @!p1 $0x0  }
0x14: {  	s2 =	sld [smem:$0x3F94];
	s0 =	simm.s32 @p1 $0x1  }
0x15: {  	[smem:$0x3FB1] =	sst s0;
	s0 =	simm.s32 @!p2 $0x0  }
0x16: {  	s3 =	sld [smem:$0x3FDB];
	s0 =	simm.s32 @p2 $0x1  }
0x17: {  	s4 =	simm.s32 $0x1BF5;
	[smem:$0x3FB3] =	sst s0  }
0x18: {  	s0 =	sld [smem:$0x3F96];
	_ =	swait.ge [sflag:s4], $0x0  }
0x19: {  	s7 =	sld [smem:$0x3F97]  }
0x1a: {  	s8 =	sadd.s32 $0xFFFFE003, lr  }
0x1b: {  	s9 =	sadd.s32 $0xFFFFFEF7, lr;
	s5 =	simm.s32 $0xFFFFFFFF;
	p2 =	slt.u32 s8, $0xFFFFF086  }
0x1c: {  	p1 =	slt.u32 s9, $0xF7A;
	s5 =	simm.s32 @!p2 $0x0  }
0x1d: {  	s5 =	simm.s32 @p1 $0x1;
	p0 =	seq.s32 s7, s2  }
0x1e: {  	s7 =	smul.u32 @!p0 $0xF7A, s2;
	p2 =	seq.s32 @!p0 s5, $0x0  }
0x1f: {  	s9 =	smul.u32 $0xF7A, s1;
	s8 =	simm.s32 @!p0 $0x1BF5;
	p2 =	por !p2, p0  }
0x20: {  	[sflag:s8] =	ssyncset.s32 @!p0 $0xFFFFF086;
	s6 =	sadd.s32 @!p0 s3, s7;
	s7 =	simm.s32 @!p0 $0x108  }
0x21: {  	s3 =	sadd.s32 s3, s9;
	s6 =	sadd.s32 @!p0 $0x88, s6;
	s7 =	simm.s32 @p2 $0x1082  }
0x22: {  	[simem:s7], [sflag:s8] =	dma.local @!p0 [hbm:s6], $0xF7A  }
0x23: {  	s9 =	sor.u32 $0xD0000000, s2;
	s6 =	simm.s32 $0x108;
	_ =	swait.ge @!p0 [sflag:s8], $0x0  }
0x24: {  	s3 =	sadd.s32 $0x88, s3;
	s6 =	simm.s32 @!p1 $0x1082;
	[sflag:s4] =	ssyncset.s32 $0xFFFFF086  }
0x25: {  	[simem:s6], [sflag:s4] =	dma.local [hbm:s3], $0xF7A  }
0x26: {  	[smem:$0x3F97] =	sst s1;
	(tag) =	ssettag s2;
	_ =	strace s9  }
0x27: {  	s1 =	sld [smem:$0x3FA7]  }
0x28: {  	s2 =	sld [smem:$0x3FA8]  }
0x29: {  	s4 =	sld [smem:$0x3FAA]  }
0x2a: {  	p0 =	seq.s32 s5, $0x0;
	s5 =	sld [smem:$0x3FAB]  }
0x2b: {  	s6 =	sld [smem:$0x3FAC]  }
0x2c: {  	s7 =	sld [smem:$0x3FAD]  }
0x2d: {  	s3 =	simm.s32 $0x108;
	s8 =	sld [smem:$0x3FAE]  }
0x2e: {  	s3 =	simm.s32 @!p0 $0x1082;
	s9 =	sld [smem:$0x3FAF]  }
0x2f: {  	lr =	sadd.s32 s0, s3;
	s0 =	sld [smem:$0x3FA6]  }
0x30: {  	s3 =	sld [smem:$0x3FA9]  }
0x31: {  	[smem:$0x3FB2] =	sst s10  }
0x32: {  	s10 =	sld [smem:$0x3FB0];
	_ =	sdelay $0x3  }
0x33: {  	p0 =	seq.s32 s10, $0x1;
	s10 =	sld [smem:$0x3FB2];
	_ =	sdelay $0x3  }
0x34: {  	[smem:$0x3FB2] =	sst s10  }
0x35: {  	s10 =	sld [smem:$0x3FB1];
	_ =	sdelay $0x3  }
0x36: {  	p1 =	seq.s32 s10, $0x1;
	s10 =	sld [smem:$0x3FB2];
	_ =	sdelay $0x3  }
0x37: {  	[smem:$0x3FB2] =	sst s10  }
0x38: {  	s10 =	sld [smem:$0x3FB3]  }
0x39: {  	_ = 	snop;
	(pc) =	sbr.ind lr, $3  }
0x3a: {  	_ = 	snop  }
0x3b: {  	_ = 	snop  }
0x3c: {  	p2 =	seq.s32 s10, $0x1;
	s10 =	sld [smem:$0x3FB2]  }
0x3d: {  	_ =	shalt  }
0x3e: {  	_ =	shalt  }
0x3f: {  	_ =	shalt  }
0x40: {  	_ =	shalt  }
0x41: {  	_ =	shalt  }
0x42: {  	_ =	shalt  }
0x43: {  	_ =	shalt  }
0x44: {  	_ =	shalt  }
0x45: {  	_ =	shalt  }
0x46: {  	_ =	shalt  }
0x47: {  	_ =	shalt  }
0x48: {  	_ =	shalt  }
0x49: {  	_ =	shalt  }
0x4a: {  	_ =	shalt  }
0x4b: {  	_ =	shalt  }
0x4c: {  	_ =	shalt  }
0x4d: {  	_ =	shalt  }
0x4e: {  	_ =	shalt  }
0x4f: {  	_ =	shalt  }
0x50: {  	_ =	shalt  }
0x51: {  	_ =	shalt  }
0x52: {  	_ =	shalt  }
0x53: {  	_ =	shalt  }
0x54: {  	_ =	shalt  }
0x55: {  	_ =	shalt  }
0x56: {  	_ =	shalt  }
0x57: {  	_ =	shalt  }
0x58: {  	_ =	shalt  }
0x59: {  	_ =	shalt  }
0x5a: {  	_ =	shalt  }
0x5b: {  	_ =	shalt  }
0x5c: {  	_ =	shalt  }
0x5d: {  	_ =	shalt  }
0x5e: {  	_ =	shalt  }
0x5f: {  	_ =	shalt  }
0x60: {  	_ =	shalt  }
0x61: {  	_ =	shalt  }
0x62: {  	_ =	shalt  }
0x63: {  	_ =	shalt  }
0x64: {  	_ =	shalt  }
0x65: {  	_ =	shalt  }
0x66: {  	_ =	shalt  }
0x67: {  	_ =	shalt  }
0x68: {  	_ =	shalt  }
0x69: {  	_ =	shalt  }
0x6a: {  	_ =	shalt  }
0x6b: {  	_ =	shalt  }
0x6c: {  	_ =	shalt  }
0x6d: {  	_ =	shalt  }
0x6e: {  	_ =	shalt  }
0x6f: {  	_ =	shalt  }
0x70: {  	_ =	shalt  }
0x71: {  	_ =	shalt  }
0x72: {  	_ =	shalt  }
0x73: {  	_ =	shalt  }
0x74: {  	_ =	shalt  }
0x75: {  	_ =	shalt  }
0x76: {  	_ =	shalt  }
0x77: {  	_ =	shalt  }
0x78: {  	_ =	shalt  }
0x79: {  	_ =	shalt  }
0x7a: {  	_ =	shalt  }
0x7b: {  	_ =	shalt  }
0x7c: {  	_ =	shalt  }
0x7d: {  	_ =	shalt  }
0x7e: {  	_ =	shalt  }
0x7f: {  	_ =	shalt  }
0x80: {  	_ =	shalt  }
0x81: {  	_ =	shalt  }
0x82: {  	_ =	shalt  }
0x83: {  	_ =	shalt  }
0x84: {  	_ =	shalt  }
0x85: {  	_ =	shalt  }
0x86: {  	_ =	shalt  }
0x87: {  	_ =	shalt  }
.Lfunc_end0:
.L_simem_size_0:
called_computation_lowered:
.L_overlay_start_0:
0x88: {  	s2 =	sld [smem:$0x3FD9]  }
0x89: {  	s3 =	sld [smem:$0x3FFE];
	_ =	sdelay $0x1  }
0x8a: {  	s1 =	srdreg.scid  }
0x8b: {  	s0 =	sand.u32 $0x1, s1  }
0x8c: {  	s17 =	sshll.u32 s0, $0xA;
	s2 =	sadd.s32 s3, s2  }
0x8d: {  	s2 =	sadd.s32 s2, s17  }
0x8e: {  	[smem:$0x3FBE] =	sst s2  }
0x8f: {  	_ = 	snop  }
0x90: {  	s2 =	sld [smem:$0x3FC7];
	(tm) =	ssettm $0x1  }
0x91: {  	s18 =	sld [smem:$0x3FFB];
	_ =	sdelay $0x3  }
0x92: {  	_ =	strace s18  }
0x93: {  	s3 =	sld [smem:$0x3FFC];
	_ =	sdelay $0x3  }
0x94: {  	_ =	strace s3  }
0x95: {  	s3 =	sld [smem:$0x3FFD];
	_ =	sdelay $0x3  }
0x96: {  	_ =	strace s3  }
0x97: {  	_ =	strace $0x8FFFFFFF  }
0x98: {  	s19 =	sld [smem:$0x3FDB];
	_ =	sdelay $0x1  }
0x99: {  	s4 =	simm.s32 $_scs_section_size  }
0x9a: {  	s5 =	simm.s32 $_size__tile_overlayer_lowered;
	s6 =	simm.s32 $_tile_overlayer_lowered  }
0x9b: {  	s22 =	simm.s32 $0x1BFF;
	s21 =	sshll.u32 s6, $0x1;
	s3 =	sadd.s32 s4, s19  }
0x9c: {  	s7 =	simm.s32 $0x0;
	s20 =	sshll.u32 s5, $0x1;
	s5 =	sadd.s32 s21, s3  }
0x9d: {  	[timem:s7], [sflag:s22] =	dma.local [hbm:s5], s20  }
0x9e: {  	_ =	swait.ge [sflag:s22], s20  }
0x9f: {  	s4 =	ssub.s32 $0x0, s20;
	[sflag:s22] =	ssyncset.done $0x0  }
0xa0: {  	[sflag:s22] =	ssyncadd.s32 s4;
	_ =	sdelay $0x1  }
0xa1: {  	s23 =	simm.s32 $0x1B8B  }
0xa2: {  	_ =	swait.ge [sflag:s23], $0x1  }
0xa3: {  	[sflag:s23] =	ssyncset.done $0x0  }
0xa4: {  	s25 =	simm.s32 $0x1B8E;
	s24 =	sld [smem:$0x3FFE];
	[sflag:s23] =	ssyncadd.s32 $0xFFFFFFFF  }
0xa5: {  	s26 =	simm.s32 $execute0_lowered;
	[smem:$0x3FD2] =	sst s25  }
0xa6: {  	s5 =	sshll.u32 s26, $0x1;
	_ =	strace $0x80000046;
	[dreg:$0x1] =	wrdreg $0xFFFFFFFF  }
0xa7: {  	s28 =	simm.s32 $_size_execute0_lowered;
	s3 =	sadd.s32 s3, s5;
	[dreg:$0x0] =	wrdreg $0x0  }
0xa8: {  	s5 =	sshll.u32 s28, $0x1;
	[dreg:$0x2] =	wrdreg s3  }
0xa9: {  	[dreg:$0x3] =	wrdreg s5  }
0xaa: {  	[dreg:$0x4] =	wrdreg $0xC0  }
0xab: {  	_ =	task [dreg:s7], $0x5FFFF  }
0xac: {  	[dreg:$0x1] =	wrdreg $0xFFFFFFFF  }
0xad: {  	[dreg:$0x0] =	wrdreg $0x60  }
0xae: {  	[dreg:$0x2] =	wrdreg s24  }
0xaf: {  	[dreg:$0x3] =	wrdreg s2  }
0xb0: {  	[dreg:$0x4] =	wrdreg $0x0  }
0xb1: {  	[dreg:$0x5] =	wrdreg $0x27100  }
0xb2: {  	[dreg:$0x6] =	wrdreg $0x9  }
0xb3: {  	_ =	task.clear_ibuf [dreg:s7], $0x7FFFF;
	_ =	strace $0x90000046  }
0xb4: {  	s29 =	simm.s32 $0x9;
	_ =	strace $0x80000048  }
0xb5: {  	_ =	swait.ge [sflag:s29], $0x1  }
0xb6: {  	[sflag:s29] =	ssyncadd.s32 $0xFFFFFFFF  }
0xb7: {  	_ =	strace $0x90000048  }
0xb8: {  	_ =	sfence  }
0xb9: {  	s30 =	sld [smem:$0x0];
	_ =	sdelay $0x2  }
0xba: {  	s31 =	sshll.u32 s1, $0xD;
	s1 =	sshrl.u32 s1, $0x2  }
0xbb: {  	s3 =	sand.u32 $0x4000, s31;
	s1 =	sadd.s32 s1, s30  }
0xbc: {  	s0 =	sor.u32 s3, s0;
	s1 =	sshll.u32 s1, $0x11  }
0xbd: {  	s0 =	sor.u32 s1, s0  }
0xbe: {  	s0 =	sadd.s32 $0x8F2B, s0  }
0xbf: {  	[sflag:s0] =	ssyncadd.remote.s32 $0x1  }
0xc0: {  	_ =	sfence.sel $0xFFFF  }
0xc1: {  	[dreg:$0x0] =	wrdreg $0xFFFFFFFF;
	(pc) =	sbr.abs _section_cstart, $3  }
0xc2: {  	[dreg:$0x1] =	wrdreg $0xFFFFFFFF  }
0xc3: {  	_ =	task.clear_ibuf [dreg:s7], $0x2FFFF;
	_ =	strace $0x9FFFFFFF  }
0xc4: {  	(tm) =	ssettm $0x7FFFFFFF  }
0xc5: {  	_ =	shalt  }
tec
execute0_lowered:
.L_overlay_start_1:
0x0: {  	(tag) =	ssettag $0x1  }
0x1: {  	s13 =	stileid.u32;
	s0 =	rddreg [dreg:$0x0]  }
0x2: {  	s3 =	rddreg [dreg:$0x1];
	s5 =	srdreg.scid  }
0x3: {  	s2 =	smul.u32 $0x2710, s13;
	s5 =	sand.u32 $0x1, s5;
	s7 =	sshll.u32 s13, $0x1  }
0x4: {  	s1 =	simm.s32 $0x0;
	s6 =	smul.u32 $0x500, s13;
	s7 =	sor.u32 s5, s7  }
0x5: {  	[smem:$0x7FF] =	sst s1;
	s7 =	smul.u32 $0x2710, s7  }
0x6: {  	s9 =	sadd.s32 $0xB400, s0;
	s22 =	sadd.s32 $0x1600, s0;
	s8 =	sshll.u32 s5, $0x7  }
0x7: {  	s4 =	sshrl.u32 s2, $0x3;
	s6 =	sor.u32 s8, s6;
	s7 =	sshrl.u32 s7, $0x3  }
0x8: {  	s4 =	sadd.s32 s4, s0;
	s6 =	sshrl.u32 s6, $0x3;
	s23 =	sadd.s32 s9, s7  }
0x9: {  	s6 =	sadd.s32 s6, s0;
	s24 =	sadd.s32 s22, s7;
	[dreg:$0x5] =	wrdreg s23  }
0xa: {  	s0 =	sadd.s32 $0x1AC00, s0;
	s25 =	sadd.s32 s3, s7;
	[dreg:$0x6] =	wrdreg s24  }
0xb: {  	s26 =	sadd.s32 $0xFA, s7;
	s18 =	sadd.s32 s0, s7;
	[dreg:$0x7] =	wrdreg s25  }
0xc: {  	s11 =	sadd.s32 s9, s26;
	[dreg:$0xe] =	wrdreg s18  }
0xd: {  	s29 =	sadd.s32 s22, s26;
	[dreg:$0x8] =	wrdreg s11  }
0xe: {  	s30 =	sadd.s32 $0x1F4, s7;
	s12 =	sadd.s32 s3, s26;
	[dreg:$0x9] =	wrdreg s29  }
0xf: {  	s15 =	sadd.s32 s9, s30;
	[dreg:$0xa] =	wrdreg s12  }
0x10: {  	s5 =	ssub.s32 $0x2, s5;
	s16 =	sadd.s32 s22, s30;
	[dreg:$0xb] =	wrdreg s15  }
0x11: {  	s19 =	sadd.s32 $0x2EE, s7;
	s17 =	sadd.s32 s3, s30;
	[dreg:$0xc] =	wrdreg s16  }
0x12: {  	s10 =	sshrl.u32 s5, $0x1;
	s14 =	sadd.s32 s9, s19;
	[dreg:$0xd] =	wrdreg s17  }
0x13: {  	s5 =	ssub.s32 s5, s10;
	s20 =	sadd.s32 s22, s19;
	[dreg:$0xf] =	wrdreg s14  }
0x14: {  	s7 =	sadd.s32 $0x3E8, s7;
	s10 =	sadd.s32 s0, s26;
	[dreg:$0x10] =	wrdreg s20  }
0x15: {  	s9 =	sadd.s32 s9, s7;
	[dreg:$0x11] =	wrdreg s10  }
0x16: {  	s8 =	sadd.s32 s22, s7;
	[dreg:$0x12] =	wrdreg s9  }
0x17: {  	s21 =	sadd.s32 s3, s19;
	[dreg:$0x13] =	wrdreg s8  }
0x18: {  	s3 =	sadd.s32 s3, s7;
	[dreg:$0x14] =	wrdreg s21  }
0x19: {  	s31 =	simm.s32 $0x6190;
	s22 =	sadd.s32 s0, s30;
	[dreg:$0x15] =	wrdreg s3  }
0x1a: {  	s23 =	smul.u32 $0xA00, s13;
	s24 =	sadd.s32 s0, s19;
	s20 =	rddreg [dreg:$0x2]  }
0x1b: {  	s0 =	sadd.s32 s0, s7;
	s25 =	sadd.s32 $0x15200, s4;
	[dreg:$0x16] =	wrdreg s22  }
0x1c: {  	s30 =	smax.u32 s5, $0x1;
	s19 =	simm.s32 $0x7;
	s22 =	rddreg [dreg:$0x3]  }
0x1d: {  	s7 =	simm.s32 $0x7D0;
	s13 =	simm.s32 $0x2;
	[dreg:$0x17] =	wrdreg s24  }
0x1e: {  	s18 =	simm.s32 $0x5;
	s4 =	simm.s32 $0x4;
	[dreg:$0x18] =	wrdreg s0  }
0x1f: {  	s29 =	sadd.s32 $0x1A200, s6;
	s0 =	simm.s32 $0xD990;
	s3 =	simm.s32 $0x4990  }
0x20: {  	s6 =	simm.s32 $0x1;
	s8 =	simm.s32 $0x8990;
	s9 =	simm.s32 $0xA990  }
0x21: {  	s10 =	simm.s32 $0x9990;
	s11 =	simm.s32 $0xB990;
	s15 =	simm.s32 $0xB190  }
0x22: {  	s16 =	simm.s32 $0xA190;
	s17 =	simm.s32 $0xC190;
	s21 =	simm.s32 $0xC990  }
0x23: {  	s24 =	simm.s32 $0xD190;
	_ =	strace $0x80000047;
	[dreg:$0x19] =	wrdreg s25  }
0x24: {  	s26 =	sshrl.u32 s23, $0x2;
	s2 =	sadd.s32 s2, s20;
	[dreg:$0x1b] =	wrdreg s29  }
0x25: {  	[dreg:$0x1c] =	wrdreg s30;
	s23 =	simm.s32 $0x3;
	s25 =	simm.s32 $0x0  }
0x26: {  	v0 =	vimm.f32 $0.0e+00;
	[dreg:$0x1a] =	wrdreg s2;
	s28 =	sadd.s32 s26, s22;
	s2 =	simm.s32 $0x6  }
.LBB2_1:
0x27: {  	s5 =	rddreg [dreg:$0x19];
	s12 =	simm.s32 $0xDC10  }
0x28: {  	[tilespmem:s12], [sflag:$0x7] =	stream.linear.gather [hbm4b:s5+s1], $0x2710, $0x38;
	[tilespmem:$0x10390] =	vst v63  }
0x29: {  	_ =	swait.ge [sflag:s19], $0x2710  }
0x2a: {  	[sflag:s19] =	ssyncset.done $0x0  }
0x2b: {  	s26 =	rddreg [dreg:$0x1a];
	[sflag:s19] =	ssyncadd.s32 $0xFFFFD8F0  }
0x2c: {  	[spmem:s26] =	stream.linear.scatter [tilespmem:s12], [sflag:$0x7], $0x2710, $0x38;
	[tilespmem:$0x10390] =	vst v63  }
0x2d: {  	_ =	swait.ge [sflag:s19], $0x2710  }
0x2e: {  	[sflag:s19] =	ssyncset.done $0x0  }
0x2f: {  	[sflag:s19] =	ssyncadd.s32 $0xFFFFD8F0  }
0x30: {  	[tilespmem:$0xD990] =	vst v0  }
0x31: {  	[tilespmem:$0xD9A0] =	vst v0  }
0x32: {  	[tilespmem:$0xD9B0] =	vst v0  }
0x33: {  	[tilespmem:$0xD9C0] =	vst v0  }
0x34: {  	[tilespmem:$0xD9D0] =	vst v0  }
0x35: {  	[tilespmem:$0xD9E0] =	vst v0  }
0x36: {  	[tilespmem:$0xD9F0] =	vst v0  }
0x37: {  	[tilespmem:$0xDA00] =	vst v0  }
0x38: {  	[tilespmem:$0xDA10] =	vst v0  }
0x39: {  	[tilespmem:$0xDA20] =	vst v0  }
0x3a: {  	[tilespmem:$0xDA30] =	vst v0  }
0x3b: {  	[tilespmem:$0xDA40] =	vst v0  }
0x3c: {  	[tilespmem:$0xDA50] =	vst v0  }
0x3d: {  	[tilespmem:$0xDA60] =	vst v0  }
0x3e: {  	[tilespmem:$0xDA70] =	vst v0  }
0x3f: {  	[tilespmem:$0xDA80] =	vst v0  }
0x40: {  	[tilespmem:$0xDA90] =	vst v0  }
0x41: {  	[tilespmem:$0xDAA0] =	vst v0  }
0x42: {  	[tilespmem:$0xDAB0] =	vst v0  }
0x43: {  	[tilespmem:$0xDAC0] =	vst v0  }
0x44: {  	[tilespmem:$0xDAD0] =	vst v0  }
0x45: {  	[tilespmem:$0xDAE0] =	vst v0  }
0x46: {  	[tilespmem:$0xDAF0] =	vst v0  }
0x47: {  	[tilespmem:$0xDB00] =	vst v0  }
0x48: {  	[tilespmem:$0xDB10] =	vst v0  }
0x49: {  	[tilespmem:$0xDB20] =	vst v0  }
0x4a: {  	[tilespmem:$0xDB30] =	vst v0  }
0x4b: {  	[tilespmem:$0xDB40] =	vst v0  }
0x4c: {  	[tilespmem:$0xDB50] =	vst v0  }
0x4d: {  	[tilespmem:$0xDB60] =	vst v0  }
0x4e: {  	[tilespmem:$0xDB70] =	vst v0  }
0x4f: {  	[tilespmem:$0xDB80] =	vst v0  }
0x50: {  	[tilespmem:$0xDB90] =	vst v0  }
0x51: {  	[tilespmem:$0xDBA0] =	vst v0  }
0x52: {  	[tilespmem:$0xDBB0] =	vst v0  }
0x53: {  	[tilespmem:$0xDBC0] =	vst v0  }
0x54: {  	[tilespmem:$0xDBD0] =	vst v0  }
0x55: {  	[tilespmem:$0xDBE0] =	vst v0  }
0x56: {  	[tilespmem:$0xDBF0] =	vst v0  }
0x57: {  	[tilespmem:$0xDC00] =	vst v0  }
0x58: {  	[spmem:s28] =	stream.linear.scatter [tilespmem:s0], [sflag:$0x7], $0x280, $0x38;
	[tilespmem:$0x10390] =	vst v63  }
0x59: {  	_ =	swait.ge [sflag:s19], $0x280  }
0x5a: {  	[sflag:s19] =	ssyncset.done $0x0  }
0x5b: {  	[sflag:s19] =	ssyncadd.s32 $0xFFFFFD80  }
0x5c: {  	[bflag:$0x0] =	sbarrier.arrive $0xFFFF  }
0x5d: {  	s30 =	simm.s32 $0x2990;
	s29 =	rddreg [dreg:$0x5]  }
0x5e: {  	[tilespmem:s30], [sflag:$0x1] =	stream.linear.gather [hbm4b:s29+s1], $0x7D0, $0x38;
	[tilespmem:$0x10390] =	vst v63  }
0x5f: {  	s12 =	rddreg [dreg:$0x6]  }
0x60: {  	[tilespmem:s3], [sflag:$0x1] =	stream.linear.gather [hbm4b:s12+s1], $0x7D0, $0x38;
	[tilespmem:$0x10390] =	vst v63  }
0x61: {  	s26 =	simm.s32 $0x6990;
	s14 =	rddreg [dreg:$0x7]  }
0x62: {  	[tilespmem:s26], [sflag:$0x1] =	stream.linear.gather [hbm4b:s14+s1], $0x7D0, $0x38;
	[tilespmem:$0x10390] =	vst v63  }
0x63: {  	s29 =	rddreg [dreg:$0x8];
	s30 =	simm.s32 $0x3190  }
0x64: {  	[tilespmem:s30], [sflag:$0x2] =	stream.linear.gather [hbm4b:s29+s1], $0x7D0, $0x38;
	[tilespmem:$0x10390] =	vst v63  }
0x65: {  	s14 =	rddreg [dreg:$0x9];
	s26 =	simm.s32 $0x5190  }
0x66: {  	[tilespmem:s26], [sflag:$0x2] =	stream.linear.gather [hbm4b:s14+s1], $0x7D0, $0x38;
	[tilespmem:$0x10390] =	vst v63  }
0x67: {  	s29 =	rddreg [dreg:$0xa];
	s30 =	simm.s32 $0x7190  }
0x68: {  	[tilespmem:s30], [sflag:$0x2] =	stream.linear.gather [hbm4b:s29+s1], $0x7D0, $0x38;
	[tilespmem:$0x10390] =	vst v63  }
0x69: {  	_ =	swait.ge [sflag:s6], $0x7D0  }
0x6a: {  	[sflag:s6] =	ssyncset.done $0x0  }
0x6b: {  	[sflag:s6] =	ssyncadd.s32 $0xFFFFF830  }
0x6c: {  	_ =	swait.ge [sflag:s6], $0x7D0  }
0x6d: {  	[sflag:s6] =	ssyncset.done $0x0  }
0x6e: {  	[sflag:s6] =	ssyncadd.s32 $0xFFFFF830  }
0x6f: {  	_ =	swait.ge [sflag:s6], $0x7D0  }
0x70: {  	[sflag:s6] =	ssyncset.done $0x0  }
0x71: {  	s5 =	simm.s32 $0x0;
	[sflag:s6] =	ssyncadd.s32 $0xFFFFF830  }
0x72: {  	v2 =	vld [tilespmem:s5+$0x4990]  }
0x73: {  	v1 =	vld [tilespmem:s5+$0x6990]  }
0x74: {  	v3 =	vld [tilespmem:s5+$0x2990]  }
0x75: {  	s12 =	simm.s32 $0x40  }
.LBB2_2:
0x76: {  	p0 =	sne.s32 s12, $0x1F00  }
.Ltmp0:
0x77: {  	s26 =	sshra.s32 s12, $0x2;
	s12 =	sadd.s32 $0x40, s12;
	v4 =	vshll.u32 v2, $0x4;
	(pc) =	sbr.rel @p0 .LBB2_2-.Ltmp0, $4  }
0x78: {  	v2 =	vld [tilespmem:s26+$0x4990];
	v4 =	vadd.s32 v4, v1;
	v5 =	vmov v1  }
0x79: {  	v1 =	vld [tilespmem:s26+$0x6990];
	v6 =	vshll.u32 v3, $0x4;
	v4 =	vadd.s32 $0x8, v4  }
0x7a: {  	v3 =	vld [tilespmem:s26+$0x2990];
	v5 =	vadd.s32 v5, v6;
	[tilespmem:s5+$0x9990] =	vst v4  }
0x7b: {  	[tilespmem:s5+$0x8990] =	vst v5;
	s5 =	smov.u32 s26  }
0x7c: {  	_ = 	snop  }
0x7d: {  	v2 =	vshll.u32 v2, $0x4  }
0x7e: {  	v2 =	vadd.s32 v2, v1  }
0x7f: {  	v3 =	vshll.u32 v3, $0x4;
	v2 =	vadd.s32 $0x8, v2  }
0x80: {  	v1 =	vadd.s32 v1, v3;
	[tilespmem:s5+$0x9990] =	vst v2  }
0x81: {  	[tilespmem:s5+$0x8990] =	vst v1  }
0x82: {  	[tilespmem:s9], [sflag:$0x5] =	stream.indirect.gather [spmem:s20], $0x1, s8, s7, $0xb8;
	[tilespmem:$0x10390] =	vst v63  }
0x83: {  	_ = 	snop  }
0x84: {  	[tilespmem:s11], [sflag:$0x5] =	stream.indirect.gather [spmem:s20], $0x1, s10, s7, $0xb8;
	[tilespmem:$0x10390] =	vst v63  }
0x85: {  	s12 =	rddreg [dreg:$0xb];
	s14 =	simm.s32 $0x3990;
	s5 =	simm.s32 $0x0  }
0x86: {  	[tilespmem:s14], [sflag:$0x3] =	stream.linear.gather [hbm4b:s12+s5], $0x7D0, $0x38;
	[tilespmem:$0x10390] =	vst v63  }
0x87: {  	s26 =	simm.s32 $0x5990;
	s14 =	rddreg [dreg:$0xc]  }
0x88: {  	[tilespmem:s26], [sflag:$0x3] =	stream.linear.gather [hbm4b:s14+s5], $0x7D0, $0x38;
	[tilespmem:$0x10390] =	vst v63  }
0x89: {  	s29 =	rddreg [dreg:$0xd];
	s30 =	simm.s32 $0x7990  }
0x8a: {  	[tilespmem:s30], [sflag:$0x3] =	stream.linear.gather [hbm4b:s29+s5], $0x7D0, $0x38;
	[tilespmem:$0x10390] =	vst v63  }
0x8b: {  	_ =	swait.ge [sflag:s13], $0x7D0  }
0x8c: {  	[sflag:s13] =	ssyncset.done $0x0  }
0x8d: {  	[sflag:s13] =	ssyncadd.s32 $0xFFFFF830  }
0x8e: {  	_ =	swait.ge [sflag:s13], $0x7D0  }
0x8f: {  	[sflag:s13] =	ssyncset.done $0x0  }
0x90: {  	[sflag:s13] =	ssyncadd.s32 $0xFFFFF830  }
0x91: {  	_ =	swait.ge [sflag:s13], $0x7D0  }
0x92: {  	[sflag:s13] =	ssyncset.done $0x0  }
0x93: {  	s5 =	simm.s32 $0x0;
	[sflag:s13] =	ssyncadd.s32 $0xFFFFF830  }
0x94: {  	v2 =	vld [tilespmem:s5+$0x5190]  }
0x95: {  	v1 =	vld [tilespmem:s5+$0x7190]  }
0x96: {  	v3 =	vld [tilespmem:s5+$0x3190]  }
0x97: {  	s12 =	simm.s32 $0x40  }
.LBB2_4:
0x98: {  	p0 =	sne.s32 s12, $0x1F00  }
.Ltmp1:
0x99: {  	s26 =	sshra.s32 s12, $0x2;
	s12 =	sadd.s32 $0x40, s12;
	v4 =	vshll.u32 v2, $0x4;
	(pc) =	sbr.rel @p0 .LBB2_4-.Ltmp1, $4  }
0x9a: {  	v2 =	vld [tilespmem:s26+$0x5190];
	v4 =	vadd.s32 v4, v1;
	v5 =	vmov v1  }
0x9b: {  	v1 =	vld [tilespmem:s26+$0x7190];
	v6 =	vshll.u32 v3, $0x4;
	v4 =	vadd.s32 $0x8, v4  }
0x9c: {  	v3 =	vld [tilespmem:s26+$0x3190];
	v5 =	vadd.s32 v5, v6;
	[tilespmem:s5+$0xA190] =	vst v4  }
0x9d: {  	[tilespmem:s5+$0x9190] =	vst v5;
	s5 =	smov.u32 s26  }
0x9e: {  	_ = 	snop  }
0x9f: {  	v2 =	vshll.u32 v2, $0x4  }
0xa0: {  	v2 =	vadd.s32 v2, v1  }
0xa1: {  	v3 =	vshll.u32 v3, $0x4;
	v2 =	vadd.s32 $0x8, v2  }
0xa2: {  	v1 =	vadd.s32 v1, v3;
	[tilespmem:s5+$0xA190] =	vst v2  }
0xa3: {  	s26 =	simm.s32 $0x9190;
	[tilespmem:s5+$0x9190] =	vst v1  }
0xa4: {  	[tilespmem:s15], [sflag:$0x6] =	stream.indirect.gather [spmem:s20], $0x1, s26, s7, $0xb8;
	[tilespmem:$0x10390] =	vst v63  }
0xa5: {  	_ = 	snop  }
0xa6: {  	[tilespmem:s17], [sflag:$0x6] =	stream.indirect.gather [spmem:s20], $0x1, s16, s7, $0xb8;
	[tilespmem:$0x10390] =	vst v63  }
0xa7: {  	_ =	swait.ge [sflag:s18], $0x7D0  }
0xa8: {  	[sflag:s18] =	ssyncset.done $0x0  }
0xa9: {  	[sflag:s18] =	ssyncadd.s32 $0xFFFFF830  }
0xaa: {  	_ =	swait.ge [sflag:s18], $0x7D0  }
0xab: {  	[sflag:s18] =	ssyncset.done $0x0  }
0xac: {  	s5 =	simm.s32 $0x0;
	[sflag:s18] =	ssyncadd.s32 $0xFFFFF830  }
0xad: {  	v1 =	vld [tilespmem:s5+$0xA990]  }
0xae: {  	v2 =	vld [tilespmem:s5+$0xB990];
	_ =	sdelay $0x4  }
0xaf: {  	v1 =	vadd.f32 v2, v1;
	_ =	sdelay $0x1  }
0xb0: {  	s26 =	simm.s32 $0x10;
	v2 =	vmul.f32 $2.000000030e-01, v1  }
0xb1: {  	v3 =	vld [tilespmem:s26+$0xA990]  }
0xb2: {  	v4 =	vld [tilespmem:s26+$0xB990];
	v1 =	vmax.f32 v1, v2  }
0xb3: {  	s30 =	simm.s32 $0x20;
	v1 =	vmul.f32 $1.442695020e+00, v1  }
0xb4: {  	v2 =	vld [tilespmem:s30+$0xA990]  }
0xb5: {  	(erf) = vpow2.f32 v1;
	v1 =	vld [tilespmem:s30+$0xB990];
	_ =	sdelay $0x1  }
0xb6: {  	v3 =	vadd.f32 v4, v3;
	_ =	sdelay $0x1  }
0xb7: {  	v4 =	vmul.f32 $2.000000030e-01, v3  }
0xb8: {  	v5 =	vadd.f32 v1, v2  }
0xb9: {  	v1 =	vmax.f32 v3, v4  }
0xba: {  	s29 =	simm.s32 $0x30;
	v2 =	vmul.f32 $1.442695020e+00, v1;
	v3 =	vmul.f32 $2.000000030e-01, v5  }
0xbb: {  	v1 =	vld [tilespmem:s29+$0xA990]  }
0xbc: {  	(erf) = vpow2.f32 v2;
	v2 =	vld [tilespmem:s29+$0xB990];
	_ =	sdelay $0x1  }
0xbd: {  	s12 =	simm.s32 $0x100;
	v4 =	vmax.f32 v5, v3;
	v3 =	vpop (erf)  }
.LBB2_6:
0xbe: {  	s14 =	sshra.s32 s12, $0x2  }
0xbf: {  	v4 =	vmul.f32 $1.442695020e+00, v4;
	[tilespmem:s5+$0xC990] =	vst v3;
	s5 =	smov.u32 s26;
	s26 =	smov.u32 s30;
	p0 =	sne.s32 s12, $0x1F00  }
.Ltmp2:
0xc0: {  	s12 =	sadd.s32 $0x40, s12;
	v3 =	vadd.f32 v2, v1;
	v1 =	vld [tilespmem:s14+$0xA990];
	(pc) =	sbr.rel @p0 .LBB2_6-.Ltmp2, $3  }
0xc1: {  	s30 =	smov.u32 s29;
	s29 =	smov.u32 s14;
	v2 =	vld [tilespmem:s14+$0xB990];
	(erf) = vpow2.f32 v4  }
0xc2: {  	v4 =	vmul.f32 $2.000000030e-01, v3;
	_ =	sdelay $0x1  }
0xc3: {  	v4 =	vmax.f32 v3, v4;
	v3 =	vpop (erf)  }
0xc4: {  	_ = 	snop  }
0xc5: {  	v1 =	vadd.f32 v2, v1;
	_ =	sdelay $0x1  }
0xc6: {  	v2 =	vmul.f32 $2.000000030e-01, v1;
	_ =	sdelay $0x1  }
0xc7: {  	v4 =	vmul.f32 $1.442695020e+00, v4;
	v1 =	vmax.f32 v1, v2  }
0xc8: {  	v1 =	vmul.f32 $1.442695020e+00, v1  }
0xc9: {  	(erf) = vpow2.f32 v4  }
0xca: {  	(erf) = vpow2.f32 v1;
	_ =	sdelay $0x6  }
0xcb: {  	[tilespmem:s5+$0xC990] =	vst v3;
	v1 =	vpop (erf)  }
0xcc: {  	[tilespmem:s26+$0xC990] =	vst v1;
	v1 =	vpop (erf)  }
0xcd: {  	[tilespmem:s30+$0xC990] =	vst v1;
	v1 =	vpop (erf)  }
0xce: {  	s5 =	simm.s32 $0x0;
	s12 =	rddreg [dreg:$0xe];
	[tilespmem:s29+$0xC990] =	vst v1  }
0xcf: {  	[hbm4b:s12+s5] =	stream.linear.scatter [tilespmem:s21], [sflag:$0x7], $0x7D0, $0x38;
	[tilespmem:$0x10390] =	vst v63  }
0xd0: {  	_ =	swait.ge [sflag:s19], $0x7D0  }
0xd1: {  	[sflag:s19] =	ssyncset.done $0x0  }
0xd2: {  	[sflag:s19] =	ssyncadd.s32 $0xFFFFF830  }
0xd3: {  	[spmem:s22] =	stream.indirect.scatter.add.f32 [tilespmem:s21], [sflag:$0x7], $0x1, s3, s7, $0xb8;
	[tilespmem:$0x10390] =	vst v63  }
0xd4: {  	_ =	swait.ge [sflag:s19], $0x7D0  }
0xd5: {  	[sflag:s19] =	ssyncset.done $0x0  }
0xd6: {  	s14 =	simm.s32 $0x4190;
	s30 =	rddreg [dreg:$0xf];
	[sflag:s19] =	ssyncadd.s32 $0xFFFFF830  }
0xd7: {  	[tilespmem:s14], [sflag:$0x4] =	stream.linear.gather [hbm4b:s30+s5], $0x7D0, $0x38;
	[tilespmem:$0x10390] =	vst v63  }
0xd8: {  	s26 =	rddreg [dreg:$0x10]  }
0xd9: {  	[tilespmem:s31], [sflag:$0x4] =	stream.linear.gather [hbm4b:s26+s5], $0x7D0, $0x38;
	[tilespmem:$0x10390] =	vst v63  }
0xda: {  	s29 =	rddreg [dreg:$0x14];
	s30 =	simm.s32 $0x8190  }
0xdb: {  	[tilespmem:s30], [sflag:$0x4] =	stream.linear.gather [hbm4b:s29+s5], $0x7D0, $0x38;
	[tilespmem:$0x10390] =	vst v63  }
0xdc: {  	_ =	swait.ge [sflag:s23], $0x7D0  }
0xdd: {  	[sflag:s23] =	ssyncset.done $0x0  }
0xde: {  	[sflag:s23] =	ssyncadd.s32 $0xFFFFF830  }
0xdf: {  	_ =	swait.ge [sflag:s23], $0x7D0  }
0xe0: {  	[sflag:s23] =	ssyncset.done $0x0  }
0xe1: {  	[sflag:s23] =	ssyncadd.s32 $0xFFFFF830  }
0xe2: {  	_ =	swait.ge [sflag:s23], $0x7D0  }
0xe3: {  	[sflag:s23] =	ssyncset.done $0x0  }
0xe4: {  	s5 =	simm.s32 $0x0;
	[sflag:s23] =	ssyncadd.s32 $0xFFFFF830  }
0xe5: {  	v2 =	vld [tilespmem:s5+$0x5990]  }
0xe6: {  	v1 =	vld [tilespmem:s5+$0x7990]  }
0xe7: {  	v3 =	vld [tilespmem:s5+$0x3990]  }
0xe8: {  	s12 =	simm.s32 $0x40  }
.LBB2_8:
0xe9: {  	p0 =	sne.s32 s12, $0x1F00  }
.Ltmp3:
0xea: {  	s14 =	sshra.s32 s12, $0x2;
	s12 =	sadd.s32 $0x40, s12;
	v4 =	vshll.u32 v2, $0x4;
	(pc) =	sbr.rel @p0 .LBB2_8-.Ltmp3, $4  }
0xeb: {  	v2 =	vld [tilespmem:s14+$0x5990];
	v4 =	vadd.s32 v4, v1;
	v5 =	vmov v1  }
0xec: {  	v1 =	vld [tilespmem:s14+$0x7990];
	v6 =	vshll.u32 v3, $0x4;
	v4 =	vadd.s32 $0x8, v4  }
0xed: {  	v3 =	vld [tilespmem:s14+$0x3990];
	v5 =	vadd.s32 v5, v6;
	[tilespmem:s5+$0x9990] =	vst v4  }
0xee: {  	[tilespmem:s5+$0x8990] =	vst v5;
	s5 =	smov.u32 s14  }
0xef: {  	_ = 	snop  }
0xf0: {  	v2 =	vshll.u32 v2, $0x4  }
0xf1: {  	v2 =	vadd.s32 v2, v1  }
0xf2: {  	v3 =	vshll.u32 v3, $0x4;
	v2 =	vadd.s32 $0x8, v2  }
0xf3: {  	v1 =	vadd.s32 v1, v3;
	[tilespmem:s5+$0x9990] =	vst v2  }
0xf4: {  	[tilespmem:s5+$0x8990] =	vst v1  }
0xf5: {  	[tilespmem:s9], [sflag:$0x5] =	stream.indirect.gather [spmem:s20], $0x1, s8, s7, $0xb8;
	[tilespmem:$0x10390] =	vst v63  }
0xf6: {  	_ = 	snop  }
0xf7: {  	[tilespmem:s11], [sflag:$0x5] =	stream.indirect.gather [spmem:s20], $0x1, s10, s7, $0xb8;
	[tilespmem:$0x10390] =	vst v63  }
0xf8: {  	_ =	swait.ge [sflag:s2], $0x7D0  }
0xf9: {  	[sflag:s2] =	ssyncset.done $0x0  }
0xfa: {  	[sflag:s2] =	ssyncadd.s32 $0xFFFFF830  }
0xfb: {  	_ =	swait.ge [sflag:s2], $0x7D0  }
0xfc: {  	[sflag:s2] =	ssyncset.done $0x0  }
0xfd: {  	s5 =	simm.s32 $0x0;
	[sflag:s2] =	ssyncadd.s32 $0xFFFFF830  }
0xfe: {  	v1 =	vld [tilespmem:s5+$0xB190]  }
0xff: {  	v2 =	vld [tilespmem:s5+$0xC190];
	_ =	sdelay $0x4  }
0x100: {  	v1 =	vadd.f32 v2, v1;
	_ =	sdelay $0x1  }
0x101: {  	s26 =	simm.s32 $0x10;
	v2 =	vmul.f32 $2.000000030e-01, v1  }
0x102: {  	v3 =	vld [tilespmem:s26+$0xB190]  }
0x103: {  	v4 =	vld [tilespmem:s26+$0xC190];
	v1 =	vmax.f32 v1, v2  }
0x104: {  	s30 =	simm.s32 $0x20;
	v1 =	vmul.f32 $1.442695020e+00, v1  }
0x105: {  	v2 =	vld [tilespmem:s30+$0xB190]  }
0x106: {  	(erf) = vpow2.f32 v1;
	v1 =	vld [tilespmem:s30+$0xC190];
	_ =	sdelay $0x1  }
0x107: {  	v3 =	vadd.f32 v4, v3;
	_ =	sdelay $0x1  }
0x108: {  	v4 =	vmul.f32 $2.000000030e-01, v3  }
0x109: {  	v5 =	vadd.f32 v1, v2  }
0x10a: {  	v1 =	vmax.f32 v3, v4  }
0x10b: {  	s29 =	simm.s32 $0x30;
	v2 =	vmul.f32 $1.442695020e+00, v1;
	v3 =	vmul.f32 $2.000000030e-01, v5  }
0x10c: {  	v1 =	vld [tilespmem:s29+$0xB190]  }
0x10d: {  	(erf) = vpow2.f32 v2;
	v2 =	vld [tilespmem:s29+$0xC190];
	_ =	sdelay $0x1  }
0x10e: {  	s12 =	simm.s32 $0x100;
	v4 =	vmax.f32 v5, v3;
	v3 =	vpop (erf)  }
.LBB2_10:
0x10f: {  	s14 =	sshra.s32 s12, $0x2  }
0x110: {  	v4 =	vmul.f32 $1.442695020e+00, v4;
	[tilespmem:s5+$0xD190] =	vst v3;
	s5 =	smov.u32 s26;
	s26 =	smov.u32 s30;
	p0 =	sne.s32 s12, $0x1F00  }
.Ltmp4:
0x111: {  	s12 =	sadd.s32 $0x40, s12;
	v3 =	vadd.f32 v2, v1;
	v1 =	vld [tilespmem:s14+$0xB190];
	(pc) =	sbr.rel @p0 .LBB2_10-.Ltmp4, $3  }
0x112: {  	s30 =	smov.u32 s29;
	s29 =	smov.u32 s14;
	v2 =	vld [tilespmem:s14+$0xC190];
	(erf) = vpow2.f32 v4  }
0x113: {  	v4 =	vmul.f32 $2.000000030e-01, v3;
	_ =	sdelay $0x1  }
0x114: {  	v4 =	vmax.f32 v3, v4;
	v3 =	vpop (erf)  }
0x115: {  	_ = 	snop  }
0x116: {  	v1 =	vadd.f32 v2, v1;
	_ =	sdelay $0x1  }
0x117: {  	v2 =	vmul.f32 $2.000000030e-01, v1;
	_ =	sdelay $0x1  }
0x118: {  	v4 =	vmul.f32 $1.442695020e+00, v4;
	v1 =	vmax.f32 v1, v2  }
0x119: {  	v1 =	vmul.f32 $1.442695020e+00, v1  }
0x11a: {  	(erf) = vpow2.f32 v4  }
0x11b: {  	(erf) = vpow2.f32 v1;
	_ =	sdelay $0x6  }
0x11c: {  	[tilespmem:s5+$0xD190] =	vst v3;
	v1 =	vpop (erf)  }
0x11d: {  	[tilespmem:s26+$0xD190] =	vst v1;
	v1 =	vpop (erf)  }
0x11e: {  	[tilespmem:s30+$0xD190] =	vst v1;
	v1 =	vpop (erf)  }
0x11f: {  	s5 =	simm.s32 $0x0;
	s12 =	rddreg [dreg:$0x11];
	[tilespmem:s29+$0xD190] =	vst v1  }
0x120: {  	[hbm4b:s12+s5] =	stream.linear.scatter [tilespmem:s24], [sflag:$0x7], $0x7D0, $0x38;
	[tilespmem:$0x10390] =	vst v63  }
0x121: {  	_ =	swait.ge [sflag:s19], $0x7D0  }
0x122: {  	[sflag:s19] =	ssyncset.done $0x0  }
0x123: {  	s29 =	simm.s32 $0x5190;
	[sflag:s19] =	ssyncadd.s32 $0xFFFFF830  }
0x124: {  	[spmem:s22] =	stream.indirect.scatter.add.f32 [tilespmem:s24], [sflag:$0x7], $0x1, s29, s7, $0xb8;
	[tilespmem:$0x10390] =	vst v63  }
0x125: {  	_ =	swait.ge [sflag:s19], $0x7D0  }
0x126: {  	[sflag:s19] =	ssyncset.done $0x0  }
0x127: {  	s14 =	simm.s32 $0x2990;
	s30 =	rddreg [dreg:$0x12];
	[sflag:s19] =	ssyncadd.s32 $0xFFFFF830  }
0x128: {  	[tilespmem:s14], [sflag:$0x1] =	stream.linear.gather [hbm4b:s30+s5], $0x7D0, $0x38;
	[tilespmem:$0x10390] =	vst v63  }
0x129: {  	s26 =	rddreg [dreg:$0x13]  }
0x12a: {  	[tilespmem:s3], [sflag:$0x1] =	stream.linear.gather [hbm4b:s26+s5], $0x7D0, $0x38;
	[tilespmem:$0x10390] =	vst v63  }
0x12b: {  	s29 =	rddreg [dreg:$0x15];
	s30 =	simm.s32 $0x6990  }
0x12c: {  	[tilespmem:s30], [sflag:$0x1] =	stream.linear.gather [hbm4b:s29+s5], $0x7D0, $0x38;
	[tilespmem:$0x10390] =	vst v63  }
0x12d: {  	_ =	swait.ge [sflag:s4], $0x7D0  }
0x12e: {  	[sflag:s4] =	ssyncset.done $0x0  }
0x12f: {  	[sflag:s4] =	ssyncadd.s32 $0xFFFFF830  }
0x130: {  	_ =	swait.ge [sflag:s4], $0x7D0  }
0x131: {  	[sflag:s4] =	ssyncset.done $0x0  }
0x132: {  	[sflag:s4] =	ssyncadd.s32 $0xFFFFF830  }
0x133: {  	_ =	swait.ge [sflag:s4], $0x7D0  }
0x134: {  	[sflag:s4] =	ssyncset.done $0x0  }
0x135: {  	s5 =	simm.s32 $0x0;
	[sflag:s4] =	ssyncadd.s32 $0xFFFFF830  }
0x136: {  	v2 =	vld [tilespmem:s5+$0x6190]  }
0x137: {  	v1 =	vld [tilespmem:s5+$0x8190]  }
0x138: {  	v3 =	vld [tilespmem:s5+$0x4190]  }
0x139: {  	s12 =	simm.s32 $0x40  }
.LBB2_12:
0x13a: {  	p0 =	sne.s32 s12, $0x1F00  }
.Ltmp5:
0x13b: {  	s14 =	sshra.s32 s12, $0x2;
	s12 =	sadd.s32 $0x40, s12;
	v4 =	vshll.u32 v2, $0x4;
	(pc) =	sbr.rel @p0 .LBB2_12-.Ltmp5, $4  }
0x13c: {  	v2 =	vld [tilespmem:s14+$0x6190];
	v4 =	vadd.s32 v4, v1;
	v5 =	vmov v1  }
0x13d: {  	v1 =	vld [tilespmem:s14+$0x8190];
	v6 =	vshll.u32 v3, $0x4;
	v4 =	vadd.s32 $0x8, v4  }
0x13e: {  	v3 =	vld [tilespmem:s14+$0x4190];
	v5 =	vadd.s32 v5, v6;
	[tilespmem:s5+$0xA190] =	vst v4  }
0x13f: {  	[tilespmem:s5+$0x9190] =	vst v5;
	s5 =	smov.u32 s14  }
0x140: {  	_ = 	snop  }
0x141: {  	v2 =	vshll.u32 v2, $0x4  }
0x142: {  	v2 =	vadd.s32 v2, v1  }
0x143: {  	v3 =	vshll.u32 v3, $0x4;
	v2 =	vadd.s32 $0x8, v2  }
0x144: {  	v1 =	vadd.s32 v1, v3;
	[tilespmem:s5+$0xA190] =	vst v2  }
0x145: {  	s26 =	simm.s32 $0x9190;
	[tilespmem:s5+$0x9190] =	vst v1  }
0x146: {  	[tilespmem:s15], [sflag:$0x6] =	stream.indirect.gather [spmem:s20], $0x1, s26, s7, $0xb8;
	[tilespmem:$0x10390] =	vst v63  }
0x147: {  	_ = 	snop  }
0x148: {  	[tilespmem:s17], [sflag:$0x6] =	stream.indirect.gather [spmem:s20], $0x1, s16, s7, $0xb8;
	[tilespmem:$0x10390] =	vst v63  }
0x149: {  	_ =	swait.ge [sflag:s18], $0x7D0  }
0x14a: {  	[sflag:s18] =	ssyncset.done $0x0  }
0x14b: {  	[sflag:s18] =	ssyncadd.s32 $0xFFFFF830  }
0x14c: {  	_ =	swait.ge [sflag:s18], $0x7D0  }
0x14d: {  	[sflag:s18] =	ssyncset.done $0x0  }
0x14e: {  	s5 =	simm.s32 $0x0;
	[sflag:s18] =	ssyncadd.s32 $0xFFFFF830  }
0x14f: {  	v1 =	vld [tilespmem:s5+$0xA990]  }
0x150: {  	v2 =	vld [tilespmem:s5+$0xB990];
	_ =	sdelay $0x4  }
0x151: {  	v1 =	vadd.f32 v2, v1;
	_ =	sdelay $0x1  }
0x152: {  	s26 =	simm.s32 $0x10;
	v2 =	vmul.f32 $2.000000030e-01, v1  }
0x153: {  	v3 =	vld [tilespmem:s26+$0xA990]  }
0x154: {  	v4 =	vld [tilespmem:s26+$0xB990];
	v1 =	vmax.f32 v1, v2  }
0x155: {  	s30 =	simm.s32 $0x20;
	v1 =	vmul.f32 $1.442695020e+00, v1  }
0x156: {  	v2 =	vld [tilespmem:s30+$0xA990]  }
0x157: {  	(erf) = vpow2.f32 v1;
	v1 =	vld [tilespmem:s30+$0xB990];
	_ =	sdelay $0x1  }
0x158: {  	v3 =	vadd.f32 v4, v3;
	_ =	sdelay $0x1  }
0x159: {  	v4 =	vmul.f32 $2.000000030e-01, v3  }
0x15a: {  	v5 =	vadd.f32 v1, v2  }
0x15b: {  	v1 =	vmax.f32 v3, v4  }
0x15c: {  	s29 =	simm.s32 $0x30;
	v2 =	vmul.f32 $1.442695020e+00, v1;
	v3 =	vmul.f32 $2.000000030e-01, v5  }
0x15d: {  	v1 =	vld [tilespmem:s29+$0xA990]  }
0x15e: {  	(erf) = vpow2.f32 v2;
	v2 =	vld [tilespmem:s29+$0xB990];
	_ =	sdelay $0x1  }
0x15f: {  	s12 =	simm.s32 $0x100;
	v4 =	vmax.f32 v5, v3;
	v3 =	vpop (erf)  }
.LBB2_14:
0x160: {  	s14 =	sshra.s32 s12, $0x2  }
0x161: {  	v4 =	vmul.f32 $1.442695020e+00, v4;
	[tilespmem:s5+$0xC990] =	vst v3;
	s5 =	smov.u32 s26;
	s26 =	smov.u32 s30;
	p0 =	sne.s32 s12, $0x1F00  }
.Ltmp6:
0x162: {  	s12 =	sadd.s32 $0x40, s12;
	v3 =	vadd.f32 v2, v1;
	v1 =	vld [tilespmem:s14+$0xA990];
	(pc) =	sbr.rel @p0 .LBB2_14-.Ltmp6, $3  }
0x163: {  	s30 =	smov.u32 s29;
	s29 =	smov.u32 s14;
	v2 =	vld [tilespmem:s14+$0xB990];
	(erf) = vpow2.f32 v4  }
0x164: {  	v4 =	vmul.f32 $2.000000030e-01, v3;
	_ =	sdelay $0x1  }
0x165: {  	v4 =	vmax.f32 v3, v4;
	v3 =	vpop (erf)  }
0x166: {  	_ = 	snop  }
0x167: {  	v1 =	vadd.f32 v2, v1;
	_ =	sdelay $0x1  }
0x168: {  	v2 =	vmul.f32 $2.000000030e-01, v1;
	_ =	sdelay $0x1  }
0x169: {  	v4 =	vmul.f32 $1.442695020e+00, v4;
	v1 =	vmax.f32 v1, v2  }
0x16a: {  	v1 =	vmul.f32 $1.442695020e+00, v1  }
0x16b: {  	(erf) = vpow2.f32 v4  }
0x16c: {  	(erf) = vpow2.f32 v1;
	_ =	sdelay $0x6  }
0x16d: {  	[tilespmem:s5+$0xC990] =	vst v3;
	v1 =	vpop (erf)  }
0x16e: {  	[tilespmem:s26+$0xC990] =	vst v1;
	v1 =	vpop (erf)  }
0x16f: {  	[tilespmem:s30+$0xC990] =	vst v1;
	v1 =	vpop (erf)  }
0x170: {  	s12 =	rddreg [dreg:$0x16];
	[tilespmem:s29+$0xC990] =	vst v1;
	s29 =	simm.s32 $0x0  }
0x171: {  	[hbm4b:s12+s29] =	stream.linear.scatter [tilespmem:s21], [sflag:$0x7], $0x7D0, $0x38;
	[tilespmem:$0x10390] =	vst v63  }
0x172: {  	_ =	swait.ge [sflag:s19], $0x7D0  }
0x173: {  	[sflag:s19] =	ssyncset.done $0x0  }
0x174: {  	s30 =	simm.s32 $0x5990;
	[sflag:s19] =	ssyncadd.s32 $0xFFFFF830  }
0x175: {  	[spmem:s22] =	stream.indirect.scatter.add.f32 [tilespmem:s21], [sflag:$0x7], $0x1, s30, s7, $0xb8;
	[tilespmem:$0x10390] =	vst v63  }
0x176: {  	_ =	swait.ge [sflag:s19], $0x7D0  }
0x177: {  	[sflag:s19] =	ssyncset.done $0x0  }
0x178: {  	[sflag:s19] =	ssyncadd.s32 $0xFFFFF830  }
0x179: {  	_ =	swait.ge [sflag:s6], $0x7D0  }
0x17a: {  	[sflag:s6] =	ssyncset.done $0x0  }
0x17b: {  	[sflag:s6] =	ssyncadd.s32 $0xFFFFF830  }
0x17c: {  	_ =	swait.ge [sflag:s6], $0x7D0  }
0x17d: {  	[sflag:s6] =	ssyncset.done $0x0  }
0x17e: {  	[sflag:s6] =	ssyncadd.s32 $0xFFFFF830  }
0x17f: {  	_ =	swait.ge [sflag:s6], $0x7D0  }
0x180: {  	[sflag:s6] =	ssyncset.done $0x0  }
0x181: {  	s5 =	simm.s32 $0x0;
	[sflag:s6] =	ssyncadd.s32 $0xFFFFF830  }
0x182: {  	v2 =	vld [tilespmem:s5+$0x4990]  }
0x183: {  	v1 =	vld [tilespmem:s5+$0x6990]  }
0x184: {  	v3 =	vld [tilespmem:s5+$0x2990]  }
0x185: {  	s12 =	simm.s32 $0x40  }
.LBB2_16:
0x186: {  	p0 =	sne.s32 s12, $0x1F00  }
.Ltmp7:
0x187: {  	s14 =	sshra.s32 s12, $0x2;
	s12 =	sadd.s32 $0x40, s12;
	v4 =	vshll.u32 v2, $0x4;
	(pc) =	sbr.rel @p0 .LBB2_16-.Ltmp7, $4  }
0x188: {  	v2 =	vld [tilespmem:s14+$0x4990];
	v4 =	vadd.s32 v4, v1;
	v5 =	vmov v1  }
0x189: {  	v1 =	vld [tilespmem:s14+$0x6990];
	v6 =	vshll.u32 v3, $0x4;
	v4 =	vadd.s32 $0x8, v4  }
0x18a: {  	v3 =	vld [tilespmem:s14+$0x2990];
	v5 =	vadd.s32 v5, v6;
	[tilespmem:s5+$0x9990] =	vst v4  }
0x18b: {  	[tilespmem:s5+$0x8990] =	vst v5;
	s5 =	smov.u32 s14  }
0x18c: {  	_ = 	snop  }
0x18d: {  	v2 =	vshll.u32 v2, $0x4  }
0x18e: {  	v2 =	vadd.s32 v2, v1  }
0x18f: {  	v3 =	vshll.u32 v3, $0x4;
	v2 =	vadd.s32 $0x8, v2  }
0x190: {  	v1 =	vadd.s32 v1, v3;
	[tilespmem:s5+$0x9990] =	vst v2  }
0x191: {  	[tilespmem:s5+$0x8990] =	vst v1  }
0x192: {  	[tilespmem:s9], [sflag:$0x5] =	stream.indirect.gather [spmem:s20], $0x1, s8, s7, $0xb8;
	[tilespmem:$0x10390] =	vst v63  }
0x193: {  	_ = 	snop  }
0x194: {  	[tilespmem:s11], [sflag:$0x5] =	stream.indirect.gather [spmem:s20], $0x1, s10, s7, $0xb8;
	[tilespmem:$0x10390] =	vst v63  }
0x195: {  	_ =	swait.ge [sflag:s2], $0x7D0  }
0x196: {  	[sflag:s2] =	ssyncset.done $0x0  }
0x197: {  	[sflag:s2] =	ssyncadd.s32 $0xFFFFF830  }
0x198: {  	_ =	swait.ge [sflag:s2], $0x7D0  }
0x199: {  	[sflag:s2] =	ssyncset.done $0x0  }
0x19a: {  	s5 =	simm.s32 $0x0;
	[sflag:s2] =	ssyncadd.s32 $0xFFFFF830  }
0x19b: {  	v1 =	vld [tilespmem:s5+$0xB190]  }
0x19c: {  	v2 =	vld [tilespmem:s5+$0xC190];
	_ =	sdelay $0x4  }
0x19d: {  	v1 =	vadd.f32 v2, v1;
	_ =	sdelay $0x1  }
0x19e: {  	s26 =	simm.s32 $0x10;
	v2 =	vmul.f32 $2.000000030e-01, v1  }
0x19f: {  	v3 =	vld [tilespmem:s26+$0xB190]  }
0x1a0: {  	v4 =	vld [tilespmem:s26+$0xC190];
	v1 =	vmax.f32 v1, v2  }
0x1a1: {  	s30 =	simm.s32 $0x20;
	v1 =	vmul.f32 $1.442695020e+00, v1  }
0x1a2: {  	v2 =	vld [tilespmem:s30+$0xB190]  }
0x1a3: {  	(erf) = vpow2.f32 v1;
	v1 =	vld [tilespmem:s30+$0xC190];
	_ =	sdelay $0x1  }
0x1a4: {  	v3 =	vadd.f32 v4, v3;
	_ =	sdelay $0x1  }
0x1a5: {  	v4 =	vmul.f32 $2.000000030e-01, v3  }
0x1a6: {  	v5 =	vadd.f32 v1, v2  }
0x1a7: {  	v1 =	vmax.f32 v3, v4  }
0x1a8: {  	s29 =	simm.s32 $0x30;
	v2 =	vmul.f32 $1.442695020e+00, v1;
	v3 =	vmul.f32 $2.000000030e-01, v5  }
0x1a9: {  	v1 =	vld [tilespmem:s29+$0xB190]  }
0x1aa: {  	(erf) = vpow2.f32 v2;
	v2 =	vld [tilespmem:s29+$0xC190];
	_ =	sdelay $0x1  }
0x1ab: {  	s12 =	simm.s32 $0x100;
	v4 =	vmax.f32 v5, v3;
	v3 =	vpop (erf)  }
.LBB2_18:
0x1ac: {  	s14 =	sshra.s32 s12, $0x2  }
0x1ad: {  	v4 =	vmul.f32 $1.442695020e+00, v4;
	[tilespmem:s5+$0xD190] =	vst v3;
	s5 =	smov.u32 s26;
	s26 =	smov.u32 s30;
	p0 =	sne.s32 s12, $0x1F00  }
.Ltmp8:
0x1ae: {  	s12 =	sadd.s32 $0x40, s12;
	v3 =	vadd.f32 v2, v1;
	v1 =	vld [tilespmem:s14+$0xB190];
	(pc) =	sbr.rel @p0 .LBB2_18-.Ltmp8, $3  }
0x1af: {  	s30 =	smov.u32 s29;
	s29 =	smov.u32 s14;
	v2 =	vld [tilespmem:s14+$0xC190];
	(erf) = vpow2.f32 v4  }
0x1b0: {  	v4 =	vmul.f32 $2.000000030e-01, v3;
	_ =	sdelay $0x1  }
0x1b1: {  	v4 =	vmax.f32 v3, v4;
	v3 =	vpop (erf)  }
0x1b2: {  	_ = 	snop  }
0x1b3: {  	v1 =	vadd.f32 v2, v1;
	_ =	sdelay $0x1  }
0x1b4: {  	v2 =	vmul.f32 $2.000000030e-01, v1;
	_ =	sdelay $0x1  }
0x1b5: {  	v4 =	vmul.f32 $1.442695020e+00, v4;
	v1 =	vmax.f32 v1, v2  }
0x1b6: {  	v1 =	vmul.f32 $1.442695020e+00, v1  }
0x1b7: {  	(erf) = vpow2.f32 v4  }
0x1b8: {  	(erf) = vpow2.f32 v1;
	_ =	sdelay $0x6  }
0x1b9: {  	[tilespmem:s5+$0xD190] =	vst v3;
	v1 =	vpop (erf)  }
0x1ba: {  	[tilespmem:s26+$0xD190] =	vst v1;
	v1 =	vpop (erf)  }
0x1bb: {  	[tilespmem:s30+$0xD190] =	vst v1;
	v1 =	vpop (erf)  }
0x1bc: {  	s12 =	rddreg [dreg:$0x17];
	s26 =	simm.s32 $0x0;
	[tilespmem:s29+$0xD190] =	vst v1  }
0x1bd: {  	[hbm4b:s12+s26] =	stream.linear.scatter [tilespmem:s24], [sflag:$0x7], $0x7D0, $0x38;
	[tilespmem:$0x10390] =	vst v63  }
0x1be: {  	_ =	swait.ge [sflag:s19], $0x7D0  }
0x1bf: {  	[sflag:s19] =	ssyncset.done $0x0  }
0x1c0: {  	[sflag:s19] =	ssyncadd.s32 $0xFFFFF830  }
0x1c1: {  	[spmem:s22] =	stream.indirect.scatter.add.f32 [tilespmem:s24], [sflag:$0x7], $0x1, s31, s7, $0xb8;
	[tilespmem:$0x10390] =	vst v63  }
0x1c2: {  	_ =	swait.ge [sflag:s19], $0x7D0  }
0x1c3: {  	[sflag:s19] =	ssyncset.done $0x0  }
0x1c4: {  	[sflag:s19] =	ssyncadd.s32 $0xFFFFF830  }
0x1c5: {  	_ =	swait.ge [sflag:s18], $0x7D0  }
0x1c6: {  	[sflag:s18] =	ssyncset.done $0x0  }
0x1c7: {  	[sflag:s18] =	ssyncadd.s32 $0xFFFFF830  }
0x1c8: {  	_ =	swait.ge [sflag:s18], $0x7D0  }
0x1c9: {  	[sflag:s18] =	ssyncset.done $0x0  }
0x1ca: {  	s5 =	simm.s32 $0x0;
	[sflag:s18] =	ssyncadd.s32 $0xFFFFF830  }
0x1cb: {  	v1 =	vld [tilespmem:s5+$0xA990]  }
0x1cc: {  	v2 =	vld [tilespmem:s5+$0xB990];
	_ =	sdelay $0x4  }
0x1cd: {  	v1 =	vadd.f32 v2, v1;
	_ =	sdelay $0x1  }
0x1ce: {  	s26 =	simm.s32 $0x10;
	v2 =	vmul.f32 $2.000000030e-01, v1  }
0x1cf: {  	v3 =	vld [tilespmem:s26+$0xA990]  }
0x1d0: {  	v4 =	vld [tilespmem:s26+$0xB990];
	v1 =	vmax.f32 v1, v2  }
0x1d1: {  	s30 =	simm.s32 $0x20;
	v1 =	vmul.f32 $1.442695020e+00, v1  }
0x1d2: {  	v2 =	vld [tilespmem:s30+$0xA990]  }
0x1d3: {  	(erf) = vpow2.f32 v1;
	v1 =	vld [tilespmem:s30+$0xB990];
	_ =	sdelay $0x1  }
0x1d4: {  	v3 =	vadd.f32 v4, v3;
	_ =	sdelay $0x1  }
0x1d5: {  	v4 =	vmul.f32 $2.000000030e-01, v3  }
0x1d6: {  	v5 =	vadd.f32 v1, v2  }
0x1d7: {  	v1 =	vmax.f32 v3, v4  }
0x1d8: {  	s29 =	simm.s32 $0x30;
	v2 =	vmul.f32 $1.442695020e+00, v1;
	v3 =	vmul.f32 $2.000000030e-01, v5  }
0x1d9: {  	v1 =	vld [tilespmem:s29+$0xA990]  }
0x1da: {  	(erf) = vpow2.f32 v2;
	v2 =	vld [tilespmem:s29+$0xB990];
	_ =	sdelay $0x1  }
0x1db: {  	s12 =	simm.s32 $0x100;
	v4 =	vmax.f32 v5, v3;
	v3 =	vpop (erf)  }
.LBB2_20:
0x1dc: {  	s14 =	sshra.s32 s12, $0x2  }
0x1dd: {  	v4 =	vmul.f32 $1.442695020e+00, v4;
	[tilespmem:s5+$0xC990] =	vst v3;
	s5 =	smov.u32 s26;
	s26 =	smov.u32 s30;
	p0 =	sne.s32 s12, $0x1F00  }
.Ltmp9:
0x1de: {  	s12 =	sadd.s32 $0x40, s12;
	v3 =	vadd.f32 v2, v1;
	v1 =	vld [tilespmem:s14+$0xA990];
	(pc) =	sbr.rel @p0 .LBB2_20-.Ltmp9, $3  }
0x1df: {  	s30 =	smov.u32 s29;
	s29 =	smov.u32 s14;
	v2 =	vld [tilespmem:s14+$0xB990];
	(erf) = vpow2.f32 v4  }
0x1e0: {  	v4 =	vmul.f32 $2.000000030e-01, v3;
	_ =	sdelay $0x1  }
0x1e1: {  	v4 =	vmax.f32 v3, v4;
	v3 =	vpop (erf)  }
0x1e2: {  	_ = 	snop  }
0x1e3: {  	v1 =	vadd.f32 v2, v1;
	_ =	sdelay $0x1  }
0x1e4: {  	v2 =	vmul.f32 $2.000000030e-01, v1;
	_ =	sdelay $0x1  }
0x1e5: {  	v4 =	vmul.f32 $1.442695020e+00, v4;
	v1 =	vmax.f32 v1, v2  }
0x1e6: {  	v1 =	vmul.f32 $1.442695020e+00, v1  }
0x1e7: {  	(erf) = vpow2.f32 v4  }
0x1e8: {  	(erf) = vpow2.f32 v1;
	_ =	sdelay $0x6  }
0x1e9: {  	[tilespmem:s5+$0xC990] =	vst v3;
	v1 =	vpop (erf)  }
0x1ea: {  	[tilespmem:s26+$0xC990] =	vst v1;
	v1 =	vpop (erf)  }
0x1eb: {  	[tilespmem:s30+$0xC990] =	vst v1;
	v1 =	vpop (erf)  }
0x1ec: {  	s26 =	rddreg [dreg:$0x18];
	[tilespmem:s29+$0xC990] =	vst v1  }
0x1ed: {  	[hbm4b:s26+s1] =	stream.linear.scatter [tilespmem:s21], [sflag:$0x7], $0x7D0, $0x38;
	[tilespmem:$0x10390] =	vst v63  }
0x1ee: {  	_ =	swait.ge [sflag:s19], $0x7D0  }
0x1ef: {  	[sflag:s19] =	ssyncset.done $0x0  }
0x1f0: {  	[sflag:s19] =	ssyncadd.s32 $0xFFFFF830  }
0x1f1: {  	[spmem:s22] =	stream.indirect.scatter.add.f32 [tilespmem:s21], [sflag:$0x7], $0x1, s3, s7, $0xb8;
	[tilespmem:$0x10390] =	vst v63  }
0x1f2: {  	_ =	swait.ge [sflag:s19], $0x7D0  }
0x1f3: {  	[sflag:s19] =	ssyncset.done $0x0  }
0x1f4: {  	[sflag:s19] =	ssyncadd.s32 $0xFFFFF830  }
0x1f5: {  	[bflag:$0x0] =	sbarrier.arrive $0xFFFF  }
0x1f6: {  	[tilespmem:s0], [sflag:$0x7] =	stream.linear.gather [spmem:s28], $0x280, $0x38;
	[tilespmem:$0x10390] =	vst v63  }
0x1f7: {  	_ =	swait.ge [sflag:s19], $0x280  }
0x1f8: {  	s12 =	simm.s32 $0x80;
	[sflag:s19] =	ssyncset.done $0x0  }
0x1f9: {  	s14 =	simm.s32 $0x100;
	s29 =	rddreg [dreg:$0x1b];
	[sflag:s19] =	ssyncadd.s32 $0xFFFFFD80  }
0x1fa: {  	[hbm4b:s29+s12] =	stream.strided.scatter [tilespmem:s0], [sflag:$0x7], $0x280, s14, s12, $0x38;
	[tilespmem:$0x10390] =	vst v63  }
0x1fb: {  	_ =	swait.ge [sflag:s19], $0x280  }
0x1fc: {  	s25 =	sadd.s32 $0x1, s25;
	s30 =	rddreg [dreg:$0x1c]  }
0x1fd: {  	p0 =	sne.s32 s25, s30  }
.Ltmp10:
0x1fe: {  	_ = 	snop;
	(pc) =	sbr.rel @p0 .LBB2_1-.Ltmp10, $3  }
0x1ff: {  	_ =	sdelay $0x1  }
0x200: {  	[sflag:s19] =	ssyncset.done $0x0  }
0x201: {  	[sflag:s19] =	ssyncadd.s32 $0xFFFFFD80  }
0x202: {  	_ =	sfence.sel $0x180000  }
0x203: {  	[bflag:$0x0] =	sbarrier.arrive $0xFFFF  }
0x204: {  	_ =	strace $0x90000047  }
0x205: {  	s0 =	stileid.u32;
	[bflag:$0x2] =	sbarrier.arrive $0xFFFF  }
0x206: {  	p0 =	sne.s32 s0, $0x0;
	s0 =	rddreg [dreg:$0x4]  }
0x207: {  	s0 =	sadd.s32 @!p0 $0x100000, s0  }
0x208: {  	[sflag:s0] =	ssyncadd.tile.s32 @!p0 $0x1;
	_ =	shalt  }
.Lfunc_end2:
_tile_overlayer_lowered:
.L_overlay_start_2:
0x209: {  	(tag) =	ssettag $0x2  }
0x20a: {  	s0 =	rddreg [dreg:$0x0];
	s2 =	stileid.u32  }
0x20b: {  	s1 =	rddreg [dreg:$0x1];
	p0 =	sne.s32 s2, $0x0  }
0x20c: {  	s3 =	rddreg [dreg:$0x2];
	[bflag:$0x3] =	sbarrier.arrive $0xFFFF;
	s2 =	simm.s32 @!p0 $0x1C07  }
0x20d: {  	[timem:s3], [sflag:s2] =	dma.local @!p0 [hbm:s0], s1  }
0x20e: {  	s0 =	simm.s32 @!p0 $0x7  }
0x20f: {  	_ =	swait.ge @!p0 [sflag:s0], s1  }
0x210: {  	s1 =	ssub.s32 @!p0 $0x0, s1;
	[sflag:s0] =	ssyncset.done @!p0 $0x0  }
0x211: {  	[sflag:s0] =	ssyncadd.s32 @!p0 s1  }
0x212: {  	[bflag:$0x3] =	sbarrier.arrive $0xFFFF  }
0x213: {  	_ =	shalt  }

// kernel: kernel.9.cloned.1.call-start
scs
__scs_entry_jumppad:
0x0: {  	(pc) =	sbr.rel $0x88, $3  }
0x1: {  	(tag) =	ssettag $0x0;
	lr =	simm.s32 $0x1  }
0x2: {  	[smem:$0x3F97] =	sst lr;
	_ =	strace $0xD0000000  }
0x3: {  	_ = 	snop  }
0x4: {  	_ = 	snop  }
0x5: {  	_ = 	snop  }
0x6: {  	_ = 	snop  }
0x7: {  	_ = 	snop  }
__scs_overlays_trampoline_lowered:
0x8: {  	[smem:$0x3FA6] =	sst s0  }
0x9: {  	[smem:$0x3FA7] =	sst s1  }
0xa: {  	[smem:$0x3FA8] =	sst s2  }
0xb: {  	[smem:$0x3FA9] =	sst s3  }
0xc: {  	[smem:$0x3FAA] =	sst s4  }
0xd: {  	[smem:$0x3FAB] =	sst s5  }
0xe: {  	[smem:$0x3FAC] =	sst s6  }
0xf: {  	[smem:$0x3FAD] =	sst s7  }
0x10: {  	[smem:$0x3FAE] =	sst s8  }
0x11: {  	[smem:$0x3FAF] =	sst s9;
	s0 =	simm.s32 @!p0 $0x0  }
0x12: {  	s1 =	sld [smem:$0x3F95];
	s0 =	simm.s32 @p0 $0x1  }
0x13: {  	[smem:$0x3FB0] =	sst s0;
	s0 =	simm.s32 @!p1 $0x0  }
0x14: {  	s2 =	sld [smem:$0x3F94];
	s0 =	simm.s32 @p1 $0x1  }
0x15: {  	[smem:$0x3FB1] =	sst s0;
	s0 =	simm.s32 @!p2 $0x0  }
0x16: {  	s3 =	sld [smem:$0x3FDB];
	s0 =	simm.s32 @p2 $0x1  }
0x17: {  	s4 =	simm.s32 $0x1BF5;
	[smem:$0x3FB3] =	sst s0  }
0x18: {  	s0 =	sld [smem:$0x3F96];
	_ =	swait.ge [sflag:s4], $0x0  }
0x19: {  	s7 =	sld [smem:$0x3F97]  }
0x1a: {  	s8 =	sadd.s32 $0xFFFFE003, lr  }
0x1b: {  	s9 =	sadd.s32 $0xFFFFFEF7, lr;
	s5 =	simm.s32 $0xFFFFFFFF;
	p2 =	slt.u32 s8, $0xFFFFF086  }
0x1c: {  	p1 =	slt.u32 s9, $0xF7A;
	s5 =	simm.s32 @!p2 $0x0  }
0x1d: {  	s5 =	simm.s32 @p1 $0x1;
	p0 =	seq.s32 s7, s2  }
0x1e: {  	s7 =	smul.u32 @!p0 $0xF7A, s2;
	p2 =	seq.s32 @!p0 s5, $0x0  }
0x1f: {  	s9 =	smul.u32 $0xF7A, s1;
	s8 =	simm.s32 @!p0 $0x1BF5;
	p2 =	por !p2, p0  }
0x20: {  	[sflag:s8] =	ssyncset.s32 @!p0 $0xFFFFF086;
	s6 =	sadd.s32 @!p0 s3, s7;
	s7 =	simm.s32 @!p0 $0x108  }
0x21: {  	s3 =	sadd.s32 s3, s9;
	s6 =	sadd.s32 @!p0 $0x88, s6;
	s7 =	simm.s32 @p2 $0x1082  }
0x22: {  	[simem:s7], [sflag:s8] =	dma.local @!p0 [hbm:s6], $0xF7A  }
0x23: {  	s9 =	sor.u32 $0xD0000000, s2;
	s6 =	simm.s32 $0x108;
	_ =	swait.ge @!p0 [sflag:s8], $0x0  }
0x24: {  	s3 =	sadd.s32 $0x88, s3;
	s6 =	simm.s32 @!p1 $0x1082;
	[sflag:s4] =	ssyncset.s32 $0xFFFFF086  }
0x25: {  	[simem:s6], [sflag:s4] =	dma.local [hbm:s3], $0xF7A  }
0x26: {  	[smem:$0x3F97] =	sst s1;
	(tag) =	ssettag s2;
	_ =	strace s9  }
0x27: {  	s1 =	sld [smem:$0x3FA7]  }
0x28: {  	s2 =	sld [smem:$0x3FA8]  }
0x29: {  	s4 =	sld [smem:$0x3FAA]  }
0x2a: {  	p0 =	seq.s32 s5, $0x0;
	s5 =	sld [smem:$0x3FAB]  }
0x2b: {  	s6 =	sld [smem:$0x3FAC]  }
0x2c: {  	s7 =	sld [smem:$0x3FAD]  }
0x2d: {  	s3 =	simm.s32 $0x108;
	s8 =	sld [smem:$0x3FAE]  }
0x2e: {  	s3 =	simm.s32 @!p0 $0x1082;
	s9 =	sld [smem:$0x3FAF]  }
0x2f: {  	lr =	sadd.s32 s0, s3;
	s0 =	sld [smem:$0x3FA6]  }
0x30: {  	s3 =	sld [smem:$0x3FA9]  }
0x31: {  	[smem:$0x3FB2] =	sst s10  }
0x32: {  	s10 =	sld [smem:$0x3FB0];
	_ =	sdelay $0x3  }
0x33: {  	p0 =	seq.s32 s10, $0x1;
	s10 =	sld [smem:$0x3FB2];
	_ =	sdelay $0x3  }
0x34: {  	[smem:$0x3FB2] =	sst s10  }
0x35: {  	s10 =	sld [smem:$0x3FB1];
	_ =	sdelay $0x3  }
0x36: {  	p1 =	seq.s32 s10, $0x1;
	s10 =	sld [smem:$0x3FB2];
	_ =	sdelay $0x3  }
0x37: {  	[smem:$0x3FB2] =	sst s10  }
0x38: {  	s10 =	sld [smem:$0x3FB3]  }
0x39: {  	_ = 	snop;
	(pc) =	sbr.ind lr, $3  }
0x3a: {  	_ = 	snop  }
0x3b: {  	_ = 	snop  }
0x3c: {  	p2 =	seq.s32 s10, $0x1;
	s10 =	sld [smem:$0x3FB2]  }
0x3d: {  	_ =	shalt  }
0x3e: {  	_ =	shalt  }
0x3f: {  	_ =	shalt  }
0x40: {  	_ =	shalt  }
0x41: {  	_ =	shalt  }
0x42: {  	_ =	shalt  }
0x43: {  	_ =	shalt  }
0x44: {  	_ =	shalt  }
0x45: {  	_ =	shalt  }
0x46: {  	_ =	shalt  }
0x47: {  	_ =	shalt  }
0x48: {  	_ =	shalt  }
0x49: {  	_ =	shalt  }
0x4a: {  	_ =	shalt  }
0x4b: {  	_ =	shalt  }
0x4c: {  	_ =	shalt  }
0x4d: {  	_ =	shalt  }
0x4e: {  	_ =	shalt  }
0x4f: {  	_ =	shalt  }
0x50: {  	_ =	shalt  }
0x51: {  	_ =	shalt  }
0x52: {  	_ =	shalt  }
0x53: {  	_ =	shalt  }
0x54: {  	_ =	shalt  }
0x55: {  	_ =	shalt  }
0x56: {  	_ =	shalt  }
0x57: {  	_ =	shalt  }
0x58: {  	_ =	shalt  }
0x59: {  	_ =	shalt  }
0x5a: {  	_ =	shalt  }
0x5b: {  	_ =	shalt  }
0x5c: {  	_ =	shalt  }
0x5d: {  	_ =	shalt  }
0x5e: {  	_ =	shalt  }
0x5f: {  	_ =	shalt  }
0x60: {  	_ =	shalt  }
0x61: {  	_ =	shalt  }
0x62: {  	_ =	shalt  }
0x63: {  	_ =	shalt  }
0x64: {  	_ =	shalt  }
0x65: {  	_ =	shalt  }
0x66: {  	_ =	shalt  }
0x67: {  	_ =	shalt  }
0x68: {  	_ =	shalt  }
0x69: {  	_ =	shalt  }
0x6a: {  	_ =	shalt  }
0x6b: {  	_ =	shalt  }
0x6c: {  	_ =	shalt  }
0x6d: {  	_ =	shalt  }
0x6e: {  	_ =	shalt  }
0x6f: {  	_ =	shalt  }
0x70: {  	_ =	shalt  }
0x71: {  	_ =	shalt  }
0x72: {  	_ =	shalt  }
0x73: {  	_ =	shalt  }
0x74: {  	_ =	shalt  }
0x75: {  	_ =	shalt  }
0x76: {  	_ =	shalt  }
0x77: {  	_ =	shalt  }
0x78: {  	_ =	shalt  }
0x79: {  	_ =	shalt  }
0x7a: {  	_ =	shalt  }
0x7b: {  	_ =	shalt  }
0x7c: {  	_ =	shalt  }
0x7d: {  	_ =	shalt  }
0x7e: {  	_ =	shalt  }
0x7f: {  	_ =	shalt  }
0x80: {  	_ =	shalt  }
0x81: {  	_ =	shalt  }
0x82: {  	_ =	shalt  }
0x83: {  	_ =	shalt  }
0x84: {  	_ =	shalt  }
0x85: {  	_ =	shalt  }
0x86: {  	_ =	shalt  }
0x87: {  	_ =	shalt  }
.Lfunc_end0:
.L_simem_size_0:
called_computation.1_lowered:
.L_overlay_start_0:
0x88: {  	s2 =	sld [smem:$0x3FD9]  }
0x89: {  	s3 =	sld [smem:$0x3FFE];
	_ =	sdelay $0x1  }
0x8a: {  	s1 =	srdreg.scid  }
0x8b: {  	s0 =	sand.u32 $0x1, s1  }
0x8c: {  	s17 =	sshll.u32 s0, $0xA;
	s2 =	sadd.s32 s3, s2  }
0x8d: {  	s2 =	sadd.s32 s2, s17  }
0x8e: {  	[smem:$0x3FBE] =	sst s2  }
0x8f: {  	_ = 	snop  }
0x90: {  	s2 =	sld [smem:$0x3FC7];
	(tm) =	ssettm $0x1  }
0x91: {  	s18 =	sld [smem:$0x3FFB];
	_ =	sdelay $0x3  }
0x92: {  	_ =	strace s18  }
0x93: {  	s3 =	sld [smem:$0x3FFC];
	_ =	sdelay $0x3  }
0x94: {  	_ =	strace s3  }
0x95: {  	s3 =	sld [smem:$0x3FFD];
	_ =	sdelay $0x3  }
0x96: {  	_ =	strace s3  }
0x97: {  	_ =	strace $0x8FFFFFFF  }
0x98: {  	s19 =	sld [smem:$0x3FDB];
	_ =	sdelay $0x1  }
0x99: {  	s4 =	simm.s32 $_scs_section_size  }
0x9a: {  	s5 =	simm.s32 $_size__tile_overlayer_lowered;
	s6 =	simm.s32 $_tile_overlayer_lowered  }
0x9b: {  	s22 =	simm.s32 $0x1BFF;
	s21 =	sshll.u32 s6, $0x1;
	s3 =	sadd.s32 s4, s19  }
0x9c: {  	s7 =	simm.s32 $0x0;
	s20 =	sshll.u32 s5, $0x1;
	s5 =	sadd.s32 s21, s3  }
0x9d: {  	[timem:s7], [sflag:s22] =	dma.local [hbm:s5], s20  }
0x9e: {  	_ =	swait.ge [sflag:s22], s20  }
0x9f: {  	s4 =	ssub.s32 $0x0, s20;
	[sflag:s22] =	ssyncset.done $0x0  }
0xa0: {  	[sflag:s22] =	ssyncadd.s32 s4;
	_ =	sdelay $0x1  }
0xa1: {  	s23 =	simm.s32 $0x1B8B  }
0xa2: {  	_ =	swait.ge [sflag:s23], $0x1  }
0xa3: {  	[sflag:s23] =	ssyncset.done $0x0  }
0xa4: {  	s25 =	simm.s32 $0x1B8E;
	s24 =	sld [smem:$0x3FFE];
	[sflag:s23] =	ssyncadd.s32 $0xFFFFFFFF  }
0xa5: {  	s26 =	simm.s32 $execute0_lowered;
	[smem:$0x3FD2] =	sst s25  }
0xa6: {  	s5 =	sshll.u32 s26, $0x1;
	_ =	strace $0x80000049;
	[dreg:$0x1] =	wrdreg $0xFFFFFFFF  }
0xa7: {  	s28 =	simm.s32 $_size_execute0_lowered;
	s3 =	sadd.s32 s3, s5;
	[dreg:$0x0] =	wrdreg $0x0  }
0xa8: {  	s5 =	sshll.u32 s28, $0x1;
	[dreg:$0x2] =	wrdreg s3  }
0xa9: {  	[dreg:$0x3] =	wrdreg s5  }
0xaa: {  	[dreg:$0x4] =	wrdreg $0xC0  }
0xab: {  	_ =	task [dreg:s7], $0x5FFFF  }
0xac: {  	[dreg:$0x1] =	wrdreg $0xFFFFFFFF  }
0xad: {  	[dreg:$0x0] =	wrdreg $0x60  }
0xae: {  	[dreg:$0x2] =	wrdreg s24  }
0xaf: {  	[dreg:$0x3] =	wrdreg s2  }
0xb0: {  	[dreg:$0x4] =	wrdreg $0x0  }
0xb1: {  	[dreg:$0x5] =	wrdreg $0x14000  }
0xb2: {  	[dreg:$0x6] =	wrdreg $0x9  }
0xb3: {  	_ =	task.clear_ibuf [dreg:s7], $0x7FFFF;
	_ =	strace $0x90000049  }
0xb4: {  	s29 =	simm.s32 $0x9;
	_ =	strace $0x8000004B  }
0xb5: {  	_ =	swait.ge [sflag:s29], $0x1  }
0xb6: {  	[sflag:s29] =	ssyncadd.s32 $0xFFFFFFFF  }
0xb7: {  	_ =	strace $0x9000004B  }
0xb8: {  	_ =	sfence  }
0xb9: {  	s30 =	sld [smem:$0x0];
	_ =	sdelay $0x2  }
0xba: {  	s31 =	sshll.u32 s1, $0xD;
	s1 =	sshrl.u32 s1, $0x2  }
0xbb: {  	s3 =	sand.u32 $0x4000, s31;
	s1 =	sadd.s32 s1, s30  }
0xbc: {  	s0 =	sor.u32 s3, s0;
	s1 =	sshll.u32 s1, $0x11  }
0xbd: {  	s0 =	sor.u32 s1, s0  }
0xbe: {  	s0 =	sadd.s32 $0x8F2B, s0  }
0xbf: {  	[sflag:s0] =	ssyncadd.remote.s32 $0x1  }
0xc0: {  	_ =	sfence.sel $0xFFFF  }
0xc1: {  	[dreg:$0x0] =	wrdreg $0xFFFFFFFF;
	(pc) =	sbr.abs _section_cstart, $3  }
0xc2: {  	[dreg:$0x1] =	wrdreg $0xFFFFFFFF  }
0xc3: {  	_ =	task.clear_ibuf [dreg:s7], $0x2FFFF;
	_ =	strace $0x9FFFFFFF  }
0xc4: {  	(tm) =	ssettm $0x7FFFFFFF  }
0xc5: {  	_ =	shalt  }
tec
execute0_lowered:
.L_overlay_start_1:
0x0: {  	(tag) =	ssettag $0x1  }
0x1: {  	s0 =	rddreg [dreg:$0x0]  }
0x2: {  	s11 =	stileid.u32;
	s4 =	srdreg.scid  }
0x3: {  	s2 =	rddreg [dreg:$0x1];
	s4 =	sand.u32 $0x1, s4;
	s6 =	sshll.u32 s11, $0x1  }
0x4: {  	s1 =	simm.s32 $0x0;
	s5 =	smul.u32 $0xA0, s11;
	s6 =	sor.u32 s4, s6  }
0x5: {  	[smem:$0x7FF] =	sst s1;
	s6 =	smul.u32 $0x2710, s6  }
0x6: {  	s3 =	sadd.s32 $0x1AC00, s0;
	s7 =	sadd.s32 $0xB400, s0;
	s8 =	smul.u32 $0x2800, s11  }
0x7: {  	s9 =	sadd.s32 $0x1600, s0;
	s10 =	sshll.u32 s4, $0x7;
	s6 =	sshrl.u32 s6, $0x3  }
0x8: {  	s5 =	sadd.s32 s5, s0;
	s8 =	sor.u32 s10, s8;
	s17 =	sadd.s32 s3, s6  }
0x9: {  	s8 =	sshrl.u32 s8, $0x3;
	s18 =	sadd.s32 s7, s6;
	[dreg:$0x5] =	wrdreg s17  }
0xa: {  	s0 =	sadd.s32 s8, s0;
	s19 =	sadd.s32 s9, s6;
	[dreg:$0x6] =	wrdreg s18  }
0xb: {  	s20 =	sadd.s32 $0xFA, s6;
	s21 =	sadd.s32 s2, s6;
	[dreg:$0x7] =	wrdreg s19  }
0xc: {  	[dreg:$0x8] =	wrdreg s21;
	s22 =	sadd.s32 s3, s20;
	s23 =	sadd.s32 s7, s20  }
0xd: {  	s24 =	sadd.s32 s9, s20;
	s8 =	sadd.s32 s2, s20;
	s20 =	rddreg [dreg:$0x2]  }
0xe: {  	s30 =	simm.s32 $0xC680;
	[dreg:$0x9] =	wrdreg s22  }
0xf: {  	s28 =	simm.s32 $0x4;
	s4 =	ssub.s32 $0x2, s4;
	[dreg:$0xa] =	wrdreg s23  }
0x10: {  	s16 =	sshrl.u32 s4, $0x1;
	s25 =	sadd.s32 $0x1F4, s6;
	[dreg:$0xb] =	wrdreg s24  }
0x11: {  	s10 =	simm.s32 $0x1;
	s26 =	sadd.s32 s3, s25;
	[dreg:$0xc] =	wrdreg s8  }
0x12: {  	s4 =	ssub.s32 s4, s16;
	s29 =	sadd.s32 s7, s25;
	[dreg:$0xd] =	wrdreg s26  }
0x13: {  	s31 =	sadd.s32 $0x2EE, s6;
	s12 =	sadd.s32 s9, s25;
	[dreg:$0xe] =	wrdreg s29  }
0x14: {  	s6 =	sadd.s32 $0x3E8, s6;
	s13 =	sadd.s32 s3, s31;
	[dreg:$0xf] =	wrdreg s12  }
0x15: {  	s0 =	sadd.s32 $0x24A00, s0;
	s14 =	sadd.s32 s7, s31;
	[dreg:$0x11] =	wrdreg s13  }
0x16: {  	s15 =	sadd.s32 s9, s31;
	s16 =	sadd.s32 s2, s31;
	[dreg:$0x12] =	wrdreg s14  }
0x17: {  	s3 =	sadd.s32 s3, s6;
	s17 =	sadd.s32 s7, s6;
	[dreg:$0x13] =	wrdreg s15  }
0x18: {  	s18 =	smul.u32 $0x5000, s11;
	s19 =	sadd.s32 s9, s6;
	[dreg:$0x14] =	wrdreg s16  }
0x19: {  	s21 =	smul.u32 $0xA00, s11;
	s31 =	smax.u32 s4, $0x1;
	[dreg:$0x15] =	wrdreg s3  }
0x1a: {  	s7 =	simm.s32 $0x5680;
	s9 =	simm.s32 $0x5E80;
	[dreg:$0x16] =	wrdreg s17  }
0x1b: {  	s11 =	simm.s32 $0x7D0;
	s4 =	simm.s32 $0x9E80;
	s22 =	rddreg [dreg:$0x3]  }
0x1c: {  	s8 =	sadd.s32 s2, s25;
	[dreg:$0x17] =	wrdreg s19;
	s2 =	sadd.s32 s2, s6  }
0x1d: {  	s26 =	sadd.s32 $0x1A200, s5;
	s29 =	sadd.s32 $0x1A210, s5;
	s3 =	simm.s32 $0x100  }
0x1e: {  	s12 =	simm.s32 $0xA680;
	s13 =	simm.s32 $0x6680;
	s14 =	simm.s32 $0x2  }
0x1f: {  	s15 =	simm.s32 $0xAE80;
	s16 =	simm.s32 $0x5;
	[dreg:$0x10] =	wrdreg s8  }
0x20: {  	s17 =	simm.s32 $0x9680;
	s19 =	simm.s32 $0xB680;
	[dreg:$0x18] =	wrdreg s2  }
0x21: {  	s23 =	sshrl.u32 s18, $0x2;
	_ =	strace $0x8000004A;
	[dreg:$0x19] =	wrdreg s26  }
0x22: {  	s24 =	sshrl.u32 s21, $0x2;
	s18 =	simm.s32 $0xCB80;
	[dreg:$0x1a] =	wrdreg s29  }
0x23: {  	s8 =	simm.s32 $0x7680;
	s21 =	simm.s32 $0x6E80;
	[dreg:$0x1c] =	wrdreg s0  }
0x24: {  	s25 =	sadd.s32 s23, s20;
	s2 =	sadd.s32 s24, s22;
	[dreg:$0x1d] =	wrdreg s31  }
0x25: {  	s0 =	simm.s32 $0x7;
	s23 =	simm.s32 $0x3;
	s24 =	simm.s32 $0x6  }
0x26: {  	v0 =	vimm.f32 $0.0e+00;
	s26 =	simm.s32 $0xBE80;
	[dreg:$0x1b] =	wrdreg s2;
	s2 =	simm.s32 $0x80  }
.LBB2_1:
0x27: {  	s5 =	simm.s32 $0x40;
	s6 =	simm.s32 $0x0  }
.LBB2_2:
0x28: {  	p0 =	sne.s32 s5, $0x4FC0;
	[tilespmem:s6+$0xCB80] =	vst v0;
	s6 =	smov.u32 s5;
	s5 =	sadd.s32 $0x40, s5  }
.Ltmp0:
0x29: {  	(pc) =	sbr.rel @p0 .LBB2_2-.Ltmp0, $2  }
0x2a: {  	_ =	sdelay $0x2  }
0x2b: {  	s6 =	sshra.s32 s6, $0x2  }
0x2c: {  	[tilespmem:s6+$0xCB80] =	vst v0  }
0x2d: {  	[spmem:s25] =	stream.linear.scatter [tilespmem:s18], [sflag:$0x7], $0x1400, $0x38;
	[tilespmem:$0xDF80] =	vst v63  }
0x2e: {  	_ =	swait.ge [sflag:s0], $0x1400  }
0x2f: {  	[sflag:s0] =	ssyncset.done $0x0  }
0x30: {  	s5 =	rddreg [dreg:$0x19];
	[sflag:s0] =	ssyncadd.s32 $0xFFFFEC00  }
0x31: {  	[tilespmem:s30], [sflag:$0x7] =	stream.strided.gather [hbm4b:s5+s2], $0x280, s3, s2, $0x38;
	[tilespmem:$0xDF80] =	vst v63  }
0x32: {  	_ =	swait.ge [sflag:s0], $0x280  }
0x33: {  	[sflag:s0] =	ssyncset.done $0x0  }
0x34: {  	s31 =	simm.s32 $0xC900;
	s29 =	rddreg [dreg:$0x1a];
	[sflag:s0] =	ssyncadd.s32 $0xFFFFFD80  }
0x35: {  	[tilespmem:s31], [sflag:$0x7] =	stream.strided.gather [hbm4b:s29+s2], $0x280, s3, s2, $0x38;
	[tilespmem:$0xDF80] =	vst v63  }
0x36: {  	_ =	swait.ge [sflag:s0], $0x280  }
0x37: {  	[sflag:s0] =	ssyncset.done $0x0  }
0x38: {  	s5 =	simm.s32 $0x0;
	[sflag:s0] =	ssyncadd.s32 $0xFFFFFD80  }
0x39: {  	s6 =	simm.s32 $0x40;
	v1 =	vld [tilespmem:s5+$0xC900]  }
.LBB2_4:
0x3a: {  	p0 =	sne.s32 s6, $0x9C0;
	v2 =	vld [tilespmem:s5+$0xC680];
	_ =	sdelay $0x2  }
.Ltmp1:
0x3b: {  	(pc) =	sbr.rel @p0 .LBB2_4-.Ltmp1, $4  }
0x3c: {  	_ = 	snop  }
0x3d: {  	v2 =	vadd.f32 v1, v2  }
0x3e: {  	s29 =	sshra.s32 s6, $0x2  }
0x3f: {  	s6 =	sadd.s32 $0x40, s6;
	v1 =	vld [tilespmem:s29+$0xC900];
	[tilespmem:s5+$0xC680] =	vst v2;
	s5 =	smov.u32 s29  }
0x40: {  	v2 =	vld [tilespmem:s5+$0xC680];
	_ =	sdelay $0x4  }
0x41: {  	v1 =	vadd.f32 v1, v2;
	_ =	sdelay $0x1  }
0x42: {  	s6 =	rddreg [dreg:$0x1b];
	[tilespmem:s5+$0xC680] =	vst v1  }
0x43: {  	[spmem:s6] =	stream.linear.scatter [tilespmem:s30], [sflag:$0x7], $0x280, $0x38;
	[tilespmem:$0xDF80] =	vst v63  }
0x44: {  	_ =	swait.ge [sflag:s0], $0x280  }
0x45: {  	[sflag:s0] =	ssyncset.done $0x0  }
0x46: {  	[sflag:s0] =	ssyncadd.s32 $0xFFFFFD80  }
0x47: {  	[bflag:$0x0] =	sbarrier.arrive $0xFFFF  }
0x48: {  	s29 =	simm.s32 $0x1680;
	s5 =	simm.s32 $0x0;
	s6 =	rddreg [dreg:$0x5]  }
0x49: {  	[tilespmem:s29], [sflag:$0x1] =	stream.linear.gather [hbm4b:s6+s5], $0x7D0, $0x38;
	[tilespmem:$0xDF80] =	vst v63  }
0x4a: {  	s31 =	rddreg [dreg:$0x6];
	s29 =	simm.s32 $0x3680  }
0x4b: {  	[tilespmem:s29], [sflag:$0x1] =	stream.linear.gather [hbm4b:s31+s5], $0x7D0, $0x38;
	[tilespmem:$0xDF80] =	vst v63  }
0x4c: {  	s31 =	rddreg [dreg:$0x7]  }
0x4d: {  	[tilespmem:s7], [sflag:$0x1] =	stream.linear.gather [hbm4b:s31+s5], $0x7D0, $0x38;
	[tilespmem:$0xDF80] =	vst v63  }
0x4e: {  	s31 =	rddreg [dreg:$0x8]  }
0x4f: {  	[tilespmem:s8], [sflag:$0x1] =	stream.linear.gather [hbm4b:s31+s5], $0x7D0, $0x38;
	[tilespmem:$0xDF80] =	vst v63  }
0x50: {  	s29 =	simm.s32 $0x1E80;
	s31 =	rddreg [dreg:$0x9]  }
0x51: {  	[tilespmem:s29], [sflag:$0x2] =	stream.linear.gather [hbm4b:s31+s5], $0x7D0, $0x38;
	[tilespmem:$0xDF80] =	vst v63  }
0x52: {  	s31 =	rddreg [dreg:$0xa];
	s29 =	simm.s32 $0x3E80  }
0x53: {  	[tilespmem:s29], [sflag:$0x2] =	stream.linear.gather [hbm4b:s31+s5], $0x7D0, $0x38;
	[tilespmem:$0xDF80] =	vst v63  }
0x54: {  	s31 =	rddreg [dreg:$0xb]  }
0x55: {  	[tilespmem:s9], [sflag:$0x2] =	stream.linear.gather [hbm4b:s31+s5], $0x7D0, $0x38;
	[tilespmem:$0xDF80] =	vst v63  }
0x56: {  	s29 =	simm.s32 $0x7E80;
	s31 =	rddreg [dreg:$0xc]  }
0x57: {  	[tilespmem:s29], [sflag:$0x2] =	stream.linear.gather [hbm4b:s31+s5], $0x7D0, $0x38;
	[tilespmem:$0xDF80] =	vst v63  }
0x58: {  	_ =	swait.ge [sflag:s10], $0x7D0  }
0x59: {  	[sflag:s10] =	ssyncset.done $0x0  }
0x5a: {  	[sflag:s10] =	ssyncadd.s32 $0xFFFFF830  }
0x5b: {  	_ =	swait.ge [sflag:s10], $0x7D0  }
0x5c: {  	[sflag:s10] =	ssyncset.done $0x0  }
0x5d: {  	[sflag:s10] =	ssyncadd.s32 $0xFFFFF830  }
0x5e: {  	_ =	swait.ge [sflag:s10], $0x7D0  }
0x5f: {  	[sflag:s10] =	ssyncset.done $0x0  }
0x60: {  	[sflag:s10] =	ssyncadd.s32 $0xFFFFF830  }
0x61: {  	_ =	swait.ge [sflag:s10], $0x7D0  }
0x62: {  	[sflag:s10] =	ssyncset.done $0x0  }
0x63: {  	[sflag:s10] =	ssyncadd.s32 $0xFFFFF830  }
0x64: {  	[tilespmem:s12], [sflag:$0x5] =	stream.indirect.gather [spmem:s22], $0x1, s7, s11, $0xb8;
	[tilespmem:$0xDF80] =	vst v63  }
0x65: {  	s29 =	simm.s32 $0x2680;
	s31 =	rddreg [dreg:$0xd]  }
0x66: {  	[tilespmem:s29], [sflag:$0x3] =	stream.linear.gather [hbm4b:s31+s5], $0x7D0, $0x38;
	[tilespmem:$0xDF80] =	vst v63  }
0x67: {  	s31 =	rddreg [dreg:$0xe];
	s29 =	simm.s32 $0x4680  }
0x68: {  	[tilespmem:s29], [sflag:$0x3] =	stream.linear.gather [hbm4b:s31+s5], $0x7D0, $0x38;
	[tilespmem:$0xDF80] =	vst v63  }
0x69: {  	s31 =	rddreg [dreg:$0xf]  }
0x6a: {  	[tilespmem:s13], [sflag:$0x3] =	stream.linear.gather [hbm4b:s31+s5], $0x7D0, $0x38;
	[tilespmem:$0xDF80] =	vst v63  }
0x6b: {  	s29 =	simm.s32 $0x8680;
	s31 =	rddreg [dreg:$0x10]  }
0x6c: {  	[tilespmem:s29], [sflag:$0x3] =	stream.linear.gather [hbm4b:s31+s5], $0x7D0, $0x38;
	[tilespmem:$0xDF80] =	vst v63  }
0x6d: {  	_ =	swait.ge [sflag:s14], $0x7D0  }
0x6e: {  	[sflag:s14] =	ssyncset.done $0x0  }
0x6f: {  	[sflag:s14] =	ssyncadd.s32 $0xFFFFF830  }
0x70: {  	_ =	swait.ge [sflag:s14], $0x7D0  }
0x71: {  	[sflag:s14] =	ssyncset.done $0x0  }
0x72: {  	[sflag:s14] =	ssyncadd.s32 $0xFFFFF830  }
0x73: {  	_ =	swait.ge [sflag:s14], $0x7D0  }
0x74: {  	[sflag:s14] =	ssyncset.done $0x0  }
0x75: {  	[sflag:s14] =	ssyncadd.s32 $0xFFFFF830  }
0x76: {  	_ =	swait.ge [sflag:s14], $0x7D0  }
0x77: {  	[sflag:s14] =	ssyncset.done $0x0  }
0x78: {  	[sflag:s14] =	ssyncadd.s32 $0xFFFFF830  }
0x79: {  	[tilespmem:s15], [sflag:$0x6] =	stream.indirect.gather [spmem:s22], $0x1, s9, s11, $0xb8;
	[tilespmem:$0xDF80] =	vst v63  }
0x7a: {  	_ =	swait.ge [sflag:s16], $0x7D0  }
0x7b: {  	[sflag:s16] =	ssyncset.done $0x0  }
0x7c: {  	s29 =	simm.s32 $0x0;
	[sflag:s16] =	ssyncadd.s32 $0xFFFFF830  }
0x7d: {  	v1 =	vld [tilespmem:s29+$0xA680];
	_ =	sdelay $0x4  }
0x7e: {  	v1 =	vmax.f32 v1, $9.999999960e-13  }
0x7f: {  	v2 =	vld [tilespmem:s29+$0x3680];
	(erf) = vrcp.f32 v1;
	_ =	sdelay $0x1  }
0x80: {  	s5 =	simm.s32 $0x10;
	v3 =	vld [tilespmem:s29+$0x7680]  }
0x81: {  	v4 =	vld [tilespmem:s5+$0xA680];
	_ =	sdelay $0x1  }
0x82: {  	v1 =	vshll.u32 v2, $0x3;
	v2 =	vld [tilespmem:s5+$0x3680]  }
0x83: {  	v5 =	vld [tilespmem:s5+$0x7680]  }
0x84: {  	v1 =	vadd.s32 v3, v1  }
0x85: {  	s6 =	simm.s32 $0x20;
	v6 =	vld [tilespmem:s29+$0x1680];
	v4 =	vmax.f32 v4, $9.999999960e-13;
	[tilespmem:s29+$0x9680] =	vst v1  }
0x86: {  	v1 =	vld [tilespmem:s6+$0xA680];
	v7 =	vpop (erf);
	(erf) = vrcp.f32 v4  }
0x87: {  	v3 =	vld [tilespmem:s6+$0x3680];
	v2 =	vshll.u32 v2, $0x3  }
0x88: {  	v5 =	vadd.s32 v5, v2;
	v2 =	vld [tilespmem:s6+$0x7680];
	_ =	sdelay $0x1  }
0x89: {  	s30 =	simm.s32 $0xC0;
	[tilespmem:s5+$0x9680] =	vst v5;
	v4 =	vmul.f32 v7, v6  }
.LBB2_6:
0x8a: {  	s31 =	sshra.s32 s30, $0x2;
	p0 =	sne.s32 s30, $0x1F00;
	s30 =	sadd.s32 $0x40, s30;
	v5 =	vmax.f32 v1, $9.999999960e-13;
	v6 =	vld [tilespmem:s5+$0x1680]  }
.Ltmp2:
0x8b: {  	v1 =	vld [tilespmem:s31+$0xA680];
	v7 =	vshll.u32 v3, $0x3;
	(erf) = vrcp.f32 v5;
	[tilespmem:s29+$0xB680] =	vst v4;
	s29 =	smov.u32 s5;
	s5 =	smov.u32 s6;
	(pc) =	sbr.rel @p0 .LBB2_6-.Ltmp2, $4  }
0x8c: {  	s6 =	smov.u32 s31;
	v3 =	vld [tilespmem:s31+$0x3680];
	v5 =	vadd.s32 v2, v7  }
0x8d: {  	v2 =	vld [tilespmem:s6+$0x7680];
	[tilespmem:s5+$0x9680] =	vst v5  }
0x8e: {  	v4 =	vpop (erf)  }
0x8f: {  	v4 =	vmul.f32 v4, v6  }
0x90: {  	v1 =	vmax.f32 v1, $9.999999960e-13  }
0x91: {  	(erf) = vrcp.f32 v1;
	_ =	sdelay $0x2  }
0x92: {  	v3 =	vshll.u32 v3, $0x3  }
0x93: {  	v1 =	vld [tilespmem:s5+$0x1680];
	[tilespmem:s29+$0xB680] =	vst v4;
	v2 =	vadd.s32 v2, v3  }
0x94: {  	[tilespmem:s6+$0x9680] =	vst v2;
	v2 =	vld [tilespmem:s6+$0x1680];
	_ =	sdelay $0x2  }
0x95: {  	v3 =	vpop (erf)  }
0x96: {  	v1 =	vmul.f32 v3, v1;
	v3 =	vpop (erf)  }
0x97: {  	v2 =	vmul.f32 v3, v2  }
0x98: {  	[tilespmem:s5+$0xB680] =	vst v1  }
0x99: {  	[tilespmem:s6+$0xB680] =	vst v2  }
0x9a: {  	[spmem:s20] =	stream.indirect.scatter.add.f32 [tilespmem:s19], [sflag:$0x7], $0x1, s17, s11, $0xb8;
	[tilespmem:$0xDF80] =	vst v63  }
0x9b: {  	_ =	swait.ge [sflag:s0], $0x7D0  }
0x9c: {  	s29 =	simm.s32 $0x2E80;
	[sflag:s0] =	ssyncset.done $0x0  }
0x9d: {  	s5 =	simm.s32 $0x0;
	s31 =	rddreg [dreg:$0x11];
	[sflag:s0] =	ssyncadd.s32 $0xFFFFF830  }
0x9e: {  	[tilespmem:s29], [sflag:$0x4] =	stream.linear.gather [hbm4b:s31+s5], $0x7D0, $0x38;
	[tilespmem:$0xDF80] =	vst v63  }
0x9f: {  	s31 =	rddreg [dreg:$0x12];
	s29 =	simm.s32 $0x4E80  }
0xa0: {  	[tilespmem:s29], [sflag:$0x4] =	stream.linear.gather [hbm4b:s31+s5], $0x7D0, $0x38;
	[tilespmem:$0xDF80] =	vst v63  }
0xa1: {  	s31 =	rddreg [dreg:$0x13]  }
0xa2: {  	[tilespmem:s21], [sflag:$0x4] =	stream.linear.gather [hbm4b:s31+s5], $0x7D0, $0x38;
	[tilespmem:$0xDF80] =	vst v63  }
0xa3: {  	s29 =	simm.s32 $0x8E80;
	s31 =	rddreg [dreg:$0x14]  }
0xa4: {  	[tilespmem:s29], [sflag:$0x4] =	stream.linear.gather [hbm4b:s31+s5], $0x7D0, $0x38;
	[tilespmem:$0xDF80] =	vst v63  }
0xa5: {  	_ =	swait.ge [sflag:s23], $0x7D0  }
0xa6: {  	[sflag:s23] =	ssyncset.done $0x0  }
0xa7: {  	[sflag:s23] =	ssyncadd.s32 $0xFFFFF830  }
0xa8: {  	_ =	swait.ge [sflag:s23], $0x7D0  }
0xa9: {  	[sflag:s23] =	ssyncset.done $0x0  }
0xaa: {  	[sflag:s23] =	ssyncadd.s32 $0xFFFFF830  }
0xab: {  	_ =	swait.ge [sflag:s23], $0x7D0  }
0xac: {  	[sflag:s23] =	ssyncset.done $0x0  }
0xad: {  	[sflag:s23] =	ssyncadd.s32 $0xFFFFF830  }
0xae: {  	_ =	swait.ge [sflag:s23], $0x7D0  }
0xaf: {  	[sflag:s23] =	ssyncset.done $0x0  }
0xb0: {  	[sflag:s23] =	ssyncadd.s32 $0xFFFFF830  }
0xb1: {  	[tilespmem:s12], [sflag:$0x5] =	stream.indirect.gather [spmem:s22], $0x1, s13, s11, $0xb8;
	[tilespmem:$0xDF80] =	vst v63  }
0xb2: {  	_ =	swait.ge [sflag:s24], $0x7D0  }
0xb3: {  	[sflag:s24] =	ssyncset.done $0x0  }
0xb4: {  	s29 =	simm.s32 $0x0;
	[sflag:s24] =	ssyncadd.s32 $0xFFFFF830  }
0xb5: {  	v1 =	vld [tilespmem:s29+$0xAE80];
	_ =	sdelay $0x4  }
0xb6: {  	v1 =	vmax.f32 v1, $9.999999960e-13  }
0xb7: {  	v2 =	vld [tilespmem:s29+$0x3E80];
	(erf) = vrcp.f32 v1;
	_ =	sdelay $0x1  }
0xb8: {  	s5 =	simm.s32 $0x10;
	v3 =	vld [tilespmem:s29+$0x7E80]  }
0xb9: {  	v4 =	vld [tilespmem:s5+$0xAE80];
	_ =	sdelay $0x1  }
0xba: {  	v1 =	vshll.u32 v2, $0x3;
	v2 =	vld [tilespmem:s5+$0x3E80]  }
0xbb: {  	v5 =	vld [tilespmem:s5+$0x7E80]  }
0xbc: {  	v1 =	vadd.s32 v3, v1  }
0xbd: {  	s6 =	simm.s32 $0x20;
	v6 =	vld [tilespmem:s29+$0x1E80];
	v4 =	vmax.f32 v4, $9.999999960e-13;
	[tilespmem:s29+$0x9E80] =	vst v1  }
0xbe: {  	v1 =	vld [tilespmem:s6+$0xAE80];
	v7 =	vpop (erf);
	(erf) = vrcp.f32 v4  }
0xbf: {  	v3 =	vld [tilespmem:s6+$0x3E80];
	v2 =	vshll.u32 v2, $0x3  }
0xc0: {  	v5 =	vadd.s32 v5, v2;
	v2 =	vld [tilespmem:s6+$0x7E80];
	_ =	sdelay $0x1  }
0xc1: {  	s30 =	simm.s32 $0xC0;
	[tilespmem:s5+$0x9E80] =	vst v5;
	v4 =	vmul.f32 v7, v6  }
.LBB2_8:
0xc2: {  	s31 =	sshra.s32 s30, $0x2;
	p0 =	sne.s32 s30, $0x1F00;
	s30 =	sadd.s32 $0x40, s30;
	v5 =	vmax.f32 v1, $9.999999960e-13;
	v6 =	vld [tilespmem:s5+$0x1E80]  }
.Ltmp3:
0xc3: {  	v1 =	vld [tilespmem:s31+$0xAE80];
	v7 =	vshll.u32 v3, $0x3;
	(erf) = vrcp.f32 v5;
	[tilespmem:s29+$0xBE80] =	vst v4;
	s29 =	smov.u32 s5;
	s5 =	smov.u32 s6;
	(pc) =	sbr.rel @p0 .LBB2_8-.Ltmp3, $4  }
0xc4: {  	s6 =	smov.u32 s31;
	v3 =	vld [tilespmem:s31+$0x3E80];
	v5 =	vadd.s32 v2, v7  }
0xc5: {  	v2 =	vld [tilespmem:s6+$0x7E80];
	[tilespmem:s5+$0x9E80] =	vst v5  }
0xc6: {  	v4 =	vpop (erf)  }
0xc7: {  	v4 =	vmul.f32 v4, v6  }
0xc8: {  	v1 =	vmax.f32 v1, $9.999999960e-13  }
0xc9: {  	(erf) = vrcp.f32 v1;
	_ =	sdelay $0x2  }
0xca: {  	v3 =	vshll.u32 v3, $0x3  }
0xcb: {  	v1 =	vld [tilespmem:s5+$0x1E80];
	[tilespmem:s29+$0xBE80] =	vst v4;
	v2 =	vadd.s32 v2, v3  }
0xcc: {  	[tilespmem:s6+$0x9E80] =	vst v2;
	v2 =	vld [tilespmem:s6+$0x1E80];
	_ =	sdelay $0x2  }
0xcd: {  	v3 =	vpop (erf)  }
0xce: {  	v1 =	vmul.f32 v3, v1;
	v3 =	vpop (erf)  }
0xcf: {  	v2 =	vmul.f32 v3, v2  }
0xd0: {  	[tilespmem:s5+$0xBE80] =	vst v1  }
0xd1: {  	[tilespmem:s6+$0xBE80] =	vst v2  }
0xd2: {  	[spmem:s20] =	stream.indirect.scatter.add.f32 [tilespmem:s26], [sflag:$0x7], $0x1, s4, s11, $0xb8;
	[tilespmem:$0xDF80] =	vst v63  }
0xd3: {  	_ =	swait.ge [sflag:s0], $0x7D0  }
0xd4: {  	s29 =	simm.s32 $0x1680;
	[sflag:s0] =	ssyncset.done $0x0  }
0xd5: {  	s5 =	simm.s32 $0x0;
	s31 =	rddreg [dreg:$0x15];
	[sflag:s0] =	ssyncadd.s32 $0xFFFFF830  }
0xd6: {  	[tilespmem:s29], [sflag:$0x1] =	stream.linear.gather [hbm4b:s31+s5], $0x7D0, $0x38;
	[tilespmem:$0xDF80] =	vst v63  }
0xd7: {  	s31 =	rddreg [dreg:$0x16];
	s29 =	simm.s32 $0x3680  }
0xd8: {  	[tilespmem:s29], [sflag:$0x1] =	stream.linear.gather [hbm4b:s31+s5], $0x7D0, $0x38;
	[tilespmem:$0xDF80] =	vst v63  }
0xd9: {  	s31 =	rddreg [dreg:$0x17]  }
0xda: {  	[tilespmem:s7], [sflag:$0x1] =	stream.linear.gather [hbm4b:s31+s5], $0x7D0, $0x38;
	[tilespmem:$0xDF80] =	vst v63  }
0xdb: {  	s31 =	rddreg [dreg:$0x18]  }
0xdc: {  	[tilespmem:s8], [sflag:$0x1] =	stream.linear.gather [hbm4b:s31+s5], $0x7D0, $0x38;
	[tilespmem:$0xDF80] =	vst v63  }
0xdd: {  	_ =	swait.ge [sflag:s28], $0x7D0  }
0xde: {  	[sflag:s28] =	ssyncset.done $0x0  }
0xdf: {  	[sflag:s28] =	ssyncadd.s32 $0xFFFFF830  }
0xe0: {  	_ =	swait.ge [sflag:s28], $0x7D0  }
0xe1: {  	[sflag:s28] =	ssyncset.done $0x0  }
0xe2: {  	[sflag:s28] =	ssyncadd.s32 $0xFFFFF830  }
0xe3: {  	_ =	swait.ge [sflag:s28], $0x7D0  }
0xe4: {  	[sflag:s28] =	ssyncset.done $0x0  }
0xe5: {  	[sflag:s28] =	ssyncadd.s32 $0xFFFFF830  }
0xe6: {  	_ =	swait.ge [sflag:s28], $0x7D0  }
0xe7: {  	[sflag:s28] =	ssyncset.done $0x0  }
0xe8: {  	[sflag:s28] =	ssyncadd.s32 $0xFFFFF830  }
0xe9: {  	[tilespmem:s15], [sflag:$0x6] =	stream.indirect.gather [spmem:s22], $0x1, s21, s11, $0xb8;
	[tilespmem:$0xDF80] =	vst v63  }
0xea: {  	_ =	swait.ge [sflag:s16], $0x7D0  }
0xeb: {  	[sflag:s16] =	ssyncset.done $0x0  }
0xec: {  	s29 =	simm.s32 $0x0;
	[sflag:s16] =	ssyncadd.s32 $0xFFFFF830  }
0xed: {  	v1 =	vld [tilespmem:s29+$0xA680];
	_ =	sdelay $0x4  }
0xee: {  	v1 =	vmax.f32 v1, $9.999999960e-13  }
0xef: {  	v2 =	vld [tilespmem:s29+$0x4680];
	(erf) = vrcp.f32 v1;
	_ =	sdelay $0x1  }
0xf0: {  	s5 =	simm.s32 $0x10;
	v3 =	vld [tilespmem:s29+$0x8680]  }
0xf1: {  	v4 =	vld [tilespmem:s5+$0xA680];
	_ =	sdelay $0x1  }
0xf2: {  	v1 =	vshll.u32 v2, $0x3;
	v2 =	vld [tilespmem:s5+$0x4680]  }
0xf3: {  	v5 =	vld [tilespmem:s5+$0x8680]  }
0xf4: {  	v1 =	vadd.s32 v3, v1  }
0xf5: {  	s6 =	simm.s32 $0x20;
	v6 =	vld [tilespmem:s29+$0x2680];
	v4 =	vmax.f32 v4, $9.999999960e-13;
	[tilespmem:s29+$0x9680] =	vst v1  }
0xf6: {  	v1 =	vld [tilespmem:s6+$0xA680];
	v7 =	vpop (erf);
	(erf) = vrcp.f32 v4  }
0xf7: {  	v3 =	vld [tilespmem:s6+$0x4680];
	v2 =	vshll.u32 v2, $0x3  }
0xf8: {  	v5 =	vadd.s32 v5, v2;
	v2 =	vld [tilespmem:s6+$0x8680];
	_ =	sdelay $0x1  }
0xf9: {  	s30 =	simm.s32 $0xC0;
	[tilespmem:s5+$0x9680] =	vst v5;
	v4 =	vmul.f32 v7, v6  }
.LBB2_10:
0xfa: {  	s31 =	sshra.s32 s30, $0x2;
	p0 =	sne.s32 s30, $0x1F00;
	s30 =	sadd.s32 $0x40, s30;
	v5 =	vmax.f32 v1, $9.999999960e-13;
	v6 =	vld [tilespmem:s5+$0x2680]  }
.Ltmp4:
0xfb: {  	v1 =	vld [tilespmem:s31+$0xA680];
	v7 =	vshll.u32 v3, $0x3;
	(erf) = vrcp.f32 v5;
	[tilespmem:s29+$0xB680] =	vst v4;
	s29 =	smov.u32 s5;
	s5 =	smov.u32 s6;
	(pc) =	sbr.rel @p0 .LBB2_10-.Ltmp4, $4  }
0xfc: {  	s6 =	smov.u32 s31;
	v3 =	vld [tilespmem:s31+$0x4680];
	v5 =	vadd.s32 v2, v7  }
0xfd: {  	v2 =	vld [tilespmem:s6+$0x8680];
	[tilespmem:s5+$0x9680] =	vst v5  }
0xfe: {  	v4 =	vpop (erf)  }
0xff: {  	v4 =	vmul.f32 v4, v6  }
0x100: {  	v1 =	vmax.f32 v1, $9.999999960e-13  }
0x101: {  	(erf) = vrcp.f32 v1;
	_ =	sdelay $0x2  }
0x102: {  	v3 =	vshll.u32 v3, $0x3  }
0x103: {  	v1 =	vld [tilespmem:s5+$0x2680];
	[tilespmem:s29+$0xB680] =	vst v4;
	v2 =	vadd.s32 v2, v3  }
0x104: {  	[tilespmem:s6+$0x9680] =	vst v2;
	v2 =	vld [tilespmem:s6+$0x2680];
	_ =	sdelay $0x2  }
0x105: {  	v3 =	vpop (erf)  }
0x106: {  	v1 =	vmul.f32 v3, v1;
	v3 =	vpop (erf)  }
0x107: {  	v2 =	vmul.f32 v3, v2  }
0x108: {  	[tilespmem:s5+$0xB680] =	vst v1  }
0x109: {  	[tilespmem:s6+$0xB680] =	vst v2  }
0x10a: {  	[spmem:s20] =	stream.indirect.scatter.add.f32 [tilespmem:s19], [sflag:$0x7], $0x1, s17, s11, $0xb8;
	[tilespmem:$0xDF80] =	vst v63  }
0x10b: {  	_ =	swait.ge [sflag:s0], $0x7D0  }
0x10c: {  	[sflag:s0] =	ssyncset.done $0x0  }
0x10d: {  	[sflag:s0] =	ssyncadd.s32 $0xFFFFF830  }
0x10e: {  	_ =	swait.ge [sflag:s10], $0x7D0  }
0x10f: {  	[sflag:s10] =	ssyncset.done $0x0  }
0x110: {  	[sflag:s10] =	ssyncadd.s32 $0xFFFFF830  }
0x111: {  	_ =	swait.ge [sflag:s10], $0x7D0  }
0x112: {  	[sflag:s10] =	ssyncset.done $0x0  }
0x113: {  	[sflag:s10] =	ssyncadd.s32 $0xFFFFF830  }
0x114: {  	_ =	swait.ge [sflag:s10], $0x7D0  }
0x115: {  	[sflag:s10] =	ssyncset.done $0x0  }
0x116: {  	[sflag:s10] =	ssyncadd.s32 $0xFFFFF830  }
0x117: {  	_ =	swait.ge [sflag:s10], $0x7D0  }
0x118: {  	[sflag:s10] =	ssyncset.done $0x0  }
0x119: {  	[sflag:s10] =	ssyncadd.s32 $0xFFFFF830  }
0x11a: {  	[tilespmem:s12], [sflag:$0x5] =	stream.indirect.gather [spmem:s22], $0x1, s7, s11, $0xb8;
	[tilespmem:$0xDF80] =	vst v63  }
0x11b: {  	_ =	swait.ge [sflag:s24], $0x7D0  }
0x11c: {  	[sflag:s24] =	ssyncset.done $0x0  }
0x11d: {  	s29 =	simm.s32 $0x0;
	[sflag:s24] =	ssyncadd.s32 $0xFFFFF830  }
0x11e: {  	v1 =	vld [tilespmem:s29+$0xAE80];
	_ =	sdelay $0x4  }
0x11f: {  	v1 =	vmax.f32 v1, $9.999999960e-13  }
0x120: {  	v2 =	vld [tilespmem:s29+$0x4E80];
	(erf) = vrcp.f32 v1;
	_ =	sdelay $0x1  }
0x121: {  	s5 =	simm.s32 $0x10;
	v3 =	vld [tilespmem:s29+$0x8E80]  }
0x122: {  	v4 =	vld [tilespmem:s5+$0xAE80];
	_ =	sdelay $0x1  }
0x123: {  	v1 =	vshll.u32 v2, $0x3;
	v2 =	vld [tilespmem:s5+$0x4E80]  }
0x124: {  	v5 =	vld [tilespmem:s5+$0x8E80]  }
0x125: {  	v1 =	vadd.s32 v3, v1  }
0x126: {  	s6 =	simm.s32 $0x20;
	v6 =	vld [tilespmem:s29+$0x2E80];
	v4 =	vmax.f32 v4, $9.999999960e-13;
	[tilespmem:s29+$0x9E80] =	vst v1  }
0x127: {  	v1 =	vld [tilespmem:s6+$0xAE80];
	v7 =	vpop (erf);
	(erf) = vrcp.f32 v4  }
0x128: {  	v3 =	vld [tilespmem:s6+$0x4E80];
	v2 =	vshll.u32 v2, $0x3  }
0x129: {  	v5 =	vadd.s32 v5, v2;
	v2 =	vld [tilespmem:s6+$0x8E80];
	_ =	sdelay $0x1  }
0x12a: {  	s30 =	simm.s32 $0xC0;
	[tilespmem:s5+$0x9E80] =	vst v5;
	v4 =	vmul.f32 v7, v6  }
.LBB2_12:
0x12b: {  	s31 =	sshra.s32 s30, $0x2;
	p0 =	sne.s32 s30, $0x1F00;
	s30 =	sadd.s32 $0x40, s30;
	v5 =	vmax.f32 v1, $9.999999960e-13;
	v6 =	vld [tilespmem:s5+$0x2E80]  }
.Ltmp5:
0x12c: {  	v1 =	vld [tilespmem:s31+$0xAE80];
	v7 =	vshll.u32 v3, $0x3;
	(erf) = vrcp.f32 v5;
	[tilespmem:s29+$0xBE80] =	vst v4;
	s29 =	smov.u32 s5;
	s5 =	smov.u32 s6;
	(pc) =	sbr.rel @p0 .LBB2_12-.Ltmp5, $4  }
0x12d: {  	s6 =	smov.u32 s31;
	v3 =	vld [tilespmem:s31+$0x4E80];
	v5 =	vadd.s32 v2, v7  }
0x12e: {  	v2 =	vld [tilespmem:s6+$0x8E80];
	[tilespmem:s5+$0x9E80] =	vst v5  }
0x12f: {  	v4 =	vpop (erf)  }
0x130: {  	v4 =	vmul.f32 v4, v6  }
0x131: {  	v1 =	vmax.f32 v1, $9.999999960e-13  }
0x132: {  	(erf) = vrcp.f32 v1;
	_ =	sdelay $0x2  }
0x133: {  	v3 =	vshll.u32 v3, $0x3  }
0x134: {  	v1 =	vld [tilespmem:s5+$0x2E80];
	[tilespmem:s29+$0xBE80] =	vst v4;
	v2 =	vadd.s32 v2, v3  }
0x135: {  	[tilespmem:s6+$0x9E80] =	vst v2;
	v2 =	vld [tilespmem:s6+$0x2E80];
	_ =	sdelay $0x2  }
0x136: {  	v3 =	vpop (erf)  }
0x137: {  	v1 =	vmul.f32 v3, v1;
	v3 =	vpop (erf)  }
0x138: {  	v2 =	vmul.f32 v3, v2  }
0x139: {  	[tilespmem:s5+$0xBE80] =	vst v1  }
0x13a: {  	[tilespmem:s6+$0xBE80] =	vst v2  }
0x13b: {  	[spmem:s20] =	stream.indirect.scatter.add.f32 [tilespmem:s26], [sflag:$0x7], $0x1, s4, s11, $0xb8;
	[tilespmem:$0xDF80] =	vst v63  }
0x13c: {  	_ =	swait.ge [sflag:s0], $0x7D0  }
0x13d: {  	[sflag:s0] =	ssyncset.done $0x0  }
0x13e: {  	[sflag:s0] =	ssyncadd.s32 $0xFFFFF830  }
0x13f: {  	_ =	swait.ge [sflag:s16], $0x7D0  }
0x140: {  	[sflag:s16] =	ssyncset.done $0x0  }
0x141: {  	s29 =	simm.s32 $0x0;
	[sflag:s16] =	ssyncadd.s32 $0xFFFFF830  }
0x142: {  	v1 =	vld [tilespmem:s29+$0xA680];
	_ =	sdelay $0x4  }
0x143: {  	v1 =	vmax.f32 v1, $9.999999960e-13  }
0x144: {  	v2 =	vld [tilespmem:s29+$0x3680];
	(erf) = vrcp.f32 v1;
	_ =	sdelay $0x1  }
0x145: {  	s5 =	simm.s32 $0x10;
	v3 =	vld [tilespmem:s29+$0x7680]  }
0x146: {  	v4 =	vld [tilespmem:s5+$0xA680];
	_ =	sdelay $0x1  }
0x147: {  	v1 =	vshll.u32 v2, $0x3;
	v2 =	vld [tilespmem:s5+$0x3680]  }
0x148: {  	v5 =	vld [tilespmem:s5+$0x7680]  }
0x149: {  	v1 =	vadd.s32 v3, v1  }
0x14a: {  	s6 =	simm.s32 $0x20;
	v6 =	vld [tilespmem:s29+$0x1680];
	v4 =	vmax.f32 v4, $9.999999960e-13;
	[tilespmem:s29+$0x9680] =	vst v1  }
0x14b: {  	v1 =	vld [tilespmem:s6+$0xA680];
	v7 =	vpop (erf);
	(erf) = vrcp.f32 v4  }
0x14c: {  	v3 =	vld [tilespmem:s6+$0x3680];
	v2 =	vshll.u32 v2, $0x3  }
0x14d: {  	v5 =	vadd.s32 v5, v2;
	v2 =	vld [tilespmem:s6+$0x7680];
	_ =	sdelay $0x1  }
0x14e: {  	s30 =	simm.s32 $0xC0;
	[tilespmem:s5+$0x9680] =	vst v5;
	v4 =	vmul.f32 v7, v6  }
.LBB2_14:
0x14f: {  	s31 =	sshra.s32 s30, $0x2;
	p0 =	sne.s32 s30, $0x1F00;
	s30 =	sadd.s32 $0x40, s30;
	v5 =	vmax.f32 v1, $9.999999960e-13;
	v6 =	vld [tilespmem:s5+$0x1680]  }
.Ltmp6:
0x150: {  	v1 =	vld [tilespmem:s31+$0xA680];
	v7 =	vshll.u32 v3, $0x3;
	(erf) = vrcp.f32 v5;
	[tilespmem:s29+$0xB680] =	vst v4;
	s29 =	smov.u32 s5;
	s5 =	smov.u32 s6;
	(pc) =	sbr.rel @p0 .LBB2_14-.Ltmp6, $4  }
0x151: {  	s6 =	smov.u32 s31;
	v3 =	vld [tilespmem:s31+$0x3680];
	v5 =	vadd.s32 v2, v7  }
0x152: {  	v2 =	vld [tilespmem:s6+$0x7680];
	[tilespmem:s5+$0x9680] =	vst v5  }
0x153: {  	v4 =	vpop (erf)  }
0x154: {  	v4 =	vmul.f32 v4, v6  }
0x155: {  	v1 =	vmax.f32 v1, $9.999999960e-13  }
0x156: {  	(erf) = vrcp.f32 v1;
	_ =	sdelay $0x2  }
0x157: {  	v3 =	vshll.u32 v3, $0x3  }
0x158: {  	v1 =	vld [tilespmem:s5+$0x1680];
	[tilespmem:s29+$0xB680] =	vst v4;
	v2 =	vadd.s32 v2, v3  }
0x159: {  	[tilespmem:s6+$0x9680] =	vst v2;
	v2 =	vld [tilespmem:s6+$0x1680];
	_ =	sdelay $0x2  }
0x15a: {  	v3 =	vpop (erf)  }
0x15b: {  	v1 =	vmul.f32 v3, v1;
	v3 =	vpop (erf)  }
0x15c: {  	v2 =	vmul.f32 v3, v2  }
0x15d: {  	[tilespmem:s5+$0xB680] =	vst v1  }
0x15e: {  	[tilespmem:s6+$0xB680] =	vst v2  }
0x15f: {  	[spmem:s20] =	stream.indirect.scatter.add.f32 [tilespmem:s19], [sflag:$0x7], $0x1, s17, s11, $0xb8;
	[tilespmem:$0xDF80] =	vst v63  }
0x160: {  	_ =	swait.ge [sflag:s0], $0x7D0  }
0x161: {  	[sflag:s0] =	ssyncset.done $0x0  }
0x162: {  	[sflag:s0] =	ssyncadd.s32 $0xFFFFF830  }
0x163: {  	[bflag:$0x0] =	sbarrier.arrive $0xFFFF  }
0x164: {  	[tilespmem:s18], [sflag:$0x7] =	stream.linear.gather [spmem:s25], $0x1400, $0x38;
	[tilespmem:$0xDF80] =	vst v63  }
0x165: {  	_ =	swait.ge [sflag:s0], $0x1400  }
0x166: {  	[sflag:s0] =	ssyncset.done $0x0  }
0x167: {  	s29 =	rddreg [dreg:$0x1c];
	[sflag:s0] =	ssyncadd.s32 $0xFFFFEC00  }
0x168: {  	[hbm4b:s29+s2] =	stream.strided.scatter [tilespmem:s18], [sflag:$0x7], $0x1400, s3, s2, $0x38;
	[tilespmem:$0xDF80] =	vst v63  }
0x169: {  	_ =	swait.ge [sflag:s0], $0x1400  }
0x16a: {  	s1 =	sadd.s32 $0x1, s1;
	s31 =	rddreg [dreg:$0x1d]  }
0x16b: {  	p0 =	sne.s32 s1, s31  }
.Ltmp7:
0x16c: {  	_ = 	snop;
	(pc) =	sbr.rel @p0 .LBB2_1-.Ltmp7, $3  }
0x16d: {  	_ =	sdelay $0x1  }
0x16e: {  	[sflag:s0] =	ssyncset.done $0x0  }
0x16f: {  	s30 =	simm.s32 $0xC680;
	[sflag:s0] =	ssyncadd.s32 $0xFFFFEC00  }
0x170: {  	_ =	sfence.sel $0x180000  }
0x171: {  	[bflag:$0x0] =	sbarrier.arrive $0xFFFF  }
0x172: {  	_ =	strace $0x9000004A  }
0x173: {  	s0 =	stileid.u32;
	[bflag:$0x2] =	sbarrier.arrive $0xFFFF  }
0x174: {  	p0 =	sne.s32 s0, $0x0;
	s0 =	rddreg [dreg:$0x4]  }
0x175: {  	s0 =	sadd.s32 @!p0 $0x100000, s0  }
0x176: {  	[sflag:s0] =	ssyncadd.tile.s32 @!p0 $0x1;
	_ =	shalt  }
.Lfunc_end2:
_tile_overlayer_lowered:
.L_overlay_start_2:
0x177: {  	(tag) =	ssettag $0x2  }
0x178: {  	s0 =	rddreg [dreg:$0x0];
	s2 =	stileid.u32  }
0x179: {  	s1 =	rddreg [dreg:$0x1];
	p0 =	sne.s32 s2, $0x0  }
0x17a: {  	s3 =	rddreg [dreg:$0x2];
	[bflag:$0x3] =	sbarrier.arrive $0xFFFF;
	s2 =	simm.s32 @!p0 $0x1C07  }
0x17b: {  	[timem:s3], [sflag:s2] =	dma.local @!p0 [hbm:s0], s1  }
0x17c: {  	s0 =	simm.s32 @!p0 $0x7  }
0x17d: {  	_ =	swait.ge @!p0 [sflag:s0], s1  }
0x17e: {  	s1 =	ssub.s32 @!p0 $0x0, s1;
	[sflag:s0] =	ssyncset.done @!p0 $0x0  }
0x17f: {  	[sflag:s0] =	ssyncadd.s32 @!p0 s1  }
0x180: {  	[bflag:$0x3] =	sbarrier.arrive $0xFFFF  }
0x181: {  	_ =	shalt  }

</sc_bundles>
